<compile_context>
chip_gen: v7x
topology: tpu7x:2x2x1
jax: 0.10.2.dev20260603
libtpu: 0.0.44.dev20260713+nightly
codegen_flags: <defaults>
</compile_context>

<pallas_src>
import functools

import jax
import jax.numpy as jnp
from jax import lax
from jax.experimental import pallas as pl
from jax.experimental.pallas import tpu as pltpu
from jax.experimental.pallas import tpu_sc as plsc

EPS = 1e-5

NUM_SC = 2
NUM_SUBCORES = 16
NUM_WORKERS = NUM_SC * NUM_SUBCORES
LANES = 16

CHUNK = 80
K = 2


def _cst_send_body(x_ref, w1_ref, b1_ref, w2_ref, g1_ref, be1_ref, o_ref):
    x = x_ref[...]
    h = lax.dot_general(x, w1_ref[...], (((1,), (1,)), ((), ())),
                        preferred_element_type=jnp.float32)
    h = jnp.maximum(h + b1_ref[...], 0.0)
    m = lax.dot_general(h, w2_ref[...], (((1,), (1,)), ((), ())),
                        preferred_element_type=jnp.float32)
    mu = jnp.mean(m, axis=-1, keepdims=True)
    v = jnp.mean((m - mu) ** 2, axis=-1, keepdims=True)
    o_ref[...] = (m - mu) / jnp.sqrt(v + EPS) * g1_ref[...] + be1_ref[...]


def _cst_send(r_cst, W1, b1, W2, g1, be1, *, block_rows=2000):
    nc, h = r_cst.shape
    h4 = W2.shape[0]
    grid = nc // block_rows
    return pl.pallas_call(
        _cst_send_body,
        grid=(grid,),
        in_specs=[
            pl.BlockSpec((block_rows, h), lambda i: (i, 0)),
            pl.BlockSpec((h, h), lambda i: (0, 0)),
            pl.BlockSpec((1, h), lambda i: (0, 0)),
            pl.BlockSpec((h4, h), lambda i: (0, 0)),
            pl.BlockSpec((1, h4), lambda i: (0, 0)),
            pl.BlockSpec((1, h4), lambda i: (0, 0)),
        ],
        out_specs=pl.BlockSpec((block_rows, h4), lambda i: (i, 0)),
        out_shape=jax.ShapeDtypeStruct((nc, h4), jnp.float32),
    )(r_cst, W1, b1.reshape(1, h), W2, g1.reshape(1, h4), be1.reshape(1, h4))


def _edge_agg(m_cst, ce_flat, le, pe, nvp):
    h = m_cst.shape[1]
    e = le.shape[0]
    ept = e // NUM_WORKERS
    rows = ept // CHUNK
    rows_per_tile = nvp // NUM_SUBCORES
    zrep = rows_per_tile // CHUNK
    mesh = plsc.VectorSubcoreMesh(
        core_axis_name="c", subcore_axis_name="s",
        num_cores=NUM_SC, num_subcores=NUM_SUBCORES)

    IB = 2 * K

    @functools.partial(
        pl.kernel,
        out_type=jax.ShapeDtypeStruct((NUM_SC, nvp, h), jnp.float32),
        mesh=mesh,
        scratch_types=[
            [pltpu.VMEM((4, CHUNK), jnp.int32) for _ in range(IB)],
            [pltpu.VMEM((CHUNK, h), jnp.float32) for _ in range(K)],
            pltpu.VMEM_SHARED((nvp, h), jnp.float32),
            [pltpu.SemaphoreType.DMA for _ in range(K)],
            [pltpu.SemaphoreType.DMA for _ in range(IB)],
        ],
    )
    def edge_kernel(m_ref, ce_ref, le_ref, pe_ref, out_ref,
                    ibuf, msg, acc_ref, gsem, isem):
        c = lax.axis_index("c")
        s = lax.axis_index("s")
        wid = c * NUM_SUBCORES + s
        r0 = s * rows_per_tile
        base = wid * ept

        def idx_srcs(r):
            off = base + r * CHUNK
            return [ce_ref.at[pl.ds(off, CHUNK)],
                    le_ref.at[pl.ds(off, CHUNK)],
                    pe_ref.at[pl.ds(off, CHUNK)],
                    ce_ref.at[pl.ds(e + off, CHUNK)]]

        def issue_idx(r, v):
            for d, src in enumerate(idx_srcs(r)):
                pltpu.async_copy(src, ibuf[v].at[d], isem[v])

        def wait_idx(r, v):
            for d, src in enumerate(idx_srcs(r)):
                pltpu.make_async_copy(src, ibuf[v].at[d], isem[v]).wait()

        for r in range(min(IB, rows)):
            issue_idx(r, r)

        def zbody(t, carry):
            msg[0][t // (h // LANES),
                   pl.ds((t % (h // LANES)) * LANES, LANES)] = jnp.zeros(
                (LANES,), jnp.float32)
            return carry
        lax.fori_loop(0, CHUNK * h // LANES, zbody, 0)
        for z in range(zrep):
            pltpu.sync_copy(msg[0], acc_ref.at[pl.ds(r0 + z * CHUNK, CHUNK)])
        plsc.subcore_barrier()

        def oidx_and_gather(v, b):
            for cc in range(CHUNK // LANES):
                sl = pl.ds(cc * LANES, LANES)
                ibuf[v][0, sl] = (ibuf[v][0, sl] * 4 + ibuf[v][1, sl] * 2
                                  + ibuf[v][2, sl])
            return pltpu.async_copy(m_ref.at[ibuf[v].at[0]], msg[b], gsem[b])

        for b in range(min(K, rows)):
            wait_idx(b, b)
            oidx_and_gather(b, b)

        def ring_step(i, v):
            b = v % K
            pltpu.make_async_copy(m_ref.at[ibuf[v].at[0]], msg[b],
                                  gsem[b]).wait()
            pltpu.sync_copy(msg[b], acc_ref.at[ibuf[v].at[3]], add=True)

            @pl.when(i + IB < rows)
            def _():
                issue_idx(i + IB, v)

            @pl.when(i + K < rows)
            def _():
                w = (v + K) % IB
                wait_idx(i + K, w)
                oidx_and_gather(w, b)

        def rbody(i, carry):
            for v in range(IB):
                @pl.when(i % IB == v)
                def _():
                    ring_step(i, v)
            return carry

        lax.fori_loop(0, rows, rbody, 0)

        plsc.subcore_barrier()
        pltpu.sync_copy(acc_ref.at[pl.ds(r0, rows_per_tile)],
                        out_ref.at[c, pl.ds(r0, rows_per_tile)])

    return edge_kernel(m_cst, ce_flat, le, pe)


def _val_rec_body(x_ref, p_ref, w3_ref, b3_ref, w4_ref, g2_ref, be2_ref, o_ref):
    x = x_ref[...]
    z = x + p_ref[0] + p_ref[1]
    u = lax.dot_general(z, w3_ref[...], (((1,), (1,)), ((), ())),
                        preferred_element_type=jnp.float32)
    u = jnp.maximum(u + b3_ref[...], 0.0)
    m = lax.dot_general(u, w4_ref[...], (((1,), (1,)), ((), ())),
                        preferred_element_type=jnp.float32)
    mu = jnp.mean(m, axis=-1, keepdims=True)
    v = jnp.mean((m - mu) ** 2, axis=-1, keepdims=True)
    o_ref[...] = (m - mu) / jnp.sqrt(v + EPS) * g2_ref[...] + be2_ref[...] + x


def _val_rec(x_val, partials, W3, b3, W4, g2, be2, *, block_rows=2000):
    nv, h = x_val.shape
    grid = nv // block_rows
    return pl.pallas_call(
        _val_rec_body,
        grid=(grid,),
        in_specs=[
            pl.BlockSpec((block_rows, h), lambda i: (i, 0)),
            pl.BlockSpec((NUM_SC, block_rows, h), lambda i: (0, i, 0)),
            pl.BlockSpec((h, h), lambda i: (0, 0)),
            pl.BlockSpec((1, h), lambda i: (0, 0)),
            pl.BlockSpec((h, h), lambda i: (0, 0)),
            pl.BlockSpec((1, h), lambda i: (0, 0)),
            pl.BlockSpec((1, h), lambda i: (0, 0)),
        ],
        out_specs=pl.BlockSpec((block_rows, h), lambda i: (i, 0)),
        out_shape=jax.ShapeDtypeStruct((nv, h), jnp.float32),
    )(x_val, partials, W3, b3.reshape(1, h), W4, g2.reshape(1, h), be2.reshape(1, h))


def kernel(x_val, r_cst, cst_edges, LE, PE, num_cst, num_val, W1, b1, W2,
           g1, be1, W3, b3, W4, g2, be2):
    nc, h = r_cst.shape
    nv = x_val.shape[0]
    m_cst = _cst_send(r_cst, W1, b1, W2, g1, be1)
    m_cst = m_cst.reshape(4 * nc, h)
    quantum = CHUNK * NUM_SUBCORES
    nvp = ((nv + quantum - 1) // quantum) * quantum
    partials = _edge_agg(m_cst, cst_edges.reshape(-1), LE, PE, nvp)
    return _val_rec(x_val, partials, W3, b3, W4, g2, be2)

# --- scband reference (transcript-rebuilt; emitter-appended) ---
"""Pipeline reference for scband-cst2-val-layer-38190849196760 (READ-ONLY COPY).

The authoritative reference and input builder live on the scoring server;
editing this copy changes nothing except your own understanding.
"""

import jax, jax.numpy as jnp
import numpy as np

H = 128
NC = 10000
NV = 10000
E = 320000
EPS = 1e-5


def layernorm(x, g, b):
    mu = x.mean(axis=-1, keepdims=True)
    v = ((x - mu) ** 2).mean(axis=-1, keepdims=True)
    return (x - mu) / jnp.sqrt(v + EPS) * g + b


def setup_inputs(seed: int = 0) -> dict:
    key = jax.random.key(seed)
    ks = jax.random.split(key, 16)
    s = 1.0 / np.sqrt(H)
    inp = {}
    inp["x_val"] = jax.random.normal(ks[0], (NV, H), dtype=jnp.float32)
    inp["r_cst"] = jax.random.normal(ks[1], (NC, H), dtype=jnp.float32)
    inp["cst_edges"] = jax.random.randint(ks[2], (2, E), 0, NC, dtype=jnp.int32)
    inp["LE"] = jax.random.randint(ks[3], (E,), 0, 2, dtype=jnp.int32)
    inp["PE"] = jax.random.randint(ks[4], (E,), 0, 2, dtype=jnp.int32)
    inp["num_cst"] = NC
    inp["num_val"] = NV
    # cst_send params: Linear(H,H,bias) -> ReLU -> Linear(H,4H,no bias) -> LayerNorm(4H)
    inp["W1"] = jax.random.uniform(ks[5], (H, H), dtype=jnp.float32, minval=-s, maxval=s)
    inp["b1"] = jax.random.uniform(ks[6], (H,), dtype=jnp.float32, minval=-s, maxval=s)
    inp["W2"] = jax.random.uniform(ks[7], (4 * H, H), dtype=jnp.float32, minval=-s, maxval=s)
    inp["g1"] = jnp.ones((4 * H,), dtype=jnp.float32)
    inp["be1"] = jnp.zeros((4 * H,), dtype=jnp.float32)
    # val_rec params: Linear(H,H,bias) -> ReLU -> Linear(H,H,no bias) -> LayerNorm(H)
    inp["W3"] = jax.random.uniform(ks[8], (H, H), dtype=jnp.float32, minval=-s, maxval=s)
    inp["b3"] = jax.random.uniform(ks[9], (H,), dtype=jnp.float32, minval=-s, maxval=s)
    inp["W4"] = jax.random.uniform(ks[10], (H, H), dtype=jnp.float32, minval=-s, maxval=s)
    inp["g2"] = jnp.ones((H,), dtype=jnp.float32)
    inp["be2"] = jnp.zeros((H,), dtype=jnp.float32)
    return inp


def reference(x_val, r_cst, cst_edges, LE, PE, num_cst, num_val, W1, b1, W2, g1, be1, W3, b3, W4, g2, be2):
    nc = r_cst.shape[0]
    nv = x_val.shape[0]
    # cst_send
    h = jax.nn.relu(r_cst @ W1.T + b1)
    m_cst = layernorm(h @ W2.T, g1, be1)          # [NC, 4H]
    m_cst = m_cst.reshape(4 * nc, H)               # [4*NC, H]
    # aggregate: gather messages by out_idx, scatter-sum into values by in_idx
    out_idx = 4 * cst_edges[0] + 2 * LE + PE + 0 * num_cst  # use_PE=True
    in_idx = cst_edges[1] + 0 * num_val
    msg = jnp.take(m_cst, out_idx, axis=0)         # [E, H]
    r_val = jax.ops.segment_sum(msg, in_idx, num_segments=nv)  # aggr='sum'
    # val_rec + residual
    z = x_val + r_val
    u = jax.nn.relu(z @ W3.T + b3)
    out = layernorm(u @ W4.T, g2, be2) + x_val
    return out

if __name__ == "__main__":
    import jax
    _d = setup_inputs()
    print(jax.jit(kernel)(*tuple(_d.values())))

</pallas_src>

<mosaic_0001>
#map = affine_map<(d0, d1) -> (0, 0)>
#map1 = affine_map<(d0, d1) -> (0)>
#map2 = affine_map<(d0, d1) -> (0, 0, 0)>
module attributes {stable_mosaic.version = 14 : i64} {
  func.func @edge_kernel(%arg0: i32, %arg1: i32, %arg2: memref<40000x128xf32, #tpu.memory_space<hbm>>, %arg3: memref<640000xi32, #tpu.memory_space<hbm>>, %arg4: memref<320000xi32, #tpu.memory_space<hbm>>, %arg5: memref<320000xi32, #tpu.memory_space<hbm>>, %arg6: memref<2x10240x128xf32, #tpu.memory_space<hbm>>, %arg7: memref<4x80xi32, #tpu.memory_space<vmem>>, %arg8: memref<4x80xi32, #tpu.memory_space<vmem>>, %arg9: memref<4x80xi32, #tpu.memory_space<vmem>>, %arg10: memref<4x80xi32, #tpu.memory_space<vmem>>, %arg11: memref<80x128xf32, #tpu.memory_space<vmem>>, %arg12: memref<80x128xf32, #tpu.memory_space<vmem>>, %arg13: memref<10240x128xf32, #tpu.memory_space<vmem_shared>>, %arg14: memref<!tpu.dma_semaphore, #tpu.memory_space<semaphore_mem>>, %arg15: memref<!tpu.dma_semaphore, #tpu.memory_space<semaphore_mem>>, %arg16: memref<!tpu.dma_semaphore, #tpu.memory_space<semaphore_mem>>, %arg17: memref<!tpu.dma_semaphore, #tpu.memory_space<semaphore_mem>>, %arg18: memref<!tpu.dma_semaphore, #tpu.memory_space<semaphore_mem>>, %arg19: memref<!tpu.dma_semaphore, #tpu.memory_space<semaphore_mem>>) attributes {dimension_semantics = [#tpu.dimension_semantics<core_parallel>, #tpu.dimension_semantics<subcore_parallel>], iteration_bounds = array<i64: 2, 16>, scalar_prefetch = 0 : i64, scratch_operands = 13 : i64, tpu.core_type = #tpu.core_type<sc_vector_subcore>, window_params = [{transform_indices = #map}, {transform_indices = #map1}, {transform_indices = #map1}, {transform_indices = #map1}, {transform_indices = #map2}]} {
    %mul3A = arith.constant 16 : i32
    %mul3A_0 = arith.muli %arg0, %mul3A : i32
    %add3A = arith.addi %mul3A_0, %arg1 : i32
    %mul3A_1 = arith.constant 640 : i32
    %mul3A_2 = arith.muli %arg1, %mul3A_1 : i32
    %mul3A_3 = arith.constant 10000 : i32
    %mul3A_4 = arith.muli %add3A, %mul3A_3 : i32
    %add3A_5 = arith.constant 0 : i32
    %add3A_6 = arith.addi %mul3A_4, %add3A_5 : i32
    %add3A_7 = arith.constant 320000 : i32
    %add3A_8 = arith.addi %add3A_7, %add3A_6 : i32
    %dma_start3A = arith.constant 0 : i32
    %dma_start3A_9 = arith.constant 0 : i32
    %dma_start3A_10 = tpu.memref_slice %arg7[%dma_start3A, %dma_start3A_9] : memref<4x80xi32, #tpu.memory_space<vmem>> -> memref<1x80xi32, #tpu.memory_space<vmem>>
    %dma_start3A_11 = tpu.memref_squeeze %dma_start3A_10 : memref<1x80xi32, #tpu.memory_space<vmem>> -> memref<80xi32, #tpu.memory_space<vmem>>
    %dma_start3A_12 = tpu.memref_slice %arg3[%add3A_6] : memref<640000xi32, #tpu.memory_space<hbm>> -> memref<80xi32, #tpu.memory_space<hbm>>
    %dma_start3A_13 = arith.constant 0 : i32
    %dma_start3A_14 = tpu.memref_slice %arg7[%dma_start3A, %dma_start3A_13] : memref<4x80xi32, #tpu.memory_space<vmem>> -> memref<1x80xi32, #tpu.memory_space<vmem>>
    %dma_start3A_15 = tpu.memref_squeeze %dma_start3A_14 : memref<1x80xi32, #tpu.memory_space<vmem>> -> memref<80xi32, #tpu.memory_space<vmem>>
    %dma_start3A_16 = tpu.memref_slice %arg3[%add3A_6] : memref<640000xi32, #tpu.memory_space<hbm>> -> memref<80xi32, #tpu.memory_space<hbm>>
    tpu.enqueue_dma source(%dma_start3A_16 : memref<80xi32, #tpu.memory_space<hbm>>) target(%dma_start3A_15 : memref<80xi32, #tpu.memory_space<vmem>>) target_semaphore(%arg16 : memref<!tpu.dma_semaphore, #tpu.memory_space<semaphore_mem>>)
    %dma_start3A_17 = arith.constant 1 : i32
    %dma_start3A_18 = arith.constant 0 : i32
    %dma_start3A_19 = tpu.memref_slice %arg7[%dma_start3A_17, %dma_start3A_18] : memref<4x80xi32, #tpu.memory_space<vmem>> -> memref<1x80xi32, #tpu.memory_space<vmem>>
    %dma_start3A_20 = tpu.memref_squeeze %dma_start3A_19 : memref<1x80xi32, #tpu.memory_space<vmem>> -> memref<80xi32, #tpu.memory_space<vmem>>
    %dma_start3A_21 = tpu.memref_slice %arg4[%add3A_6] : memref<320000xi32, #tpu.memory_space<hbm>> -> memref<80xi32, #tpu.memory_space<hbm>>
    %dma_start3A_22 = arith.constant 0 : i32
    %dma_start3A_23 = tpu.memref_slice %arg7[%dma_start3A_17, %dma_start3A_22] : memref<4x80xi32, #tpu.memory_space<vmem>> -> memref<1x80xi32, #tpu.memory_space<vmem>>
    %dma_start3A_24 = tpu.memref_squeeze %dma_start3A_23 : memref<1x80xi32, #tpu.memory_space<vmem>> -> memref<80xi32, #tpu.memory_space<vmem>>
    %dma_start3A_25 = tpu.memref_slice %arg4[%add3A_6] : memref<320000xi32, #tpu.memory_space<hbm>> -> memref<80xi32, #tpu.memory_space<hbm>>
    tpu.enqueue_dma source(%dma_start3A_25 : memref<80xi32, #tpu.memory_space<hbm>>) target(%dma_start3A_24 : memref<80xi32, #tpu.memory_space<vmem>>) target_semaphore(%arg16 : memref<!tpu.dma_semaphore, #tpu.memory_space<semaphore_mem>>)
    %dma_start3A_26 = arith.constant 2 : i32
    %dma_start3A_27 = arith.constant 0 : i32
    %dma_start3A_28 = tpu.memref_slice %arg7[%dma_start3A_26, %dma_start3A_27] : memref<4x80xi32, #tpu.memory_space<vmem>> -> memref<1x80xi32, #tpu.memory_space<vmem>>
    %dma_start3A_29 = tpu.memref_squeeze %dma_start3A_28 : memref<1x80xi32, #tpu.memory_space<vmem>> -> memref<80xi32, #tpu.memory_space<vmem>>
    %dma_start3A_30 = tpu.memref_slice %arg5[%add3A_6] : memref<320000xi32, #tpu.memory_space<hbm>> -> memref<80xi32, #tpu.memory_space<hbm>>
    %dma_start3A_31 = arith.constant 0 : i32
    %dma_start3A_32 = tpu.memref_slice %arg7[%dma_start3A_26, %dma_start3A_31] : memref<4x80xi32, #tpu.memory_space<vmem>> -> memref<1x80xi32, #tpu.memory_space<vmem>>
    %dma_start3A_33 = tpu.memref_squeeze %dma_start3A_32 : memref<1x80xi32, #tpu.memory_space<vmem>> -> memref<80xi32, #tpu.memory_space<vmem>>
    %dma_start3A_34 = tpu.memref_slice %arg5[%add3A_6] : memref<320000xi32, #tpu.memory_space<hbm>> -> memref<80xi32, #tpu.memory_space<hbm>>
    tpu.enqueue_dma source(%dma_start3A_34 : memref<80xi32, #tpu.memory_space<hbm>>) target(%dma_start3A_33 : memref<80xi32, #tpu.memory_space<vmem>>) target_semaphore(%arg16 : memref<!tpu.dma_semaphore, #tpu.memory_space<semaphore_mem>>)
    %dma_start3A_35 = arith.constant 3 : i32
    %dma_start3A_36 = arith.constant 0 : i32
    %dma_start3A_37 = tpu.memref_slice %arg7[%dma_start3A_35, %dma_start3A_36] : memref<4x80xi32, #tpu.memory_space<vmem>> -> memref<1x80xi32, #tpu.memory_space<vmem>>
    %dma_start3A_38 = tpu.memref_squeeze %dma_start3A_37 : memref<1x80xi32, #tpu.memory_space<vmem>> -> memref<80xi32, #tpu.memory_space<vmem>>
    %dma_start3A_39 = tpu.memref_slice %arg3[%add3A_8] : memref<640000xi32, #tpu.memory_space<hbm>> -> memref<80xi32, #tpu.memory_space<hbm>>
    %dma_start3A_40 = arith.constant 0 : i32
    %dma_start3A_41 = tpu.memref_slice %arg7[%dma_start3A_35, %dma_start3A_40] : memref<4x80xi32, #tpu.memory_space<vmem>> -> memref<1x80xi32, #tpu.memory_space<vmem>>
    %dma_start3A_42 = tpu.memref_squeeze %dma_start3A_41 : memref<1x80xi32, #tpu.memory_space<vmem>> -> memref<80xi32, #tpu.memory_space<vmem>>
    %dma_start3A_43 = tpu.memref_slice %arg3[%add3A_8] : memref<640000xi32, #tpu.memory_space<hbm>> -> memref<80xi32, #tpu.memory_space<hbm>>
    tpu.enqueue_dma source(%dma_start3A_43 : memref<80xi32, #tpu.memory_space<hbm>>) target(%dma_start3A_42 : memref<80xi32, #tpu.memory_space<vmem>>) target_semaphore(%arg16 : memref<!tpu.dma_semaphore, #tpu.memory_space<semaphore_mem>>)
    %add3A_44 = arith.constant 80 : i32
    %add3A_45 = arith.addi %mul3A_4, %add3A_44 : i32
    %add3A_46 = arith.constant 320000 : i32
    %add3A_47 = arith.addi %add3A_46, %add3A_45 : i32
    %dma_start3A_48 = arith.constant 0 : i32
    %dma_start3A_49 = arith.constant 0 : i32
    %dma_start3A_50 = tpu.memref_slice %arg8[%dma_start3A_48, %dma_start3A_49] : memref<4x80xi32, #tpu.memory_space<vmem>> -> memref<1x80xi32, #tpu.memory_space<vmem>>
    %dma_start3A_51 = tpu.memref_squeeze %dma_start3A_50 : memref<1x80xi32, #tpu.memory_space<vmem>> -> memref<80xi32, #tpu.memory_space<vmem>>
    %dma_start3A_52 = tpu.memref_slice %arg3[%add3A_45] : memref<640000xi32, #tpu.memory_space<hbm>> -> memref<80xi32, #tpu.memory_space<hbm>>
    %dma_start3A_53 = arith.constant 0 : i32
    %dma_start3A_54 = tpu.memref_slice %arg8[%dma_start3A_48, %dma_start3A_53] : memref<4x80xi32, #tpu.memory_space<vmem>> -> memref<1x80xi32, #tpu.memory_space<vmem>>
    %dma_start3A_55 = tpu.memref_squeeze %dma_start3A_54 : memref<1x80xi32, #tpu.memory_space<vmem>> -> memref<80xi32, #tpu.memory_space<vmem>>
    %dma_start3A_56 = tpu.memref_slice %arg3[%add3A_45] : memref<640000xi32, #tpu.memory_space<hbm>> -> memref<80xi32, #tpu.memory_space<hbm>>
    tpu.enqueue_dma source(%dma_start3A_56 : memref<80xi32, #tpu.memory_space<hbm>>) target(%dma_start3A_55 : memref<80xi32, #tpu.memory_space<vmem>>) target_semaphore(%arg17 : memref<!tpu.dma_semaphore, #tpu.memory_space<semaphore_mem>>)
    %dma_start3A_57 = arith.constant 1 : i32
    %dma_start3A_58 = arith.constant 0 : i32
    %dma_start3A_59 = tpu.memref_slice %arg8[%dma_start3A_57, %dma_start3A_58] : memref<4x80xi32, #tpu.memory_space<vmem>> -> memref<1x80xi32, #tpu.memory_space<vmem>>
    %dma_start3A_60 = tpu.memref_squeeze %dma_start3A_59 : memref<1x80xi32, #tpu.memory_space<vmem>> -> memref<80xi32, #tpu.memory_space<vmem>>
    %dma_start3A_61 = tpu.memref_slice %arg4[%add3A_45] : memref<320000xi32, #tpu.memory_space<hbm>> -> memref<80xi32, #tpu.memory_space<hbm>>
    %dma_start3A_62 = arith.constant 0 : i32
    %dma_start3A_63 = tpu.memref_slice %arg8[%dma_start3A_57, %dma_start3A_62] : memref<4x80xi32, #tpu.memory_space<vmem>> -> memref<1x80xi32, #tpu.memory_space<vmem>>
    %dma_start3A_64 = tpu.memref_squeeze %dma_start3A_63 : memref<1x80xi32, #tpu.memory_space<vmem>> -> memref<80xi32, #tpu.memory_space<vmem>>
    %dma_start3A_65 = tpu.memref_slice %arg4[%add3A_45] : memref<320000xi32, #tpu.memory_space<hbm>> -> memref<80xi32, #tpu.memory_space<hbm>>
    tpu.enqueue_dma source(%dma_start3A_65 : memref<80xi32, #tpu.memory_space<hbm>>) target(%dma_start3A_64 : memref<80xi32, #tpu.memory_space<vmem>>) target_semaphore(%arg17 : memref<!tpu.dma_semaphore, #tpu.memory_space<semaphore_mem>>)
    %dma_start3A_66 = arith.constant 2 : i32
    %dma_start3A_67 = arith.constant 0 : i32
    %dma_start3A_68 = tpu.memref_slice %arg8[%dma_start3A_66, %dma_start3A_67] : memref<4x80xi32, #tpu.memory_space<vmem>> -> memref<1x80xi32, #tpu.memory_space<vmem>>
    %dma_start3A_69 = tpu.memref_squeeze %dma_start3A_68 : memref<1x80xi32, #tpu.memory_space<vmem>> -> memref<80xi32, #tpu.memory_space<vmem>>
    %dma_start3A_70 = tpu.memref_slice %arg5[%add3A_45] : memref<320000xi32, #tpu.memory_space<hbm>> -> memref<80xi32, #tpu.memory_space<hbm>>
    %dma_start3A_71 = arith.constant 0 : i32
    %dma_start3A_72 = tpu.memref_slice %arg8[%dma_start3A_66, %dma_start3A_71] : memref<4x80xi32, #tpu.memory_space<vmem>> -> memref<1x80xi32, #tpu.memory_space<vmem>>
    %dma_start3A_73 = tpu.memref_squeeze %dma_start3A_72 : memref<1x80xi32, #tpu.memory_space<vmem>> -> memref<80xi32, #tpu.memory_space<vmem>>
    %dma_start3A_74 = tpu.memref_slice %arg5[%add3A_45] : memref<320000xi32, #tpu.memory_space<hbm>> -> memref<80xi32, #tpu.memory_space<hbm>>
    tpu.enqueue_dma source(%dma_start3A_74 : memref<80xi32, #tpu.memory_space<hbm>>) target(%dma_start3A_73 : memref<80xi32, #tpu.memory_space<vmem>>) target_semaphore(%arg17 : memref<!tpu.dma_semaphore, #tpu.memory_space<semaphore_mem>>)
    %dma_start3A_75 = arith.constant 3 : i32
    %dma_start3A_76 = arith.constant 0 : i32
    %dma_start3A_77 = tpu.memref_slice %arg8[%dma_start3A_75, %dma_start3A_76] : memref<4x80xi32, #tpu.memory_space<vmem>> -> memref<1x80xi32, #tpu.memory_space<vmem>>
    %dma_start3A_78 = tpu.memref_squeeze %dma_start3A_77 : memref<1x80xi32, #tpu.memory_space<vmem>> -> memref<80xi32, #tpu.memory_space<vmem>>
    %dma_start3A_79 = tpu.memref_slice %arg3[%add3A_47] : memref<640000xi32, #tpu.memory_space<hbm>> -> memref<80xi32, #tpu.memory_space<hbm>>
    %dma_start3A_80 = arith.constant 0 : i32
    %dma_start3A_81 = tpu.memref_slice %arg8[%dma_start3A_75, %dma_start3A_80] : memref<4x80xi32, #tpu.memory_space<vmem>> -> memref<1x80xi32, #tpu.memory_space<vmem>>
    %dma_start3A_82 = tpu.memref_squeeze %dma_start3A_81 : memref<1x80xi32, #tpu.memory_space<vmem>> -> memref<80xi32, #tpu.memory_space<vmem>>
    %dma_start3A_83 = tpu.memref_slice %arg3[%add3A_47] : memref<640000xi32, #tpu.memory_space<hbm>> -> memref<80xi32, #tpu.memory_space<hbm>>
    tpu.enqueue_dma source(%dma_start3A_83 : memref<80xi32, #tpu.memory_space<hbm>>) target(%dma_start3A_82 : memref<80xi32, #tpu.memory_space<vmem>>) target_semaphore(%arg17 : memref<!tpu.dma_semaphore, #tpu.memory_space<semaphore_mem>>)
    %add3A_84 = arith.constant 160 : i32
    %add3A_85 = arith.addi %mul3A_4, %add3A_84 : i32
    %add3A_86 = arith.constant 320000 : i32
    %add3A_87 = arith.addi %add3A_86, %add3A_85 : i32
    %dma_start3A_88 = arith.constant 0 : i32
    %dma_start3A_89 = arith.constant 0 : i32
    %dma_start3A_90 = tpu.memref_slice %arg9[%dma_start3A_88, %dma_start3A_89] : memref<4x80xi32, #tpu.memory_space<vmem>> -> memref<1x80xi32, #tpu.memory_space<vmem>>
    %dma_start3A_91 = tpu.memref_squeeze %dma_start3A_90 : memref<1x80xi32, #tpu.memory_space<vmem>> -> memref<80xi32, #tpu.memory_space<vmem>>
    %dma_start3A_92 = tpu.memref_slice %arg3[%add3A_85] : memref<640000xi32, #tpu.memory_space<hbm>> -> memref<80xi32, #tpu.memory_space<hbm>>
    %dma_start3A_93 = arith.constant 0 : i32
    %dma_start3A_94 = tpu.memref_slice %arg9[%dma_start3A_88, %dma_start3A_93] : memref<4x80xi32, #tpu.memory_space<vmem>> -> memref<1x80xi32, #tpu.memory_space<vmem>>
    %dma_start3A_95 = tpu.memref_squeeze %dma_start3A_94 : memref<1x80xi32, #tpu.memory_space<vmem>> -> memref<80xi32, #tpu.memory_space<vmem>>
    %dma_start3A_96 = tpu.memref_slice %arg3[%add3A_85] : memref<640000xi32, #tpu.memory_space<hbm>> -> memref<80xi32, #tpu.memory_space<hbm>>
    tpu.enqueue_dma source(%dma_start3A_96 : memref<80xi32, #tpu.memory_space<hbm>>) target(%dma_start3A_95 : memref<80xi32, #tpu.memory_space<vmem>>) target_semaphore(%arg18 : memref<!tpu.dma_semaphore, #tpu.memory_space<semaphore_mem>>)
    %dma_start3A_97 = arith.constant 1 : i32
    %dma_start3A_98 = arith.constant 0 : i32
    %dma_start3A_99 = tpu.memref_slice %arg9[%dma_start3A_97, %dma_start3A_98] : memref<4x80xi32, #tpu.memory_space<vmem>> -> memref<1x80xi32, #tpu.memory_space<vmem>>
    %dma_start3A_100 = tpu.memref_squeeze %dma_start3A_99 : memref<1x80xi32, #tpu.memory_space<vmem>> -> memref<80xi32, #tpu.memory_space<vmem>>
    %dma_start3A_101 = tpu.memref_slice %arg4[%add3A_85] : memref<320000xi32, #tpu.memory_space<hbm>> -> memref<80xi32, #tpu.memory_space<hbm>>
    %dma_start3A_102 = arith.constant 0 : i32
    %dma_start3A_103 = tpu.memref_slice %arg9[%dma_start3A_97, %dma_start3A_102] : memref<4x80xi32, #tpu.memory_space<vmem>> -> memref<1x80xi32, #tpu.memory_space<vmem>>
    %dma_start3A_104 = tpu.memref_squeeze %dma_start3A_103 : memref<1x80xi32, #tpu.memory_space<vmem>> -> memref<80xi32, #tpu.memory_space<vmem>>
    %dma_start3A_105 = tpu.memref_slice %arg4[%add3A_85] : memref<320000xi32, #tpu.memory_space<hbm>> -> memref<80xi32, #tpu.memory_space<hbm>>
    tpu.enqueue_dma source(%dma_start3A_105 : memref<80xi32, #tpu.memory_space<hbm>>) target(%dma_start3A_104 : memref<80xi32, #tpu.memory_space<vmem>>) target_semaphore(%arg18 : memref<!tpu.dma_semaphore, #tpu.memory_space<semaphore_mem>>)
    %dma_start3A_106 = arith.constant 2 : i32
    %dma_start3A_107 = arith.constant 0 : i32
    %dma_start3A_108 = tpu.memref_slice %arg9[%dma_start3A_106, %dma_start3A_107] : memref<4x80xi32, #tpu.memory_space<vmem>> -> memref<1x80xi32, #tpu.memory_space<vmem>>
    %dma_start3A_109 = tpu.memref_squeeze %dma_start3A_108 : memref<1x80xi32, #tpu.memory_space<vmem>> -> memref<80xi32, #tpu.memory_space<vmem>>
    %dma_start3A_110 = tpu.memref_slice %arg5[%add3A_85] : memref<320000xi32, #tpu.memory_space<hbm>> -> memref<80xi32, #tpu.memory_space<hbm>>
    %dma_start3A_111 = arith.constant 0 : i32
    %dma_start3A_112 = tpu.memref_slice %arg9[%dma_start3A_106, %dma_start3A_111] : memref<4x80xi32, #tpu.memory_space<vmem>> -> memref<1x80xi32, #tpu.memory_space<vmem>>
    %dma_start3A_113 = tpu.memref_squeeze %dma_start3A_112 : memref<1x80xi32, #tpu.memory_space<vmem>> -> memref<80xi32, #tpu.memory_space<vmem>>
    %dma_start3A_114 = tpu.memref_slice %arg5[%add3A_85] : memref<320000xi32, #tpu.memory_space<hbm>> -> memref<80xi32, #tpu.memory_space<hbm>>
    tpu.enqueue_dma source(%dma_start3A_114 : memref<80xi32, #tpu.memory_space<hbm>>) target(%dma_start3A_113 : memref<80xi32, #tpu.memory_space<vmem>>) target_semaphore(%arg18 : memref<!tpu.dma_semaphore, #tpu.memory_space<semaphore_mem>>)
    %dma_start3A_115 = arith.constant 3 : i32
    %dma_start3A_116 = arith.constant 0 : i32
    %dma_start3A_117 = tpu.memref_slice %arg9[%dma_start3A_115, %dma_start3A_116] : memref<4x80xi32, #tpu.memory_space<vmem>> -> memref<1x80xi32, #tpu.memory_space<vmem>>
    %dma_start3A_118 = tpu.memref_squeeze %dma_start3A_117 : memref<1x80xi32, #tpu.memory_space<vmem>> -> memref<80xi32, #tpu.memory_space<vmem>>
    %dma_start3A_119 = tpu.memref_slice %arg3[%add3A_87] : memref<640000xi32, #tpu.memory_space<hbm>> -> memref<80xi32, #tpu.memory_space<hbm>>
    %dma_start3A_120 = arith.constant 0 : i32
    %dma_start3A_121 = tpu.memref_slice %arg9[%dma_start3A_115, %dma_start3A_120] : memref<4x80xi32, #tpu.memory_space<vmem>> -> memref<1x80xi32, #tpu.memory_space<vmem>>
    %dma_start3A_122 = tpu.memref_squeeze %dma_start3A_121 : memref<1x80xi32, #tpu.memory_space<vmem>> -> memref<80xi32, #tpu.memory_space<vmem>>
    %dma_start3A_123 = tpu.memref_slice %arg3[%add3A_87] : memref<640000xi32, #tpu.memory_space<hbm>> -> memref<80xi32, #tpu.memory_space<hbm>>
    tpu.enqueue_dma source(%dma_start3A_123 : memref<80xi32, #tpu.memory_space<hbm>>) target(%dma_start3A_122 : memref<80xi32, #tpu.memory_space<vmem>>) target_semaphore(%arg18 : memref<!tpu.dma_semaphore, #tpu.memory_space<semaphore_mem>>)
    %add3A_124 = arith.constant 240 : i32
    %add3A_125 = arith.addi %mul3A_4, %add3A_124 : i32
    %add3A_126 = arith.constant 320000 : i32
    %add3A_127 = arith.addi %add3A_126, %add3A_125 : i32
    %dma_start3A_128 = arith.constant 0 : i32
    %dma_start3A_129 = arith.constant 0 : i32
    %dma_start3A_130 = tpu.memref_slice %arg10[%dma_start3A_128, %dma_start3A_129] : memref<4x80xi32, #tpu.memory_space<vmem>> -> memref<1x80xi32, #tpu.memory_space<vmem>>
    %dma_start3A_131 = tpu.memref_squeeze %dma_start3A_130 : memref<1x80xi32, #tpu.memory_space<vmem>> -> memref<80xi32, #tpu.memory_space<vmem>>
    %dma_start3A_132 = tpu.memref_slice %arg3[%add3A_125] : memref<640000xi32, #tpu.memory_space<hbm>> -> memref<80xi32, #tpu.memory_space<hbm>>
    %dma_start3A_133 = arith.constant 0 : i32
    %dma_start3A_134 = tpu.memref_slice %arg10[%dma_start3A_128, %dma_start3A_133] : memref<4x80xi32, #tpu.memory_space<vmem>> -> memref<1x80xi32, #tpu.memory_space<vmem>>
    %dma_start3A_135 = tpu.memref_squeeze %dma_start3A_134 : memref<1x80xi32, #tpu.memory_space<vmem>> -> memref<80xi32, #tpu.memory_space<vmem>>
    %dma_start3A_136 = tpu.memref_slice %arg3[%add3A_125] : memref<640000xi32, #tpu.memory_space<hbm>> -> memref<80xi32, #tpu.memory_space<hbm>>
    tpu.enqueue_dma source(%dma_start3A_136 : memref<80xi32, #tpu.memory_space<hbm>>) target(%dma_start3A_135 : memref<80xi32, #tpu.memory_space<vmem>>) target_semaphore(%arg19 : memref<!tpu.dma_semaphore, #tpu.memory_space<semaphore_mem>>)
    %dma_start3A_137 = arith.constant 1 : i32
    %dma_start3A_138 = arith.constant 0 : i32
    %dma_start3A_139 = tpu.memref_slice %arg10[%dma_start3A_137, %dma_start3A_138] : memref<4x80xi32, #tpu.memory_space<vmem>> -> memref<1x80xi32, #tpu.memory_space<vmem>>
    %dma_start3A_140 = tpu.memref_squeeze %dma_start3A_139 : memref<1x80xi32, #tpu.memory_space<vmem>> -> memref<80xi32, #tpu.memory_space<vmem>>
    %dma_start3A_141 = tpu.memref_slice %arg4[%add3A_125] : memref<320000xi32, #tpu.memory_space<hbm>> -> memref<80xi32, #tpu.memory_space<hbm>>
    %dma_start3A_142 = arith.constant 0 : i32
    %dma_start3A_143 = tpu.memref_slice %arg10[%dma_start3A_137, %dma_start3A_142] : memref<4x80xi32, #tpu.memory_space<vmem>> -> memref<1x80xi32, #tpu.memory_space<vmem>>
    %dma_start3A_144 = tpu.memref_squeeze %dma_start3A_143 : memref<1x80xi32, #tpu.memory_space<vmem>> -> memref<80xi32, #tpu.memory_space<vmem>>
    %dma_start3A_145 = tpu.memref_slice %arg4[%add3A_125] : memref<320000xi32, #tpu.memory_space<hbm>> -> memref<80xi32, #tpu.memory_space<hbm>>
    tpu.enqueue_dma source(%dma_start3A_145 : memref<80xi32, #tpu.memory_space<hbm>>) target(%dma_start3A_144 : memref<80xi32, #tpu.memory_space<vmem>>) target_semaphore(%arg19 : memref<!tpu.dma_semaphore, #tpu.memory_space<semaphore_mem>>)
    %dma_start3A_146 = arith.constant 2 : i32
    %dma_start3A_147 = arith.constant 0 : i32
    %dma_start3A_148 = tpu.memref_slice %arg10[%dma_start3A_146, %dma_start3A_147] : memref<4x80xi32, #tpu.memory_space<vmem>> -> memref<1x80xi32, #tpu.memory_space<vmem>>
    %dma_start3A_149 = tpu.memref_squeeze %dma_start3A_148 : memref<1x80xi32, #tpu.memory_space<vmem>> -> memref<80xi32, #tpu.memory_space<vmem>>
    %dma_start3A_150 = tpu.memref_slice %arg5[%add3A_125] : memref<320000xi32, #tpu.memory_space<hbm>> -> memref<80xi32, #tpu.memory_space<hbm>>
    %dma_start3A_151 = arith.constant 0 : i32
    %dma_start3A_152 = tpu.memref_slice %arg10[%dma_start3A_146, %dma_start3A_151] : memref<4x80xi32, #tpu.memory_space<vmem>> -> memref<1x80xi32, #tpu.memory_space<vmem>>
    %dma_start3A_153 = tpu.memref_squeeze %dma_start3A_152 : memref<1x80xi32, #tpu.memory_space<vmem>> -> memref<80xi32, #tpu.memory_space<vmem>>
    %dma_start3A_154 = tpu.memref_slice %arg5[%add3A_125] : memref<320000xi32, #tpu.memory_space<hbm>> -> memref<80xi32, #tpu.memory_space<hbm>>
    tpu.enqueue_dma source(%dma_start3A_154 : memref<80xi32, #tpu.memory_space<hbm>>) target(%dma_start3A_153 : memref<80xi32, #tpu.memory_space<vmem>>) target_semaphore(%arg19 : memref<!tpu.dma_semaphore, #tpu.memory_space<semaphore_mem>>)
    %dma_start3A_155 = arith.constant 3 : i32
    %dma_start3A_156 = arith.constant 0 : i32
    %dma_start3A_157 = tpu.memref_slice %arg10[%dma_start3A_155, %dma_start3A_156] : memref<4x80xi32, #tpu.memory_space<vmem>> -> memref<1x80xi32, #tpu.memory_space<vmem>>
    %dma_start3A_158 = tpu.memref_squeeze %dma_start3A_157 : memref<1x80xi32, #tpu.memory_space<vmem>> -> memref<80xi32, #tpu.memory_space<vmem>>
    %dma_start3A_159 = tpu.memref_slice %arg3[%add3A_127] : memref<640000xi32, #tpu.memory_space<hbm>> -> memref<80xi32, #tpu.memory_space<hbm>>
    %dma_start3A_160 = arith.constant 0 : i32
    %dma_start3A_161 = tpu.memref_slice %arg10[%dma_start3A_155, %dma_start3A_160] : memref<4x80xi32, #tpu.memory_space<vmem>> -> memref<1x80xi32, #tpu.memory_space<vmem>>
    %dma_start3A_162 = tpu.memref_squeeze %dma_start3A_161 : memref<1x80xi32, #tpu.memory_space<vmem>> -> memref<80xi32, #tpu.memory_space<vmem>>
    %dma_start3A_163 = tpu.memref_slice %arg3[%add3A_127] : memref<640000xi32, #tpu.memory_space<hbm>> -> memref<80xi32, #tpu.memory_space<hbm>>
    tpu.enqueue_dma source(%dma_start3A_163 : memref<80xi32, #tpu.memory_space<hbm>>) target(%dma_start3A_162 : memref<80xi32, #tpu.memory_space<vmem>>) target_semaphore(%arg19 : memref<!tpu.dma_semaphore, #tpu.memory_space<semaphore_mem>>)
    %scan3A = arith.constant 0 : i32
    %scan3A_164 = arith.constant 0 : i32
    %scan3A_165 = arith.constant 640 : i32
    %scan3A_166 = arith.addi %scan3A_164, %scan3A_165 : i32
    %scan3A_167 = arith.constant 1 : i32
    scf.for %scan3A_573 = %scan3A_164 to %scan3A_166 step %scan3A_167  : i32 {
      %broadcast_in_dim3A = arith.constant 0.000000e+00 : f32
      %broadcast_in_dim3A_574 = vector.broadcast %broadcast_in_dim3A : f32 to vector<16xf32>
      %jit3A = arith.constant 8 : i32
      %div3A = arith.divsi %scan3A_573, %jit3A : i32
      %sign3A = arith.constant 0 : i32
      %sign3A_575 = arith.cmpi sgt, %scan3A_573, %sign3A : i32
      %sign3A_576 = arith.extui %sign3A_575 : i1 to i32
      %sign3A_577 = arith.constant 0 : i32
      %sign3A_578 = arith.cmpi slt, %scan3A_573, %sign3A_577 : i32
      %sign3A_579 = arith.extui %sign3A_578 : i1 to i32
      %sign3A_580 = arith.subi %sign3A_576, %sign3A_579 : i32
      %sign3A_581 = arith.constant 0 : i32
      %sign3A_582 = arith.cmpi sgt, %jit3A, %sign3A_581 : i32
      %sign3A_583 = arith.extui %sign3A_582 : i1 to i32
      %sign3A_584 = arith.constant 0 : i32
      %sign3A_585 = arith.cmpi slt, %jit3A, %sign3A_584 : i32
      %sign3A_586 = arith.extui %sign3A_585 : i1 to i32
      %sign3A_587 = arith.subi %sign3A_583, %sign3A_586 : i32
      %ne3A = arith.cmpi ne, %sign3A_580, %sign3A_587 : i32
      %rem3A = arith.remsi %scan3A_573, %jit3A : i32
      %ne3A_588 = arith.constant 0 : i32
      %ne3A_589 = arith.cmpi ne, %rem3A, %ne3A_588 : i32
      %and3A = arith.andi %ne3A, %ne3A_589 : i1
      %sub3A = arith.constant 1 : i32
      %sub3A_590 = arith.subi %div3A, %sub3A : i32
      %select_n3A = arith.select %and3A, %sub3A_590, %div3A : i32
      %jit3A_591 = arith.constant 8 : i32
      %eq3A = arith.constant 0 : i32
      %eq3A_592 = arith.cmpi eq, %jit3A_591, %eq3A : i32
      %jit3A_593 = arith.constant 1 : i32
      %select_n3A_594 = arith.select %eq3A_592, %jit3A_593, %jit3A_591 : i32
      %rem3A_595 = arith.remsi %scan3A_573, %select_n3A_594 : i32
      %ne3A_596 = arith.constant 0 : i32
      %ne3A_597 = arith.cmpi ne, %rem3A_595, %ne3A_596 : i32
      %lt3A = arith.constant 0 : i32
      %lt3A_598 = arith.cmpi slt, %rem3A_595, %lt3A : i32
      %lt3A_599 = arith.constant 0 : i32
      %lt3A_600 = arith.cmpi slt, %select_n3A_594, %lt3A_599 : i32
      %ne3A_601 = arith.xori %lt3A_598, %lt3A_600 : i1
      %and3A_602 = arith.andi %ne3A_601, %ne3A_597 : i1
      %add3A_603 = arith.addi %rem3A_595, %select_n3A_594 : i32
      %select_n3A_604 = arith.select %and3A_602, %add3A_603, %rem3A_595 : i32
      %mul3A_605 = arith.constant 16 : i32
      %mul3A_606 = arith.muli %select_n3A_604, %mul3A_605 : i32
      %swap3A_607 = arith.index_cast %select_n3A : i32 to index
      %swap3A_608 = arith.index_cast %mul3A_606 : i32 to index
      %swap3A_609 = tpu.vector_load %arg11[%swap3A_607, %swap3A_608] {strides = array<i32>} : memref<80x128xf32, #tpu.memory_space<vmem>>, vector<1x16xf32>,
      %swap3A_610 = vector.shape_cast %swap3A_609 : vector<1x16xf32> to vector<16xf32>
      %swap3A_611 = vector.shape_cast %broadcast_in_dim3A_574 : vector<16xf32> to vector<1x16xf32>
      tpu.vector_store %arg11[%swap3A_607, %swap3A_608], %swap3A_611 {strides = array<i32>} : memref<80x128xf32, #tpu.memory_space<vmem>>, vector<1x16xf32>,
    }
    %scan3A_168 = arith.constant 640 : i32
    %add3A_169 = arith.constant 0 : i32
    %add3A_170 = arith.addi %mul3A_2, %add3A_169 : i32
    "tpu.region"() ({
      %run_scoped3A = tpu.sem_alloc : memref<!tpu.dma_semaphore, #tpu.memory_space<semaphore_mem>>
      %dma_start3A_573 = arith.constant 0 : i32
      %dma_start3A_574 = tpu.memref_slice %arg13[%add3A_170, %dma_start3A_573] : memref<10240x128xf32, #tpu.memory_space<vmem_shared>> -> memref<80x128xf32, #tpu.memory_space<vmem_shared>>
      %dma_start3A_575 = arith.constant 0 : i32
      %dma_start3A_576 = tpu.memref_slice %arg13[%add3A_170, %dma_start3A_575] : memref<10240x128xf32, #tpu.memory_space<vmem_shared>> -> memref<80x128xf32, #tpu.memory_space<vmem_shared>>
      tpu.enqueue_dma source(%arg11 : memref<80x128xf32, #tpu.memory_space<vmem>>) target(%dma_start3A_576 : memref<80x128xf32, #tpu.memory_space<vmem_shared>>) target_semaphore(%run_scoped3A : memref<!tpu.dma_semaphore, #tpu.memory_space<semaphore_mem>>)
      %dma_wait3A_577 = arith.constant 0 : i32
      %dma_wait3A_578 = tpu.memref_slice %arg13[%add3A_170, %dma_wait3A_577] : memref<10240x128xf32, #tpu.memory_space<vmem_shared>> -> memref<80x128xf32, #tpu.memory_space<vmem_shared>>
      %dma_wait3A_579 = arith.constant 0 : i32
      %dma_wait3A_580 = tpu.memref_slice %arg13[%add3A_170, %dma_wait3A_579] : memref<10240x128xf32, #tpu.memory_space<vmem_shared>> -> memref<80x128xf32, #tpu.memory_space<vmem_shared>>
      tpu.wait_dma2 semaphore(%run_scoped3A : memref<!tpu.dma_semaphore, #tpu.memory_space<semaphore_mem>>) src(%arg11 : memref<80x128xf32, #tpu.memory_space<vmem>>) dst(%dma_wait3A_580 : memref<80x128xf32, #tpu.memory_space<vmem_shared>>)
      tpu.yield
    }) : () -> ()
    %add3A_171 = arith.constant 80 : i32
    %add3A_172 = arith.addi %mul3A_2, %add3A_171 : i32
    "tpu.region"() ({
      %run_scoped3A = tpu.sem_alloc : memref<!tpu.dma_semaphore, #tpu.memory_space<semaphore_mem>>
      %dma_start3A_573 = arith.constant 0 : i32
      %dma_start3A_574 = tpu.memref_slice %arg13[%add3A_172, %dma_start3A_573] : memref<10240x128xf32, #tpu.memory_space<vmem_shared>> -> memref<80x128xf32, #tpu.memory_space<vmem_shared>>
      %dma_start3A_575 = arith.constant 0 : i32
      %dma_start3A_576 = tpu.memref_slice %arg13[%add3A_172, %dma_start3A_575] : memref<10240x128xf32, #tpu.memory_space<vmem_shared>> -> memref<80x128xf32, #tpu.memory_space<vmem_shared>>
      tpu.enqueue_dma source(%arg11 : memref<80x128xf32, #tpu.memory_space<vmem>>) target(%dma_start3A_576 : memref<80x128xf32, #tpu.memory_space<vmem_shared>>) target_semaphore(%run_scoped3A : memref<!tpu.dma_semaphore, #tpu.memory_space<semaphore_mem>>)
      %dma_wait3A_577 = arith.constant 0 : i32
      %dma_wait3A_578 = tpu.memref_slice %arg13[%add3A_172, %dma_wait3A_577] : memref<10240x128xf32, #tpu.memory_space<vmem_shared>> -> memref<80x128xf32, #tpu.memory_space<vmem_shared>>
      %dma_wait3A_579 = arith.constant 0 : i32
      %dma_wait3A_580 = tpu.memref_slice %arg13[%add3A_172, %dma_wait3A_579] : memref<10240x128xf32, #tpu.memory_space<vmem_shared>> -> memref<80x128xf32, #tpu.memory_space<vmem_shared>>
      tpu.wait_dma2 semaphore(%run_scoped3A : memref<!tpu.dma_semaphore, #tpu.memory_space<semaphore_mem>>) src(%arg11 : memref<80x128xf32, #tpu.memory_space<vmem>>) dst(%dma_wait3A_580 : memref<80x128xf32, #tpu.memory_space<vmem_shared>>)
      tpu.yield
    }) : () -> ()
    %add3A_173 = arith.constant 160 : i32
    %add3A_174 = arith.addi %mul3A_2, %add3A_173 : i32
    "tpu.region"() ({
      %run_scoped3A = tpu.sem_alloc : memref<!tpu.dma_semaphore, #tpu.memory_space<semaphore_mem>>
      %dma_start3A_573 = arith.constant 0 : i32
      %dma_start3A_574 = tpu.memref_slice %arg13[%add3A_174, %dma_start3A_573] : memref<10240x128xf32, #tpu.memory_space<vmem_shared>> -> memref<80x128xf32, #tpu.memory_space<vmem_shared>>
      %dma_start3A_575 = arith.constant 0 : i32
      %dma_start3A_576 = tpu.memref_slice %arg13[%add3A_174, %dma_start3A_575] : memref<10240x128xf32, #tpu.memory_space<vmem_shared>> -> memref<80x128xf32, #tpu.memory_space<vmem_shared>>
      tpu.enqueue_dma source(%arg11 : memref<80x128xf32, #tpu.memory_space<vmem>>) target(%dma_start3A_576 : memref<80x128xf32, #tpu.memory_space<vmem_shared>>) target_semaphore(%run_scoped3A : memref<!tpu.dma_semaphore, #tpu.memory_space<semaphore_mem>>)
      %dma_wait3A_577 = arith.constant 0 : i32
      %dma_wait3A_578 = tpu.memref_slice %arg13[%add3A_174, %dma_wait3A_577] : memref<10240x128xf32, #tpu.memory_space<vmem_shared>> -> memref<80x128xf32, #tpu.memory_space<vmem_shared>>
      %dma_wait3A_579 = arith.constant 0 : i32
      %dma_wait3A_580 = tpu.memref_slice %arg13[%add3A_174, %dma_wait3A_579] : memref<10240x128xf32, #tpu.memory_space<vmem_shared>> -> memref<80x128xf32, #tpu.memory_space<vmem_shared>>
      tpu.wait_dma2 semaphore(%run_scoped3A : memref<!tpu.dma_semaphore, #tpu.memory_space<semaphore_mem>>) src(%arg11 : memref<80x128xf32, #tpu.memory_space<vmem>>) dst(%dma_wait3A_580 : memref<80x128xf32, #tpu.memory_space<vmem_shared>>)
      tpu.yield
    }) : () -> ()
    %add3A_175 = arith.constant 240 : i32
    %add3A_176 = arith.addi %mul3A_2, %add3A_175 : i32
    "tpu.region"() ({
      %run_scoped3A = tpu.sem_alloc : memref<!tpu.dma_semaphore, #tpu.memory_space<semaphore_mem>>
      %dma_start3A_573 = arith.constant 0 : i32
      %dma_start3A_574 = tpu.memref_slice %arg13[%add3A_176, %dma_start3A_573] : memref<10240x128xf32, #tpu.memory_space<vmem_shared>> -> memref<80x128xf32, #tpu.memory_space<vmem_shared>>
      %dma_start3A_575 = arith.constant 0 : i32
      %dma_start3A_576 = tpu.memref_slice %arg13[%add3A_176, %dma_start3A_575] : memref<10240x128xf32, #tpu.memory_space<vmem_shared>> -> memref<80x128xf32, #tpu.memory_space<vmem_shared>>
      tpu.enqueue_dma source(%arg11 : memref<80x128xf32, #tpu.memory_space<vmem>>) target(%dma_start3A_576 : memref<80x128xf32, #tpu.memory_space<vmem_shared>>) target_semaphore(%run_scoped3A : memref<!tpu.dma_semaphore, #tpu.memory_space<semaphore_mem>>)
      %dma_wait3A_577 = arith.constant 0 : i32
      %dma_wait3A_578 = tpu.memref_slice %arg13[%add3A_176, %dma_wait3A_577] : memref<10240x128xf32, #tpu.memory_space<vmem_shared>> -> memref<80x128xf32, #tpu.memory_space<vmem_shared>>
      %dma_wait3A_579 = arith.constant 0 : i32
      %dma_wait3A_580 = tpu.memref_slice %arg13[%add3A_176, %dma_wait3A_579] : memref<10240x128xf32, #tpu.memory_space<vmem_shared>> -> memref<80x128xf32, #tpu.memory_space<vmem_shared>>
      tpu.wait_dma2 semaphore(%run_scoped3A : memref<!tpu.dma_semaphore, #tpu.memory_space<semaphore_mem>>) src(%arg11 : memref<80x128xf32, #tpu.memory_space<vmem>>) dst(%dma_wait3A_580 : memref<80x128xf32, #tpu.memory_space<vmem_shared>>)
      tpu.yield
    }) : () -> ()
    %add3A_177 = arith.constant 320 : i32
    %add3A_178 = arith.addi %mul3A_2, %add3A_177 : i32
    "tpu.region"() ({
      %run_scoped3A = tpu.sem_alloc : memref<!tpu.dma_semaphore, #tpu.memory_space<semaphore_mem>>
      %dma_start3A_573 = arith.constant 0 : i32
      %dma_start3A_574 = tpu.memref_slice %arg13[%add3A_178, %dma_start3A_573] : memref<10240x128xf32, #tpu.memory_space<vmem_shared>> -> memref<80x128xf32, #tpu.memory_space<vmem_shared>>
      %dma_start3A_575 = arith.constant 0 : i32
      %dma_start3A_576 = tpu.memref_slice %arg13[%add3A_178, %dma_start3A_575] : memref<10240x128xf32, #tpu.memory_space<vmem_shared>> -> memref<80x128xf32, #tpu.memory_space<vmem_shared>>
      tpu.enqueue_dma source(%arg11 : memref<80x128xf32, #tpu.memory_space<vmem>>) target(%dma_start3A_576 : memref<80x128xf32, #tpu.memory_space<vmem_shared>>) target_semaphore(%run_scoped3A : memref<!tpu.dma_semaphore, #tpu.memory_space<semaphore_mem>>)
      %dma_wait3A_577 = arith.constant 0 : i32
      %dma_wait3A_578 = tpu.memref_slice %arg13[%add3A_178, %dma_wait3A_577] : memref<10240x128xf32, #tpu.memory_space<vmem_shared>> -> memref<80x128xf32, #tpu.memory_space<vmem_shared>>
      %dma_wait3A_579 = arith.constant 0 : i32
      %dma_wait3A_580 = tpu.memref_slice %arg13[%add3A_178, %dma_wait3A_579] : memref<10240x128xf32, #tpu.memory_space<vmem_shared>> -> memref<80x128xf32, #tpu.memory_space<vmem_shared>>
      tpu.wait_dma2 semaphore(%run_scoped3A : memref<!tpu.dma_semaphore, #tpu.memory_space<semaphore_mem>>) src(%arg11 : memref<80x128xf32, #tpu.memory_space<vmem>>) dst(%dma_wait3A_580 : memref<80x128xf32, #tpu.memory_space<vmem_shared>>)
      tpu.yield
    }) : () -> ()
    %add3A_179 = arith.constant 400 : i32
    %add3A_180 = arith.addi %mul3A_2, %add3A_179 : i32
    "tpu.region"() ({
      %run_scoped3A = tpu.sem_alloc : memref<!tpu.dma_semaphore, #tpu.memory_space<semaphore_mem>>
      %dma_start3A_573 = arith.constant 0 : i32
      %dma_start3A_574 = tpu.memref_slice %arg13[%add3A_180, %dma_start3A_573] : memref<10240x128xf32, #tpu.memory_space<vmem_shared>> -> memref<80x128xf32, #tpu.memory_space<vmem_shared>>
      %dma_start3A_575 = arith.constant 0 : i32
      %dma_start3A_576 = tpu.memref_slice %arg13[%add3A_180, %dma_start3A_575] : memref<10240x128xf32, #tpu.memory_space<vmem_shared>> -> memref<80x128xf32, #tpu.memory_space<vmem_shared>>
      tpu.enqueue_dma source(%arg11 : memref<80x128xf32, #tpu.memory_space<vmem>>) target(%dma_start3A_576 : memref<80x128xf32, #tpu.memory_space<vmem_shared>>) target_semaphore(%run_scoped3A : memref<!tpu.dma_semaphore, #tpu.memory_space<semaphore_mem>>)
      %dma_wait3A_577 = arith.constant 0 : i32
      %dma_wait3A_578 = tpu.memref_slice %arg13[%add3A_180, %dma_wait3A_577] : memref<10240x128xf32, #tpu.memory_space<vmem_shared>> -> memref<80x128xf32, #tpu.memory_space<vmem_shared>>
      %dma_wait3A_579 = arith.constant 0 : i32
      %dma_wait3A_580 = tpu.memref_slice %arg13[%add3A_180, %dma_wait3A_579] : memref<10240x128xf32, #tpu.memory_space<vmem_shared>> -> memref<80x128xf32, #tpu.memory_space<vmem_shared>>
      tpu.wait_dma2 semaphore(%run_scoped3A : memref<!tpu.dma_semaphore, #tpu.memory_space<semaphore_mem>>) src(%arg11 : memref<80x128xf32, #tpu.memory_space<vmem>>) dst(%dma_wait3A_580 : memref<80x128xf32, #tpu.memory_space<vmem_shared>>)
      tpu.yield
    }) : () -> ()
    %add3A_181 = arith.constant 480 : i32
    %add3A_182 = arith.addi %mul3A_2, %add3A_181 : i32
    "tpu.region"() ({
      %run_scoped3A = tpu.sem_alloc : memref<!tpu.dma_semaphore, #tpu.memory_space<semaphore_mem>>
      %dma_start3A_573 = arith.constant 0 : i32
      %dma_start3A_574 = tpu.memref_slice %arg13[%add3A_182, %dma_start3A_573] : memref<10240x128xf32, #tpu.memory_space<vmem_shared>> -> memref<80x128xf32, #tpu.memory_space<vmem_shared>>
      %dma_start3A_575 = arith.constant 0 : i32
      %dma_start3A_576 = tpu.memref_slice %arg13[%add3A_182, %dma_start3A_575] : memref<10240x128xf32, #tpu.memory_space<vmem_shared>> -> memref<80x128xf32, #tpu.memory_space<vmem_shared>>
      tpu.enqueue_dma source(%arg11 : memref<80x128xf32, #tpu.memory_space<vmem>>) target(%dma_start3A_576 : memref<80x128xf32, #tpu.memory_space<vmem_shared>>) target_semaphore(%run_scoped3A : memref<!tpu.dma_semaphore, #tpu.memory_space<semaphore_mem>>)
      %dma_wait3A_577 = arith.constant 0 : i32
      %dma_wait3A_578 = tpu.memref_slice %arg13[%add3A_182, %dma_wait3A_577] : memref<10240x128xf32, #tpu.memory_space<vmem_shared>> -> memref<80x128xf32, #tpu.memory_space<vmem_shared>>
      %dma_wait3A_579 = arith.constant 0 : i32
      %dma_wait3A_580 = tpu.memref_slice %arg13[%add3A_182, %dma_wait3A_579] : memref<10240x128xf32, #tpu.memory_space<vmem_shared>> -> memref<80x128xf32, #tpu.memory_space<vmem_shared>>
      tpu.wait_dma2 semaphore(%run_scoped3A : memref<!tpu.dma_semaphore, #tpu.memory_space<semaphore_mem>>) src(%arg11 : memref<80x128xf32, #tpu.memory_space<vmem>>) dst(%dma_wait3A_580 : memref<80x128xf32, #tpu.memory_space<vmem_shared>>)
      tpu.yield
    }) : () -> ()
    %add3A_183 = arith.constant 560 : i32
    %add3A_184 = arith.addi %mul3A_2, %add3A_183 : i32
    "tpu.region"() ({
      %run_scoped3A = tpu.sem_alloc : memref<!tpu.dma_semaphore, #tpu.memory_space<semaphore_mem>>
      %dma_start3A_573 = arith.constant 0 : i32
      %dma_start3A_574 = tpu.memref_slice %arg13[%add3A_184, %dma_start3A_573] : memref<10240x128xf32, #tpu.memory_space<vmem_shared>> -> memref<80x128xf32, #tpu.memory_space<vmem_shared>>
      %dma_start3A_575 = arith.constant 0 : i32
      %dma_start3A_576 = tpu.memref_slice %arg13[%add3A_184, %dma_start3A_575] : memref<10240x128xf32, #tpu.memory_space<vmem_shared>> -> memref<80x128xf32, #tpu.memory_space<vmem_shared>>
      tpu.enqueue_dma source(%arg11 : memref<80x128xf32, #tpu.memory_space<vmem>>) target(%dma_start3A_576 : memref<80x128xf32, #tpu.memory_space<vmem_shared>>) target_semaphore(%run_scoped3A : memref<!tpu.dma_semaphore, #tpu.memory_space<semaphore_mem>>)
      %dma_wait3A_577 = arith.constant 0 : i32
      %dma_wait3A_578 = tpu.memref_slice %arg13[%add3A_184, %dma_wait3A_577] : memref<10240x128xf32, #tpu.memory_space<vmem_shared>> -> memref<80x128xf32, #tpu.memory_space<vmem_shared>>
      %dma_wait3A_579 = arith.constant 0 : i32
      %dma_wait3A_580 = tpu.memref_slice %arg13[%add3A_184, %dma_wait3A_579] : memref<10240x128xf32, #tpu.memory_space<vmem_shared>> -> memref<80x128xf32, #tpu.memory_space<vmem_shared>>
      tpu.wait_dma2 semaphore(%run_scoped3A : memref<!tpu.dma_semaphore, #tpu.memory_space<semaphore_mem>>) src(%arg11 : memref<80x128xf32, #tpu.memory_space<vmem>>) dst(%dma_wait3A_580 : memref<80x128xf32, #tpu.memory_space<vmem_shared>>)
      tpu.yield
    }) : () -> ()
    %barrier3A = arith.constant 0 : index
    tpu.barrier barrier_id(%barrier3A)
    %add3A_185 = arith.constant 0 : i32
    %add3A_186 = arith.addi %mul3A_4, %add3A_185 : i32
    %add3A_187 = arith.constant 320000 : i32
    %add3A_188 = arith.addi %add3A_187, %add3A_186 : i32
    %dma_wait3A = arith.constant 0 : i32
    %dma_wait3A_189 = arith.constant 0 : i32
    %dma_wait3A_190 = tpu.memref_slice %arg7[%dma_wait3A, %dma_wait3A_189] : memref<4x80xi32, #tpu.memory_space<vmem>> -> memref<1x80xi32, #tpu.memory_space<vmem>>
    %dma_wait3A_191 = tpu.memref_squeeze %dma_wait3A_190 : memref<1x80xi32, #tpu.memory_space<vmem>> -> memref<80xi32, #tpu.memory_space<vmem>>
    %dma_wait3A_192 = tpu.memref_slice %arg3[%add3A_186] : memref<640000xi32, #tpu.memory_space<hbm>> -> memref<80xi32, #tpu.memory_space<hbm>>
    %dma_wait3A_193 = arith.constant 0 : i32
    %dma_wait3A_194 = tpu.memref_slice %arg7[%dma_wait3A, %dma_wait3A_193] : memref<4x80xi32, #tpu.memory_space<vmem>> -> memref<1x80xi32, #tpu.memory_space<vmem>>
    %dma_wait3A_195 = tpu.memref_squeeze %dma_wait3A_194 : memref<1x80xi32, #tpu.memory_space<vmem>> -> memref<80xi32, #tpu.memory_space<vmem>>
    %dma_wait3A_196 = tpu.memref_slice %arg3[%add3A_186] : memref<640000xi32, #tpu.memory_space<hbm>> -> memref<80xi32, #tpu.memory_space<hbm>>
    tpu.wait_dma2 semaphore(%arg16 : memref<!tpu.dma_semaphore, #tpu.memory_space<semaphore_mem>>) src(%dma_wait3A_196 : memref<80xi32, #tpu.memory_space<hbm>>) dst(%dma_wait3A_195 : memref<80xi32, #tpu.memory_space<vmem>>)
    %dma_wait3A_197 = arith.constant 1 : i32
    %dma_wait3A_198 = arith.constant 0 : i32
    %dma_wait3A_199 = tpu.memref_slice %arg7[%dma_wait3A_197, %dma_wait3A_198] : memref<4x80xi32, #tpu.memory_space<vmem>> -> memref<1x80xi32, #tpu.memory_space<vmem>>
    %dma_wait3A_200 = tpu.memref_squeeze %dma_wait3A_199 : memref<1x80xi32, #tpu.memory_space<vmem>> -> memref<80xi32, #tpu.memory_space<vmem>>
    %dma_wait3A_201 = tpu.memref_slice %arg4[%add3A_186] : memref<320000xi32, #tpu.memory_space<hbm>> -> memref<80xi32, #tpu.memory_space<hbm>>
    %dma_wait3A_202 = arith.constant 0 : i32
    %dma_wait3A_203 = tpu.memref_slice %arg7[%dma_wait3A_197, %dma_wait3A_202] : memref<4x80xi32, #tpu.memory_space<vmem>> -> memref<1x80xi32, #tpu.memory_space<vmem>>
    %dma_wait3A_204 = tpu.memref_squeeze %dma_wait3A_203 : memref<1x80xi32, #tpu.memory_space<vmem>> -> memref<80xi32, #tpu.memory_space<vmem>>
    %dma_wait3A_205 = tpu.memref_slice %arg4[%add3A_186] : memref<320000xi32, #tpu.memory_space<hbm>> -> memref<80xi32, #tpu.memory_space<hbm>>
    tpu.wait_dma2 semaphore(%arg16 : memref<!tpu.dma_semaphore, #tpu.memory_space<semaphore_mem>>) src(%dma_wait3A_205 : memref<80xi32, #tpu.memory_space<hbm>>) dst(%dma_wait3A_204 : memref<80xi32, #tpu.memory_space<vmem>>)
    %dma_wait3A_206 = arith.constant 2 : i32
    %dma_wait3A_207 = arith.constant 0 : i32
    %dma_wait3A_208 = tpu.memref_slice %arg7[%dma_wait3A_206, %dma_wait3A_207] : memref<4x80xi32, #tpu.memory_space<vmem>> -> memref<1x80xi32, #tpu.memory_space<vmem>>
    %dma_wait3A_209 = tpu.memref_squeeze %dma_wait3A_208 : memref<1x80xi32, #tpu.memory_space<vmem>> -> memref<80xi32, #tpu.memory_space<vmem>>
    %dma_wait3A_210 = tpu.memref_slice %arg5[%add3A_186] : memref<320000xi32, #tpu.memory_space<hbm>> -> memref<80xi32, #tpu.memory_space<hbm>>
    %dma_wait3A_211 = arith.constant 0 : i32
    %dma_wait3A_212 = tpu.memref_slice %arg7[%dma_wait3A_206, %dma_wait3A_211] : memref<4x80xi32, #tpu.memory_space<vmem>> -> memref<1x80xi32, #tpu.memory_space<vmem>>
    %dma_wait3A_213 = tpu.memref_squeeze %dma_wait3A_212 : memref<1x80xi32, #tpu.memory_space<vmem>> -> memref<80xi32, #tpu.memory_space<vmem>>
    %dma_wait3A_214 = tpu.memref_slice %arg5[%add3A_186] : memref<320000xi32, #tpu.memory_space<hbm>> -> memref<80xi32, #tpu.memory_space<hbm>>
    tpu.wait_dma2 semaphore(%arg16 : memref<!tpu.dma_semaphore, #tpu.memory_space<semaphore_mem>>) src(%dma_wait3A_214 : memref<80xi32, #tpu.memory_space<hbm>>) dst(%dma_wait3A_213 : memref<80xi32, #tpu.memory_space<vmem>>)
    %dma_wait3A_215 = arith.constant 3 : i32
    %dma_wait3A_216 = arith.constant 0 : i32
    %dma_wait3A_217 = tpu.memref_slice %arg7[%dma_wait3A_215, %dma_wait3A_216] : memref<4x80xi32, #tpu.memory_space<vmem>> -> memref<1x80xi32, #tpu.memory_space<vmem>>
    %dma_wait3A_218 = tpu.memref_squeeze %dma_wait3A_217 : memref<1x80xi32, #tpu.memory_space<vmem>> -> memref<80xi32, #tpu.memory_space<vmem>>
    %dma_wait3A_219 = tpu.memref_slice %arg3[%add3A_188] : memref<640000xi32, #tpu.memory_space<hbm>> -> memref<80xi32, #tpu.memory_space<hbm>>
    %dma_wait3A_220 = arith.constant 0 : i32
    %dma_wait3A_221 = tpu.memref_slice %arg7[%dma_wait3A_215, %dma_wait3A_220] : memref<4x80xi32, #tpu.memory_space<vmem>> -> memref<1x80xi32, #tpu.memory_space<vmem>>
    %dma_wait3A_222 = tpu.memref_squeeze %dma_wait3A_221 : memref<1x80xi32, #tpu.memory_space<vmem>> -> memref<80xi32, #tpu.memory_space<vmem>>
    %dma_wait3A_223 = tpu.memref_slice %arg3[%add3A_188] : memref<640000xi32, #tpu.memory_space<hbm>> -> memref<80xi32, #tpu.memory_space<hbm>>
    tpu.wait_dma2 semaphore(%arg16 : memref<!tpu.dma_semaphore, #tpu.memory_space<semaphore_mem>>) src(%dma_wait3A_223 : memref<80xi32, #tpu.memory_space<hbm>>) dst(%dma_wait3A_222 : memref<80xi32, #tpu.memory_space<vmem>>)
    %get3A = arith.constant 0 : i32
    %get3A_224 = arith.index_cast %get3A : i32 to index
    %get3A_225 = arith.constant 0 : index
    %get3A_226 = tpu.vector_load %arg7[%get3A_224, %get3A_225] {strides = array<i32>} : memref<4x80xi32, #tpu.memory_space<vmem>>, vector<1x16xi32>,
    %get3A_227 = vector.shape_cast %get3A_226 : vector<1x16xi32> to vector<16xi32>
    %mul3A_228 = arith.constant 4 : i32
    %mul3A_229 = vector.broadcast %mul3A_228 : i32 to vector<16xi32>
    %mul3A_230 = arith.muli %get3A_227, %mul3A_229 : vector<16xi32>
    %get3A_231 = arith.constant 1 : i32
    %get3A_232 = arith.index_cast %get3A_231 : i32 to index
    %get3A_233 = arith.constant 0 : index
    %get3A_234 = tpu.vector_load %arg7[%get3A_232, %get3A_233] {strides = array<i32>} : memref<4x80xi32, #tpu.memory_space<vmem>>, vector<1x16xi32>,
    %get3A_235 = vector.shape_cast %get3A_234 : vector<1x16xi32> to vector<16xi32>
    %mul3A_236 = arith.constant 2 : i32
    %mul3A_237 = vector.broadcast %mul3A_236 : i32 to vector<16xi32>
    %mul3A_238 = arith.muli %get3A_235, %mul3A_237 : vector<16xi32>
    %add3A_239 = arith.addi %mul3A_230, %mul3A_238 : vector<16xi32>
    %get3A_240 = arith.constant 2 : i32
    %get3A_241 = arith.index_cast %get3A_240 : i32 to index
    %get3A_242 = arith.constant 0 : index
    %get3A_243 = tpu.vector_load %arg7[%get3A_241, %get3A_242] {strides = array<i32>} : memref<4x80xi32, #tpu.memory_space<vmem>>, vector<1x16xi32>,
    %get3A_244 = vector.shape_cast %get3A_243 : vector<1x16xi32> to vector<16xi32>
    %add3A_245 = arith.addi %add3A_239, %get3A_244 : vector<16xi32>
    %swap3A = arith.constant 0 : i32
    %swap3A_246 = arith.index_cast %swap3A : i32 to index
    %swap3A_247 = arith.constant 0 : index
    %swap3A_248 = tpu.vector_load %arg7[%swap3A_246, %swap3A_247] {strides = array<i32>} : memref<4x80xi32, #tpu.memory_space<vmem>>, vector<1x16xi32>,
    %swap3A_249 = vector.shape_cast %swap3A_248 : vector<1x16xi32> to vector<16xi32>
    %swap3A_250 = vector.shape_cast %add3A_245 : vector<16xi32> to vector<1x16xi32>
    tpu.vector_store %arg7[%swap3A_246, %swap3A_247], %swap3A_250 {strides = array<i32>} : memref<4x80xi32, #tpu.memory_space<vmem>>, vector<1x16xi32>,
    %get3A_251 = arith.constant 0 : i32
    %get3A_252 = arith.index_cast %get3A_251 : i32 to index
    %get3A_253 = arith.constant 16 : index
    %get3A_254 = tpu.vector_load %arg7[%get3A_252, %get3A_253] {strides = array<i32>} : memref<4x80xi32, #tpu.memory_space<vmem>>, vector<1x16xi32>,
    %get3A_255 = vector.shape_cast %get3A_254 : vector<1x16xi32> to vector<16xi32>
    %mul3A_256 = arith.constant 4 : i32
    %mul3A_257 = vector.broadcast %mul3A_256 : i32 to vector<16xi32>
    %mul3A_258 = arith.muli %get3A_255, %mul3A_257 : vector<16xi32>
    %get3A_259 = arith.constant 1 : i32
    %get3A_260 = arith.index_cast %get3A_259 : i32 to index
    %get3A_261 = arith.constant 16 : index
    %get3A_262 = tpu.vector_load %arg7[%get3A_260, %get3A_261] {strides = array<i32>} : memref<4x80xi32, #tpu.memory_space<vmem>>, vector<1x16xi32>,
    %get3A_263 = vector.shape_cast %get3A_262 : vector<1x16xi32> to vector<16xi32>
    %mul3A_264 = arith.constant 2 : i32
    %mul3A_265 = vector.broadcast %mul3A_264 : i32 to vector<16xi32>
    %mul3A_266 = arith.muli %get3A_263, %mul3A_265 : vector<16xi32>
    %add3A_267 = arith.addi %mul3A_258, %mul3A_266 : vector<16xi32>
    %get3A_268 = arith.constant 2 : i32
    %get3A_269 = arith.index_cast %get3A_268 : i32 to index
    %get3A_270 = arith.constant 16 : index
    %get3A_271 = tpu.vector_load %arg7[%get3A_269, %get3A_270] {strides = array<i32>} : memref<4x80xi32, #tpu.memory_space<vmem>>, vector<1x16xi32>,
    %get3A_272 = vector.shape_cast %get3A_271 : vector<1x16xi32> to vector<16xi32>
    %add3A_273 = arith.addi %add3A_267, %get3A_272 : vector<16xi32>
    %swap3A_274 = arith.constant 0 : i32
    %swap3A_275 = arith.index_cast %swap3A_274 : i32 to index
    %swap3A_276 = arith.constant 16 : index
    %swap3A_277 = tpu.vector_load %arg7[%swap3A_275, %swap3A_276] {strides = array<i32>} : memref<4x80xi32, #tpu.memory_space<vmem>>, vector<1x16xi32>,
    %swap3A_278 = vector.shape_cast %swap3A_277 : vector<1x16xi32> to vector<16xi32>
    %swap3A_279 = vector.shape_cast %add3A_273 : vector<16xi32> to vector<1x16xi32>
    tpu.vector_store %arg7[%swap3A_275, %swap3A_276], %swap3A_279 {strides = array<i32>} : memref<4x80xi32, #tpu.memory_space<vmem>>, vector<1x16xi32>,
    %get3A_280 = arith.constant 0 : i32
    %get3A_281 = arith.index_cast %get3A_280 : i32 to index
    %get3A_282 = arith.constant 32 : index
    %get3A_283 = tpu.vector_load %arg7[%get3A_281, %get3A_282] {strides = array<i32>} : memref<4x80xi32, #tpu.memory_space<vmem>>, vector<1x16xi32>,
    %get3A_284 = vector.shape_cast %get3A_283 : vector<1x16xi32> to vector<16xi32>
    %mul3A_285 = arith.constant 4 : i32
    %mul3A_286 = vector.broadcast %mul3A_285 : i32 to vector<16xi32>
    %mul3A_287 = arith.muli %get3A_284, %mul3A_286 : vector<16xi32>
    %get3A_288 = arith.constant 1 : i32
    %get3A_289 = arith.index_cast %get3A_288 : i32 to index
    %get3A_290 = arith.constant 32 : index
    %get3A_291 = tpu.vector_load %arg7[%get3A_289, %get3A_290] {strides = array<i32>} : memref<4x80xi32, #tpu.memory_space<vmem>>, vector<1x16xi32>,
    %get3A_292 = vector.shape_cast %get3A_291 : vector<1x16xi32> to vector<16xi32>
    %mul3A_293 = arith.constant 2 : i32
    %mul3A_294 = vector.broadcast %mul3A_293 : i32 to vector<16xi32>
    %mul3A_295 = arith.muli %get3A_292, %mul3A_294 : vector<16xi32>
    %add3A_296 = arith.addi %mul3A_287, %mul3A_295 : vector<16xi32>
    %get3A_297 = arith.constant 2 : i32
    %get3A_298 = arith.index_cast %get3A_297 : i32 to index
    %get3A_299 = arith.constant 32 : index
    %get3A_300 = tpu.vector_load %arg7[%get3A_298, %get3A_299] {strides = array<i32>} : memref<4x80xi32, #tpu.memory_space<vmem>>, vector<1x16xi32>,
    %get3A_301 = vector.shape_cast %get3A_300 : vector<1x16xi32> to vector<16xi32>
    %add3A_302 = arith.addi %add3A_296, %get3A_301 : vector<16xi32>
    %swap3A_303 = arith.constant 0 : i32
    %swap3A_304 = arith.index_cast %swap3A_303 : i32 to index
    %swap3A_305 = arith.constant 32 : index
    %swap3A_306 = tpu.vector_load %arg7[%swap3A_304, %swap3A_305] {strides = array<i32>} : memref<4x80xi32, #tpu.memory_space<vmem>>, vector<1x16xi32>,
    %swap3A_307 = vector.shape_cast %swap3A_306 : vector<1x16xi32> to vector<16xi32>
    %swap3A_308 = vector.shape_cast %add3A_302 : vector<16xi32> to vector<1x16xi32>
    tpu.vector_store %arg7[%swap3A_304, %swap3A_305], %swap3A_308 {strides = array<i32>} : memref<4x80xi32, #tpu.memory_space<vmem>>, vector<1x16xi32>,
    %get3A_309 = arith.constant 0 : i32
    %get3A_310 = arith.index_cast %get3A_309 : i32 to index
    %get3A_311 = arith.constant 48 : index
    %get3A_312 = tpu.vector_load %arg7[%get3A_310, %get3A_311] {strides = array<i32>} : memref<4x80xi32, #tpu.memory_space<vmem>>, vector<1x16xi32>,
    %get3A_313 = vector.shape_cast %get3A_312 : vector<1x16xi32> to vector<16xi32>
    %mul3A_314 = arith.constant 4 : i32
    %mul3A_315 = vector.broadcast %mul3A_314 : i32 to vector<16xi32>
    %mul3A_316 = arith.muli %get3A_313, %mul3A_315 : vector<16xi32>
    %get3A_317 = arith.constant 1 : i32
    %get3A_318 = arith.index_cast %get3A_317 : i32 to index
    %get3A_319 = arith.constant 48 : index
    %get3A_320 = tpu.vector_load %arg7[%get3A_318, %get3A_319] {strides = array<i32>} : memref<4x80xi32, #tpu.memory_space<vmem>>, vector<1x16xi32>,
    %get3A_321 = vector.shape_cast %get3A_320 : vector<1x16xi32> to vector<16xi32>
    %mul3A_322 = arith.constant 2 : i32
    %mul3A_323 = vector.broadcast %mul3A_322 : i32 to vector<16xi32>
    %mul3A_324 = arith.muli %get3A_321, %mul3A_323 : vector<16xi32>
    %add3A_325 = arith.addi %mul3A_316, %mul3A_324 : vector<16xi32>
    %get3A_326 = arith.constant 2 : i32
    %get3A_327 = arith.index_cast %get3A_326 : i32 to index
    %get3A_328 = arith.constant 48 : index
    %get3A_329 = tpu.vector_load %arg7[%get3A_327, %get3A_328] {strides = array<i32>} : memref<4x80xi32, #tpu.memory_space<vmem>>, vector<1x16xi32>,
    %get3A_330 = vector.shape_cast %get3A_329 : vector<1x16xi32> to vector<16xi32>
    %add3A_331 = arith.addi %add3A_325, %get3A_330 : vector<16xi32>
    %swap3A_332 = arith.constant 0 : i32
    %swap3A_333 = arith.index_cast %swap3A_332 : i32 to index
    %swap3A_334 = arith.constant 48 : index
    %swap3A_335 = tpu.vector_load %arg7[%swap3A_333, %swap3A_334] {strides = array<i32>} : memref<4x80xi32, #tpu.memory_space<vmem>>, vector<1x16xi32>,
    %swap3A_336 = vector.shape_cast %swap3A_335 : vector<1x16xi32> to vector<16xi32>
    %swap3A_337 = vector.shape_cast %add3A_331 : vector<16xi32> to vector<1x16xi32>
    tpu.vector_store %arg7[%swap3A_333, %swap3A_334], %swap3A_337 {strides = array<i32>} : memref<4x80xi32, #tpu.memory_space<vmem>>, vector<1x16xi32>,
    %get3A_338 = arith.constant 0 : i32
    %get3A_339 = arith.index_cast %get3A_338 : i32 to index
    %get3A_340 = arith.constant 64 : index
    %get3A_341 = tpu.vector_load %arg7[%get3A_339, %get3A_340] {strides = array<i32>} : memref<4x80xi32, #tpu.memory_space<vmem>>, vector<1x16xi32>,
    %get3A_342 = vector.shape_cast %get3A_341 : vector<1x16xi32> to vector<16xi32>
    %mul3A_343 = arith.constant 4 : i32
    %mul3A_344 = vector.broadcast %mul3A_343 : i32 to vector<16xi32>
    %mul3A_345 = arith.muli %get3A_342, %mul3A_344 : vector<16xi32>
    %get3A_346 = arith.constant 1 : i32
    %get3A_347 = arith.index_cast %get3A_346 : i32 to index
    %get3A_348 = arith.constant 64 : index
    %get3A_349 = tpu.vector_load %arg7[%get3A_347, %get3A_348] {strides = array<i32>} : memref<4x80xi32, #tpu.memory_space<vmem>>, vector<1x16xi32>,
    %get3A_350 = vector.shape_cast %get3A_349 : vector<1x16xi32> to vector<16xi32>
    %mul3A_351 = arith.constant 2 : i32
    %mul3A_352 = vector.broadcast %mul3A_351 : i32 to vector<16xi32>
    %mul3A_353 = arith.muli %get3A_350, %mul3A_352 : vector<16xi32>
    %add3A_354 = arith.addi %mul3A_345, %mul3A_353 : vector<16xi32>
    %get3A_355 = arith.constant 2 : i32
    %get3A_356 = arith.index_cast %get3A_355 : i32 to index
    %get3A_357 = arith.constant 64 : index
    %get3A_358 = tpu.vector_load %arg7[%get3A_356, %get3A_357] {strides = array<i32>} : memref<4x80xi32, #tpu.memory_space<vmem>>, vector<1x16xi32>,
    %get3A_359 = vector.shape_cast %get3A_358 : vector<1x16xi32> to vector<16xi32>
    %add3A_360 = arith.addi %add3A_354, %get3A_359 : vector<16xi32>
    %swap3A_361 = arith.constant 0 : i32
    %swap3A_362 = arith.index_cast %swap3A_361 : i32 to index
    %swap3A_363 = arith.constant 64 : index
    %swap3A_364 = tpu.vector_load %arg7[%swap3A_362, %swap3A_363] {strides = array<i32>} : memref<4x80xi32, #tpu.memory_space<vmem>>, vector<1x16xi32>,
    %swap3A_365 = vector.shape_cast %swap3A_364 : vector<1x16xi32> to vector<16xi32>
    %swap3A_366 = vector.shape_cast %add3A_360 : vector<16xi32> to vector<1x16xi32>
    tpu.vector_store %arg7[%swap3A_362, %swap3A_363], %swap3A_366 {strides = array<i32>} : memref<4x80xi32, #tpu.memory_space<vmem>>, vector<1x16xi32>,
    %dma_start3A_367 = arith.constant 0 : i32
    %dma_start3A_368 = arith.constant 0 : i32
    %dma_start3A_369 = tpu.memref_slice %arg7[%dma_start3A_367, %dma_start3A_368] : memref<4x80xi32, #tpu.memory_space<vmem>> -> memref<1x80xi32, #tpu.memory_space<vmem>>
    %dma_start3A_370 = tpu.memref_squeeze %dma_start3A_369 : memref<1x80xi32, #tpu.memory_space<vmem>> -> memref<80xi32, #tpu.memory_space<vmem>>
    %dma_start3A_371 = arith.constant 0 : i32
    %dma_start3A_372 = arith.constant 0 : i32
    %dma_start3A_373 = tpu.memref_slice %arg2[%dma_start3A_371, %dma_start3A_372] : memref<40000x128xf32, #tpu.memory_space<hbm>> -> memref<40000x128xf32, #tpu.memory_space<hbm>>
    tpu.enqueue_indirect_dma source(%dma_start3A_373 : memref<40000x128xf32, #tpu.memory_space<hbm>>) target(%arg11 : memref<80x128xf32, #tpu.memory_space<vmem>>) offsets(%dma_start3A_370 : memref<80xi32, #tpu.memory_space<vmem>>) semaphore(%arg14 : memref<!tpu.dma_semaphore, #tpu.memory_space<semaphore_mem>>)
    %add3A_374 = arith.constant 80 : i32
    %add3A_375 = arith.addi %mul3A_4, %add3A_374 : i32
    %add3A_376 = arith.constant 320000 : i32
    %add3A_377 = arith.addi %add3A_376, %add3A_375 : i32
    %dma_wait3A_378 = arith.constant 0 : i32
    %dma_wait3A_379 = arith.constant 0 : i32
    %dma_wait3A_380 = tpu.memref_slice %arg8[%dma_wait3A_378, %dma_wait3A_379] : memref<4x80xi32, #tpu.memory_space<vmem>> -> memref<1x80xi32, #tpu.memory_space<vmem>>
    %dma_wait3A_381 = tpu.memref_squeeze %dma_wait3A_380 : memref<1x80xi32, #tpu.memory_space<vmem>> -> memref<80xi32, #tpu.memory_space<vmem>>
    %dma_wait3A_382 = tpu.memref_slice %arg3[%add3A_375] : memref<640000xi32, #tpu.memory_space<hbm>> -> memref<80xi32, #tpu.memory_space<hbm>>
    %dma_wait3A_383 = arith.constant 0 : i32
    %dma_wait3A_384 = tpu.memref_slice %arg8[%dma_wait3A_378, %dma_wait3A_383] : memref<4x80xi32, #tpu.memory_space<vmem>> -> memref<1x80xi32, #tpu.memory_space<vmem>>
    %dma_wait3A_385 = tpu.memref_squeeze %dma_wait3A_384 : memref<1x80xi32, #tpu.memory_space<vmem>> -> memref<80xi32, #tpu.memory_space<vmem>>
    %dma_wait3A_386 = tpu.memref_slice %arg3[%add3A_375] : memref<640000xi32, #tpu.memory_space<hbm>> -> memref<80xi32, #tpu.memory_space<hbm>>
    tpu.wait_dma2 semaphore(%arg17 : memref<!tpu.dma_semaphore, #tpu.memory_space<semaphore_mem>>) src(%dma_wait3A_386 : memref<80xi32, #tpu.memory_space<hbm>>) dst(%dma_wait3A_385 : memref<80xi32, #tpu.memory_space<vmem>>)
    %dma_wait3A_387 = arith.constant 1 : i32
    %dma_wait3A_388 = arith.constant 0 : i32
    %dma_wait3A_389 = tpu.memref_slice %arg8[%dma_wait3A_387, %dma_wait3A_388] : memref<4x80xi32, #tpu.memory_space<vmem>> -> memref<1x80xi32, #tpu.memory_space<vmem>>
    %dma_wait3A_390 = tpu.memref_squeeze %dma_wait3A_389 : memref<1x80xi32, #tpu.memory_space<vmem>> -> memref<80xi32, #tpu.memory_space<vmem>>
    %dma_wait3A_391 = tpu.memref_slice %arg4[%add3A_375] : memref<320000xi32, #tpu.memory_space<hbm>> -> memref<80xi32, #tpu.memory_space<hbm>>
    %dma_wait3A_392 = arith.constant 0 : i32
    %dma_wait3A_393 = tpu.memref_slice %arg8[%dma_wait3A_387, %dma_wait3A_392] : memref<4x80xi32, #tpu.memory_space<vmem>> -> memref<1x80xi32, #tpu.memory_space<vmem>>
    %dma_wait3A_394 = tpu.memref_squeeze %dma_wait3A_393 : memref<1x80xi32, #tpu.memory_space<vmem>> -> memref<80xi32, #tpu.memory_space<vmem>>
    %dma_wait3A_395 = tpu.memref_slice %arg4[%add3A_375] : memref<320000xi32, #tpu.memory_space<hbm>> -> memref<80xi32, #tpu.memory_space<hbm>>
    tpu.wait_dma2 semaphore(%arg17 : memref<!tpu.dma_semaphore, #tpu.memory_space<semaphore_mem>>) src(%dma_wait3A_395 : memref<80xi32, #tpu.memory_space<hbm>>) dst(%dma_wait3A_394 : memref<80xi32, #tpu.memory_space<vmem>>)
    %dma_wait3A_396 = arith.constant 2 : i32
    %dma_wait3A_397 = arith.constant 0 : i32
    %dma_wait3A_398 = tpu.memref_slice %arg8[%dma_wait3A_396, %dma_wait3A_397] : memref<4x80xi32, #tpu.memory_space<vmem>> -> memref<1x80xi32, #tpu.memory_space<vmem>>
    %dma_wait3A_399 = tpu.memref_squeeze %dma_wait3A_398 : memref<1x80xi32, #tpu.memory_space<vmem>> -> memref<80xi32, #tpu.memory_space<vmem>>
    %dma_wait3A_400 = tpu.memref_slice %arg5[%add3A_375] : memref<320000xi32, #tpu.memory_space<hbm>> -> memref<80xi32, #tpu.memory_space<hbm>>
    %dma_wait3A_401 = arith.constant 0 : i32
    %dma_wait3A_402 = tpu.memref_slice %arg8[%dma_wait3A_396, %dma_wait3A_401] : memref<4x80xi32, #tpu.memory_space<vmem>> -> memref<1x80xi32, #tpu.memory_space<vmem>>
    %dma_wait3A_403 = tpu.memref_squeeze %dma_wait3A_402 : memref<1x80xi32, #tpu.memory_space<vmem>> -> memref<80xi32, #tpu.memory_space<vmem>>
    %dma_wait3A_404 = tpu.memref_slice %arg5[%add3A_375] : memref<320000xi32, #tpu.memory_space<hbm>> -> memref<80xi32, #tpu.memory_space<hbm>>
    tpu.wait_dma2 semaphore(%arg17 : memref<!tpu.dma_semaphore, #tpu.memory_space<semaphore_mem>>) src(%dma_wait3A_404 : memref<80xi32, #tpu.memory_space<hbm>>) dst(%dma_wait3A_403 : memref<80xi32, #tpu.memory_space<vmem>>)
    %dma_wait3A_405 = arith.constant 3 : i32
    %dma_wait3A_406 = arith.constant 0 : i32
    %dma_wait3A_407 = tpu.memref_slice %arg8[%dma_wait3A_405, %dma_wait3A_406] : memref<4x80xi32, #tpu.memory_space<vmem>> -> memref<1x80xi32, #tpu.memory_space<vmem>>
    %dma_wait3A_408 = tpu.memref_squeeze %dma_wait3A_407 : memref<1x80xi32, #tpu.memory_space<vmem>> -> memref<80xi32, #tpu.memory_space<vmem>>
    %dma_wait3A_409 = tpu.memref_slice %arg3[%add3A_377] : memref<640000xi32, #tpu.memory_space<hbm>> -> memref<80xi32, #tpu.memory_space<hbm>>
    %dma_wait3A_410 = arith.constant 0 : i32
    %dma_wait3A_411 = tpu.memref_slice %arg8[%dma_wait3A_405, %dma_wait3A_410] : memref<4x80xi32, #tpu.memory_space<vmem>> -> memref<1x80xi32, #tpu.memory_space<vmem>>
    %dma_wait3A_412 = tpu.memref_squeeze %dma_wait3A_411 : memref<1x80xi32, #tpu.memory_space<vmem>> -> memref<80xi32, #tpu.memory_space<vmem>>
    %dma_wait3A_413 = tpu.memref_slice %arg3[%add3A_377] : memref<640000xi32, #tpu.memory_space<hbm>> -> memref<80xi32, #tpu.memory_space<hbm>>
    tpu.wait_dma2 semaphore(%arg17 : memref<!tpu.dma_semaphore, #tpu.memory_space<semaphore_mem>>) src(%dma_wait3A_413 : memref<80xi32, #tpu.memory_space<hbm>>) dst(%dma_wait3A_412 : memref<80xi32, #tpu.memory_space<vmem>>)
    %get3A_414 = arith.constant 0 : i32
    %get3A_415 = arith.index_cast %get3A_414 : i32 to index
    %get3A_416 = arith.constant 0 : index
    %get3A_417 = tpu.vector_load %arg8[%get3A_415, %get3A_416] {strides = array<i32>} : memref<4x80xi32, #tpu.memory_space<vmem>>, vector<1x16xi32>,
    %get3A_418 = vector.shape_cast %get3A_417 : vector<1x16xi32> to vector<16xi32>
    %mul3A_419 = arith.constant 4 : i32
    %mul3A_420 = vector.broadcast %mul3A_419 : i32 to vector<16xi32>
    %mul3A_421 = arith.muli %get3A_418, %mul3A_420 : vector<16xi32>
    %get3A_422 = arith.constant 1 : i32
    %get3A_423 = arith.index_cast %get3A_422 : i32 to index
    %get3A_424 = arith.constant 0 : index
    %get3A_425 = tpu.vector_load %arg8[%get3A_423, %get3A_424] {strides = array<i32>} : memref<4x80xi32, #tpu.memory_space<vmem>>, vector<1x16xi32>,
    %get3A_426 = vector.shape_cast %get3A_425 : vector<1x16xi32> to vector<16xi32>
    %mul3A_427 = arith.constant 2 : i32
    %mul3A_428 = vector.broadcast %mul3A_427 : i32 to vector<16xi32>
    %mul3A_429 = arith.muli %get3A_426, %mul3A_428 : vector<16xi32>
    %add3A_430 = arith.addi %mul3A_421, %mul3A_429 : vector<16xi32>
    %get3A_431 = arith.constant 2 : i32
    %get3A_432 = arith.index_cast %get3A_431 : i32 to index
    %get3A_433 = arith.constant 0 : index
    %get3A_434 = tpu.vector_load %arg8[%get3A_432, %get3A_433] {strides = array<i32>} : memref<4x80xi32, #tpu.memory_space<vmem>>, vector<1x16xi32>,
    %get3A_435 = vector.shape_cast %get3A_434 : vector<1x16xi32> to vector<16xi32>
    %add3A_436 = arith.addi %add3A_430, %get3A_435 : vector<16xi32>
    %swap3A_437 = arith.constant 0 : i32
    %swap3A_438 = arith.index_cast %swap3A_437 : i32 to index
    %swap3A_439 = arith.constant 0 : index
    %swap3A_440 = tpu.vector_load %arg8[%swap3A_438, %swap3A_439] {strides = array<i32>} : memref<4x80xi32, #tpu.memory_space<vmem>>, vector<1x16xi32>,
    %swap3A_441 = vector.shape_cast %swap3A_440 : vector<1x16xi32> to vector<16xi32>
    %swap3A_442 = vector.shape_cast %add3A_436 : vector<16xi32> to vector<1x16xi32>
    tpu.vector_store %arg8[%swap3A_438, %swap3A_439], %swap3A_442 {strides = array<i32>} : memref<4x80xi32, #tpu.memory_space<vmem>>, vector<1x16xi32>,
    %get3A_443 = arith.constant 0 : i32
    %get3A_444 = arith.index_cast %get3A_443 : i32 to index
    %get3A_445 = arith.constant 16 : index
    %get3A_446 = tpu.vector_load %arg8[%get3A_444, %get3A_445] {strides = array<i32>} : memref<4x80xi32, #tpu.memory_space<vmem>>, vector<1x16xi32>,
    %get3A_447 = vector.shape_cast %get3A_446 : vector<1x16xi32> to vector<16xi32>
    %mul3A_448 = arith.constant 4 : i32
    %mul3A_449 = vector.broadcast %mul3A_448 : i32 to vector<16xi32>
    %mul3A_450 = arith.muli %get3A_447, %mul3A_449 : vector<16xi32>
    %get3A_451 = arith.constant 1 : i32
    %get3A_452 = arith.index_cast %get3A_451 : i32 to index
    %get3A_453 = arith.constant 16 : index
    %get3A_454 = tpu.vector_load %arg8[%get3A_452, %get3A_453] {strides = array<i32>} : memref<4x80xi32, #tpu.memory_space<vmem>>, vector<1x16xi32>,
    %get3A_455 = vector.shape_cast %get3A_454 : vector<1x16xi32> to vector<16xi32>
    %mul3A_456 = arith.constant 2 : i32
    %mul3A_457 = vector.broadcast %mul3A_456 : i32 to vector<16xi32>
    %mul3A_458 = arith.muli %get3A_455, %mul3A_457 : vector<16xi32>
    %add3A_459 = arith.addi %mul3A_450, %mul3A_458 : vector<16xi32>
    %get3A_460 = arith.constant 2 : i32
    %get3A_461 = arith.index_cast %get3A_460 : i32 to index
    %get3A_462 = arith.constant 16 : index
    %get3A_463 = tpu.vector_load %arg8[%get3A_461, %get3A_462] {strides = array<i32>} : memref<4x80xi32, #tpu.memory_space<vmem>>, vector<1x16xi32>,
    %get3A_464 = vector.shape_cast %get3A_463 : vector<1x16xi32> to vector<16xi32>
    %add3A_465 = arith.addi %add3A_459, %get3A_464 : vector<16xi32>
    %swap3A_466 = arith.constant 0 : i32
    %swap3A_467 = arith.index_cast %swap3A_466 : i32 to index
    %swap3A_468 = arith.constant 16 : index
    %swap3A_469 = tpu.vector_load %arg8[%swap3A_467, %swap3A_468] {strides = array<i32>} : memref<4x80xi32, #tpu.memory_space<vmem>>, vector<1x16xi32>,
    %swap3A_470 = vector.shape_cast %swap3A_469 : vector<1x16xi32> to vector<16xi32>
    %swap3A_471 = vector.shape_cast %add3A_465 : vector<16xi32> to vector<1x16xi32>
    tpu.vector_store %arg8[%swap3A_467, %swap3A_468], %swap3A_471 {strides = array<i32>} : memref<4x80xi32, #tpu.memory_space<vmem>>, vector<1x16xi32>,
    %get3A_472 = arith.constant 0 : i32
    %get3A_473 = arith.index_cast %get3A_472 : i32 to index
    %get3A_474 = arith.constant 32 : index
    %get3A_475 = tpu.vector_load %arg8[%get3A_473, %get3A_474] {strides = array<i32>} : memref<4x80xi32, #tpu.memory_space<vmem>>, vector<1x16xi32>,
    %get3A_476 = vector.shape_cast %get3A_475 : vector<1x16xi32> to vector<16xi32>
    %mul3A_477 = arith.constant 4 : i32
    %mul3A_478 = vector.broadcast %mul3A_477 : i32 to vector<16xi32>
    %mul3A_479 = arith.muli %get3A_476, %mul3A_478 : vector<16xi32>
    %get3A_480 = arith.constant 1 : i32
    %get3A_481 = arith.index_cast %get3A_480 : i32 to index
    %get3A_482 = arith.constant 32 : index
    %get3A_483 = tpu.vector_load %arg8[%get3A_481, %get3A_482] {strides = array<i32>} : memref<4x80xi32, #tpu.memory_space<vmem>>, vector<1x16xi32>,
    %get3A_484 = vector.shape_cast %get3A_483 : vector<1x16xi32> to vector<16xi32>
    %mul3A_485 = arith.constant 2 : i32
    %mul3A_486 = vector.broadcast %mul3A_485 : i32 to vector<16xi32>
    %mul3A_487 = arith.muli %get3A_484, %mul3A_486 : vector<16xi32>
    %add3A_488 = arith.addi %mul3A_479, %mul3A_487 : vector<16xi32>
    %get3A_489 = arith.constant 2 : i32
    %get3A_490 = arith.index_cast %get3A_489 : i32 to index
    %get3A_491 = arith.constant 32 : index
    %get3A_492 = tpu.vector_load %arg8[%get3A_490, %get3A_491] {strides = array<i32>} : memref<4x80xi32, #tpu.memory_space<vmem>>, vector<1x16xi32>,
    %get3A_493 = vector.shape_cast %get3A_492 : vector<1x16xi32> to vector<16xi32>
    %add3A_494 = arith.addi %add3A_488, %get3A_493 : vector<16xi32>
    %swap3A_495 = arith.constant 0 : i32
    %swap3A_496 = arith.index_cast %swap3A_495 : i32 to index
    %swap3A_497 = arith.constant 32 : index
    %swap3A_498 = tpu.vector_load %arg8[%swap3A_496, %swap3A_497] {strides = array<i32>} : memref<4x80xi32, #tpu.memory_space<vmem>>, vector<1x16xi32>,
    %swap3A_499 = vector.shape_cast %swap3A_498 : vector<1x16xi32> to vector<16xi32>
    %swap3A_500 = vector.shape_cast %add3A_494 : vector<16xi32> to vector<1x16xi32>
    tpu.vector_store %arg8[%swap3A_496, %swap3A_497], %swap3A_500 {strides = array<i32>} : memref<4x80xi32, #tpu.memory_space<vmem>>, vector<1x16xi32>,
    %get3A_501 = arith.constant 0 : i32
    %get3A_502 = arith.index_cast %get3A_501 : i32 to index
    %get3A_503 = arith.constant 48 : index
    %get3A_504 = tpu.vector_load %arg8[%get3A_502, %get3A_503] {strides = array<i32>} : memref<4x80xi32, #tpu.memory_space<vmem>>, vector<1x16xi32>,
    %get3A_505 = vector.shape_cast %get3A_504 : vector<1x16xi32> to vector<16xi32>
    %mul3A_506 = arith.constant 4 : i32
    %mul3A_507 = vector.broadcast %mul3A_506 : i32 to vector<16xi32>
    %mul3A_508 = arith.muli %get3A_505, %mul3A_507 : vector<16xi32>
    %get3A_509 = arith.constant 1 : i32
    %get3A_510 = arith.index_cast %get3A_509 : i32 to index
    %get3A_511 = arith.constant 48 : index
    %get3A_512 = tpu.vector_load %arg8[%get3A_510, %get3A_511] {strides = array<i32>} : memref<4x80xi32, #tpu.memory_space<vmem>>, vector<1x16xi32>,
    %get3A_513 = vector.shape_cast %get3A_512 : vector<1x16xi32> to vector<16xi32>
    %mul3A_514 = arith.constant 2 : i32
    %mul3A_515 = vector.broadcast %mul3A_514 : i32 to vector<16xi32>
    %mul3A_516 = arith.muli %get3A_513, %mul3A_515 : vector<16xi32>
    %add3A_517 = arith.addi %mul3A_508, %mul3A_516 : vector<16xi32>
    %get3A_518 = arith.constant 2 : i32
    %get3A_519 = arith.index_cast %get3A_518 : i32 to index
    %get3A_520 = arith.constant 48 : index
    %get3A_521 = tpu.vector_load %arg8[%get3A_519, %get3A_520] {strides = array<i32>} : memref<4x80xi32, #tpu.memory_space<vmem>>, vector<1x16xi32>,
    %get3A_522 = vector.shape_cast %get3A_521 : vector<1x16xi32> to vector<16xi32>
    %add3A_523 = arith.addi %add3A_517, %get3A_522 : vector<16xi32>
    %swap3A_524 = arith.constant 0 : i32
    %swap3A_525 = arith.index_cast %swap3A_524 : i32 to index
    %swap3A_526 = arith.constant 48 : index
    %swap3A_527 = tpu.vector_load %arg8[%swap3A_525, %swap3A_526] {strides = array<i32>} : memref<4x80xi32, #tpu.memory_space<vmem>>, vector<1x16xi32>,
    %swap3A_528 = vector.shape_cast %swap3A_527 : vector<1x16xi32> to vector<16xi32>
    %swap3A_529 = vector.shape_cast %add3A_523 : vector<16xi32> to vector<1x16xi32>
    tpu.vector_store %arg8[%swap3A_525, %swap3A_526], %swap3A_529 {strides = array<i32>} : memref<4x80xi32, #tpu.memory_space<vmem>>, vector<1x16xi32>,
    %get3A_530 = arith.constant 0 : i32
    %get3A_531 = arith.index_cast %get3A_530 : i32 to index
    %get3A_532 = arith.constant 64 : index
    %get3A_533 = tpu.vector_load %arg8[%get3A_531, %get3A_532] {strides = array<i32>} : memref<4x80xi32, #tpu.memory_space<vmem>>, vector<1x16xi32>,
    %get3A_534 = vector.shape_cast %get3A_533 : vector<1x16xi32> to vector<16xi32>
    %mul3A_535 = arith.constant 4 : i32
    %mul3A_536 = vector.broadcast %mul3A_535 : i32 to vector<16xi32>
    %mul3A_537 = arith.muli %get3A_534, %mul3A_536 : vector<16xi32>
    %get3A_538 = arith.constant 1 : i32
    %get3A_539 = arith.index_cast %get3A_538 : i32 to index
    %get3A_540 = arith.constant 64 : index
    %get3A_541 = tpu.vector_load %arg8[%get3A_539, %get3A_540] {strides = array<i32>} : memref<4x80xi32, #tpu.memory_space<vmem>>, vector<1x16xi32>,
    %get3A_542 = vector.shape_cast %get3A_541 : vector<1x16xi32> to vector<16xi32>
    %mul3A_543 = arith.constant 2 : i32
    %mul3A_544 = vector.broadcast %mul3A_543 : i32 to vector<16xi32>
    %mul3A_545 = arith.muli %get3A_542, %mul3A_544 : vector<16xi32>
    %add3A_546 = arith.addi %mul3A_537, %mul3A_545 : vector<16xi32>
    %get3A_547 = arith.constant 2 : i32
    %get3A_548 = arith.index_cast %get3A_547 : i32 to index
    %get3A_549 = arith.constant 64 : index
    %get3A_550 = tpu.vector_load %arg8[%get3A_548, %get3A_549] {strides = array<i32>} : memref<4x80xi32, #tpu.memory_space<vmem>>, vector<1x16xi32>,
    %get3A_551 = vector.shape_cast %get3A_550 : vector<1x16xi32> to vector<16xi32>
    %add3A_552 = arith.addi %add3A_546, %get3A_551 : vector<16xi32>
    %swap3A_553 = arith.constant 0 : i32
    %swap3A_554 = arith.index_cast %swap3A_553 : i32 to index
    %swap3A_555 = arith.constant 64 : index
    %swap3A_556 = tpu.vector_load %arg8[%swap3A_554, %swap3A_555] {strides = array<i32>} : memref<4x80xi32, #tpu.memory_space<vmem>>, vector<1x16xi32>,
    %swap3A_557 = vector.shape_cast %swap3A_556 : vector<1x16xi32> to vector<16xi32>
    %swap3A_558 = vector.shape_cast %add3A_552 : vector<16xi32> to vector<1x16xi32>
    tpu.vector_store %arg8[%swap3A_554, %swap3A_555], %swap3A_558 {strides = array<i32>} : memref<4x80xi32, #tpu.memory_space<vmem>>, vector<1x16xi32>,
    %dma_start3A_559 = arith.constant 0 : i32
    %dma_start3A_560 = arith.constant 0 : i32
    %dma_start3A_561 = tpu.memref_slice %arg8[%dma_start3A_559, %dma_start3A_560] : memref<4x80xi32, #tpu.memory_space<vmem>> -> memref<1x80xi32, #tpu.memory_space<vmem>>
    %dma_start3A_562 = tpu.memref_squeeze %dma_start3A_561 : memref<1x80xi32, #tpu.memory_space<vmem>> -> memref<80xi32, #tpu.memory_space<vmem>>
    %dma_start3A_563 = arith.constant 0 : i32
    %dma_start3A_564 = arith.constant 0 : i32
    %dma_start3A_565 = tpu.memref_slice %arg2[%dma_start3A_563, %dma_start3A_564] : memref<40000x128xf32, #tpu.memory_space<hbm>> -> memref<40000x128xf32, #tpu.memory_space<hbm>>
    tpu.enqueue_indirect_dma source(%dma_start3A_565 : memref<40000x128xf32, #tpu.memory_space<hbm>>) target(%arg12 : memref<80x128xf32, #tpu.memory_space<vmem>>) offsets(%dma_start3A_562 : memref<80xi32, #tpu.memory_space<vmem>>) semaphore(%arg15 : memref<!tpu.dma_semaphore, #tpu.memory_space<semaphore_mem>>)
    %scan3A_566 = arith.constant 0 : i32
    %scan3A_567 = arith.constant 0 : i32
    %scan3A_568 = arith.constant 125 : i32
    %scan3A_569 = arith.addi %scan3A_567, %scan3A_568 : i32
    %scan3A_570 = arith.constant 1 : i32
    scf.for %scan3A_573 = %scan3A_567 to %scan3A_569 step %scan3A_570  : i32 {
      %jit3A = arith.constant 4 : i32
      %eq3A = arith.constant 0 : i32
      %eq3A_574 = arith.cmpi eq, %jit3A, %eq3A : i32
      %jit3A_575 = arith.constant 1 : i32
      %select_n3A = arith.select %eq3A_574, %jit3A_575, %jit3A : i32
      %rem3A = arith.remsi %scan3A_573, %select_n3A : i32
      %ne3A = arith.constant 0 : i32
      %ne3A_576 = arith.cmpi ne, %rem3A, %ne3A : i32
      %lt3A = arith.constant 0 : i32
      %lt3A_577 = arith.cmpi slt, %rem3A, %lt3A : i32
      %lt3A_578 = arith.constant 0 : i32
      %lt3A_579 = arith.cmpi slt, %select_n3A, %lt3A_578 : i32
      %ne3A_580 = arith.xori %lt3A_577, %lt3A_579 : i1
      %and3A = arith.andi %ne3A_580, %ne3A_576 : i1
      %add3A_581 = arith.addi %rem3A, %select_n3A : i32
      %select_n3A_582 = arith.select %and3A, %add3A_581, %rem3A : i32
      %eq3A_583 = arith.constant 0 : i32
      %eq3A_584 = arith.cmpi eq, %select_n3A_582, %eq3A_583 : i32
      %convert_element_type3A = arith.extui %eq3A_584 : i1 to i32
      %cond3A = arith.constant 0 : i32
      %cond3A_585 = arith.cmpi ne, %convert_element_type3A, %cond3A : i32
      scf.if %cond3A_585 {
        %dma_wait3A_649 = arith.constant 0 : i32
        %dma_wait3A_650 = arith.constant 0 : i32
        %dma_wait3A_651 = tpu.memref_slice %arg7[%dma_wait3A_649, %dma_wait3A_650] : memref<4x80xi32, #tpu.memory_space<vmem>> -> memref<1x80xi32, #tpu.memory_space<vmem>>
        %dma_wait3A_652 = tpu.memref_squeeze %dma_wait3A_651 : memref<1x80xi32, #tpu.memory_space<vmem>> -> memref<80xi32, #tpu.memory_space<vmem>>
        %dma_wait3A_653 = arith.constant 0 : i32
        %dma_wait3A_654 = arith.constant 0 : i32
        %dma_wait3A_655 = tpu.memref_slice %arg2[%dma_wait3A_653, %dma_wait3A_654] : memref<40000x128xf32, #tpu.memory_space<hbm>> -> memref<40000x128xf32, #tpu.memory_space<hbm>>
        tpu.wait_indirect_dma semaphore(%arg14 : memref<!tpu.dma_semaphore, #tpu.memory_space<semaphore_mem>>) src(%dma_wait3A_655 : memref<40000x128xf32, #tpu.memory_space<hbm>>) dst(%arg11 : memref<80x128xf32, #tpu.memory_space<vmem>>)
        %run_scoped3A = arith.constant 3 : i32
        "tpu.region"() ({
          %run_scoped3A_670 = tpu.sem_alloc : memref<!tpu.dma_semaphore, #tpu.memory_space<semaphore_mem>>
          %dma_start3A_671 = arith.constant 0 : i32
          %dma_start3A_672 = tpu.memref_slice %arg7[%run_scoped3A, %dma_start3A_671] : memref<4x80xi32, #tpu.memory_space<vmem>> -> memref<1x80xi32, #tpu.memory_space<vmem>>
          %dma_start3A_673 = tpu.memref_squeeze %dma_start3A_672 : memref<1x80xi32, #tpu.memory_space<vmem>> -> memref<80xi32, #tpu.memory_space<vmem>>
          %dma_start3A_674 = arith.constant 0 : i32
          %dma_start3A_675 = arith.constant 0 : i32
          %dma_start3A_676 = tpu.memref_slice %arg13[%dma_start3A_674, %dma_start3A_675] : memref<10240x128xf32, #tpu.memory_space<vmem_shared>> -> memref<10240x128xf32, #tpu.memory_space<vmem_shared>>
          tpu.enqueue_indirect_dma source(%arg11 : memref<80x128xf32, #tpu.memory_space<vmem>>) target(%dma_start3A_676 : memref<10240x128xf32, #tpu.memory_space<vmem_shared>>) offsets(%dma_start3A_673 : memref<80xi32, #tpu.memory_space<vmem>>) semaphore(%run_scoped3A_670 : memref<!tpu.dma_semaphore, #tpu.memory_space<semaphore_mem>>) {add = true}
          %dma_wait3A_677 = arith.constant 0 : i32
          %dma_wait3A_678 = tpu.memref_slice %arg7[%run_scoped3A, %dma_wait3A_677] : memref<4x80xi32, #tpu.memory_space<vmem>> -> memref<1x80xi32, #tpu.memory_space<vmem>>
          %dma_wait3A_679 = tpu.memref_squeeze %dma_wait3A_678 : memref<1x80xi32, #tpu.memory_space<vmem>> -> memref<80xi32, #tpu.memory_space<vmem>>
          %dma_wait3A_680 = arith.constant 0 : i32
          %dma_wait3A_681 = arith.constant 0 : i32
          %dma_wait3A_682 = tpu.memref_slice %arg13[%dma_wait3A_680, %dma_wait3A_681] : memref<10240x128xf32, #tpu.memory_space<vmem_shared>> -> memref<10240x128xf32, #tpu.memory_space<vmem_shared>>
          tpu.wait_indirect_dma semaphore(%run_scoped3A_670 : memref<!tpu.dma_semaphore, #tpu.memory_space<semaphore_mem>>) src(%arg11 : memref<80x128xf32, #tpu.memory_space<vmem>>) dst(%dma_wait3A_682 : memref<10240x128xf32, #tpu.memory_space<vmem_shared>>)
          tpu.yield
        }) : () -> ()
        %add3A_656 = arith.constant 4 : i32
        %add3A_657 = arith.addi %scan3A_573, %add3A_656 : i32
        %lt3A_658 = arith.constant 125 : i32
        %lt3A_659 = arith.cmpi slt, %add3A_657, %lt3A_658 : i32
        %convert_element_type3A_660 = arith.extui %lt3A_659 : i1 to i32
        %cond3A_661 = arith.constant 0 : i32
        %cond3A_662 = arith.cmpi ne, %convert_element_type3A_660, %cond3A_661 : i32
        scf.if %cond3A_662 {
          %add3A_670 = arith.constant 4 : i32
          %add3A_671 = arith.addi %scan3A_573, %add3A_670 : i32
          %mul3A_672 = arith.constant 80 : i32
          %mul3A_673 = arith.muli %add3A_671, %mul3A_672 : i32
          %add3A_674 = arith.addi %mul3A_4, %mul3A_673 : i32
          %add3A_675 = arith.constant 320000 : i32
          %add3A_676 = arith.addi %add3A_675, %add3A_674 : i32
          %dma_start3A_677 = arith.constant 0 : i32
          %dma_start3A_678 = arith.constant 0 : i32
          %dma_start3A_679 = tpu.memref_slice %arg7[%dma_start3A_677, %dma_start3A_678] : memref<4x80xi32, #tpu.memory_space<vmem>> -> memref<1x80xi32, #tpu.memory_space<vmem>>
          %dma_start3A_680 = tpu.memref_squeeze %dma_start3A_679 : memref<1x80xi32, #tpu.memory_space<vmem>> -> memref<80xi32, #tpu.memory_space<vmem>>
          %dma_start3A_681 = tpu.memref_slice %arg3[%add3A_674] : memref<640000xi32, #tpu.memory_space<hbm>> -> memref<80xi32, #tpu.memory_space<hbm>>
          %dma_start3A_682 = arith.constant 0 : i32
          %dma_start3A_683 = tpu.memref_slice %arg7[%dma_start3A_677, %dma_start3A_682] : memref<4x80xi32, #tpu.memory_space<vmem>> -> memref<1x80xi32, #tpu.memory_space<vmem>>
          %dma_start3A_684 = tpu.memref_squeeze %dma_start3A_683 : memref<1x80xi32, #tpu.memory_space<vmem>> -> memref<80xi32, #tpu.memory_space<vmem>>
          %dma_start3A_685 = tpu.memref_slice %arg3[%add3A_674] : memref<640000xi32, #tpu.memory_space<hbm>> -> memref<80xi32, #tpu.memory_space<hbm>>
          tpu.enqueue_dma source(%dma_start3A_685 : memref<80xi32, #tpu.memory_space<hbm>>) target(%dma_start3A_684 : memref<80xi32, #tpu.memory_space<vmem>>) target_semaphore(%arg16 : memref<!tpu.dma_semaphore, #tpu.memory_space<semaphore_mem>>)
          %dma_start3A_686 = arith.constant 1 : i32
          %dma_start3A_687 = arith.constant 0 : i32
          %dma_start3A_688 = tpu.memref_slice %arg7[%dma_start3A_686, %dma_start3A_687] : memref<4x80xi32, #tpu.memory_space<vmem>> -> memref<1x80xi32, #tpu.memory_space<vmem>>
          %dma_start3A_689 = tpu.memref_squeeze %dma_start3A_688 : memref<1x80xi32, #tpu.memory_space<vmem>> -> memref<80xi32, #tpu.memory_space<vmem>>
          %dma_start3A_690 = tpu.memref_slice %arg4[%add3A_674] : memref<320000xi32, #tpu.memory_space<hbm>> -> memref<80xi32, #tpu.memory_space<hbm>>
          %dma_start3A_691 = arith.constant 0 : i32
          %dma_start3A_692 = tpu.memref_slice %arg7[%dma_start3A_686, %dma_start3A_691] : memref<4x80xi32, #tpu.memory_space<vmem>> -> memref<1x80xi32, #tpu.memory_space<vmem>>
          %dma_start3A_693 = tpu.memref_squeeze %dma_start3A_692 : memref<1x80xi32, #tpu.memory_space<vmem>> -> memref<80xi32, #tpu.memory_space<vmem>>
          %dma_start3A_694 = tpu.memref_slice %arg4[%add3A_674] : memref<320000xi32, #tpu.memory_space<hbm>> -> memref<80xi32, #tpu.memory_space<hbm>>
          tpu.enqueue_dma source(%dma_start3A_694 : memref<80xi32, #tpu.memory_space<hbm>>) target(%dma_start3A_693 : memref<80xi32, #tpu.memory_space<vmem>>) target_semaphore(%arg16 : memref<!tpu.dma_semaphore, #tpu.memory_space<semaphore_mem>>)
          %dma_start3A_695 = arith.constant 2 : i32
          %dma_start3A_696 = arith.constant 0 : i32
          %dma_start3A_697 = tpu.memref_slice %arg7[%dma_start3A_695, %dma_start3A_696] : memref<4x80xi32, #tpu.memory_space<vmem>> -> memref<1x80xi32, #tpu.memory_space<vmem>>
          %dma_start3A_698 = tpu.memref_squeeze %dma_start3A_697 : memref<1x80xi32, #tpu.memory_space<vmem>> -> memref<80xi32, #tpu.memory_space<vmem>>
          %dma_start3A_699 = tpu.memref_slice %arg5[%add3A_674] : memref<320000xi32, #tpu.memory_space<hbm>> -> memref<80xi32, #tpu.memory_space<hbm>>
          %dma_start3A_700 = arith.constant 0 : i32
          %dma_start3A_701 = tpu.memref_slice %arg7[%dma_start3A_695, %dma_start3A_700] : memref<4x80xi32, #tpu.memory_space<vmem>> -> memref<1x80xi32, #tpu.memory_space<vmem>>
          %dma_start3A_702 = tpu.memref_squeeze %dma_start3A_701 : memref<1x80xi32, #tpu.memory_space<vmem>> -> memref<80xi32, #tpu.memory_space<vmem>>
          %dma_start3A_703 = tpu.memref_slice %arg5[%add3A_674] : memref<320000xi32, #tpu.memory_space<hbm>> -> memref<80xi32, #tpu.memory_space<hbm>>
          tpu.enqueue_dma source(%dma_start3A_703 : memref<80xi32, #tpu.memory_space<hbm>>) target(%dma_start3A_702 : memref<80xi32, #tpu.memory_space<vmem>>) target_semaphore(%arg16 : memref<!tpu.dma_semaphore, #tpu.memory_space<semaphore_mem>>)
          %dma_start3A_704 = arith.constant 3 : i32
          %dma_start3A_705 = arith.constant 0 : i32
          %dma_start3A_706 = tpu.memref_slice %arg7[%dma_start3A_704, %dma_start3A_705] : memref<4x80xi32, #tpu.memory_space<vmem>> -> memref<1x80xi32, #tpu.memory_space<vmem>>
          %dma_start3A_707 = tpu.memref_squeeze %dma_start3A_706 : memref<1x80xi32, #tpu.memory_space<vmem>> -> memref<80xi32, #tpu.memory_space<vmem>>
          %dma_start3A_708 = tpu.memref_slice %arg3[%add3A_676] : memref<640000xi32, #tpu.memory_space<hbm>> -> memref<80xi32, #tpu.memory_space<hbm>>
          %dma_start3A_709 = arith.constant 0 : i32
          %dma_start3A_710 = tpu.memref_slice %arg7[%dma_start3A_704, %dma_start3A_709] : memref<4x80xi32, #tpu.memory_space<vmem>> -> memref<1x80xi32, #tpu.memory_space<vmem>>
          %dma_start3A_711 = tpu.memref_squeeze %dma_start3A_710 : memref<1x80xi32, #tpu.memory_space<vmem>> -> memref<80xi32, #tpu.memory_space<vmem>>
          %dma_start3A_712 = tpu.memref_slice %arg3[%add3A_676] : memref<640000xi32, #tpu.memory_space<hbm>> -> memref<80xi32, #tpu.memory_space<hbm>>
          tpu.enqueue_dma source(%dma_start3A_712 : memref<80xi32, #tpu.memory_space<hbm>>) target(%dma_start3A_711 : memref<80xi32, #tpu.memory_space<vmem>>) target_semaphore(%arg16 : memref<!tpu.dma_semaphore, #tpu.memory_space<semaphore_mem>>)
        } else {
        }
        %add3A_663 = arith.constant 2 : i32
        %add3A_664 = arith.addi %scan3A_573, %add3A_663 : i32
        %lt3A_665 = arith.constant 125 : i32
        %lt3A_666 = arith.cmpi slt, %add3A_664, %lt3A_665 : i32
        %convert_element_type3A_667 = arith.extui %lt3A_666 : i1 to i32
        %cond3A_668 = arith.constant 0 : i32
        %cond3A_669 = arith.cmpi ne, %convert_element_type3A_667, %cond3A_668 : i32
        scf.if %cond3A_669 {
          %add3A_670 = arith.constant 2 : i32
          %add3A_671 = arith.addi %scan3A_573, %add3A_670 : i32
          %mul3A_672 = arith.constant 80 : i32
          %mul3A_673 = arith.muli %add3A_671, %mul3A_672 : i32
          %add3A_674 = arith.addi %mul3A_4, %mul3A_673 : i32
          %add3A_675 = arith.constant 320000 : i32
          %add3A_676 = arith.addi %add3A_675, %add3A_674 : i32
          %dma_wait3A_677 = arith.constant 0 : i32
          %dma_wait3A_678 = arith.constant 0 : i32
          %dma_wait3A_679 = tpu.memref_slice %arg9[%dma_wait3A_677, %dma_wait3A_678] : memref<4x80xi32, #tpu.memory_space<vmem>> -> memref<1x80xi32, #tpu.memory_space<vmem>>
          %dma_wait3A_680 = tpu.memref_squeeze %dma_wait3A_679 : memref<1x80xi32, #tpu.memory_space<vmem>> -> memref<80xi32, #tpu.memory_space<vmem>>
          %dma_wait3A_681 = tpu.memref_slice %arg3[%add3A_674] : memref<640000xi32, #tpu.memory_space<hbm>> -> memref<80xi32, #tpu.memory_space<hbm>>
          %dma_wait3A_682 = arith.constant 0 : i32
          %dma_wait3A_683 = tpu.memref_slice %arg9[%dma_wait3A_677, %dma_wait3A_682] : memref<4x80xi32, #tpu.memory_space<vmem>> -> memref<1x80xi32, #tpu.memory_space<vmem>>
          %dma_wait3A_684 = tpu.memref_squeeze %dma_wait3A_683 : memref<1x80xi32, #tpu.memory_space<vmem>> -> memref<80xi32, #tpu.memory_space<vmem>>
          %dma_wait3A_685 = tpu.memref_slice %arg3[%add3A_674] : memref<640000xi32, #tpu.memory_space<hbm>> -> memref<80xi32, #tpu.memory_space<hbm>>
          tpu.wait_dma2 semaphore(%arg18 : memref<!tpu.dma_semaphore, #tpu.memory_space<semaphore_mem>>) src(%dma_wait3A_685 : memref<80xi32, #tpu.memory_space<hbm>>) dst(%dma_wait3A_684 : memref<80xi32, #tpu.memory_space<vmem>>)
          %dma_wait3A_686 = arith.constant 1 : i32
          %dma_wait3A_687 = arith.constant 0 : i32
          %dma_wait3A_688 = tpu.memref_slice %arg9[%dma_wait3A_686, %dma_wait3A_687] : memref<4x80xi32, #tpu.memory_space<vmem>> -> memref<1x80xi32, #tpu.memory_space<vmem>>
          %dma_wait3A_689 = tpu.memref_squeeze %dma_wait3A_688 : memref<1x80xi32, #tpu.memory_space<vmem>> -> memref<80xi32, #tpu.memory_space<vmem>>
          %dma_wait3A_690 = tpu.memref_slice %arg4[%add3A_674] : memref<320000xi32, #tpu.memory_space<hbm>> -> memref<80xi32, #tpu.memory_space<hbm>>
          %dma_wait3A_691 = arith.constant 0 : i32
          %dma_wait3A_692 = tpu.memref_slice %arg9[%dma_wait3A_686, %dma_wait3A_691] : memref<4x80xi32, #tpu.memory_space<vmem>> -> memref<1x80xi32, #tpu.memory_space<vmem>>
          %dma_wait3A_693 = tpu.memref_squeeze %dma_wait3A_692 : memref<1x80xi32, #tpu.memory_space<vmem>> -> memref<80xi32, #tpu.memory_space<vmem>>
          %dma_wait3A_694 = tpu.memref_slice %arg4[%add3A_674] : memref<320000xi32, #tpu.memory_space<hbm>> -> memref<80xi32, #tpu.memory_space<hbm>>
          tpu.wait_dma2 semaphore(%arg18 : memref<!tpu.dma_semaphore, #tpu.memory_space<semaphore_mem>>) src(%dma_wait3A_694 : memref<80xi32, #tpu.memory_space<hbm>>) dst(%dma_wait3A_693 : memref<80xi32, #tpu.memory_space<vmem>>)
          %dma_wait3A_695 = arith.constant 2 : i32
          %dma_wait3A_696 = arith.constant 0 : i32
          %dma_wait3A_697 = tpu.memref_slice %arg9[%dma_wait3A_695, %dma_wait3A_696] : memref<4x80xi32, #tpu.memory_space<vmem>> -> memref<1x80xi32, #tpu.memory_space<vmem>>
          %dma_wait3A_698 = tpu.memref_squeeze %dma_wait3A_697 : memref<1x80xi32, #tpu.memory_space<vmem>> -> memref<80xi32, #tpu.memory_space<vmem>>
          %dma_wait3A_699 = tpu.memref_slice %arg5[%add3A_674] : memref<320000xi32, #tpu.memory_space<hbm>> -> memref<80xi32, #tpu.memory_space<hbm>>
          %dma_wait3A_700 = arith.constant 0 : i32
          %dma_wait3A_701 = tpu.memref_slice %arg9[%dma_wait3A_695, %dma_wait3A_700] : memref<4x80xi32, #tpu.memory_space<vmem>> -> memref<1x80xi32, #tpu.memory_space<vmem>>
          %dma_wait3A_702 = tpu.memref_squeeze %dma_wait3A_701 : memref<1x80xi32, #tpu.memory_space<vmem>> -> memref<80xi32, #tpu.memory_space<vmem>>
          %dma_wait3A_703 = tpu.memref_slice %arg5[%add3A_674] : memref<320000xi32, #tpu.memory_space<hbm>> -> memref<80xi32, #tpu.memory_space<hbm>>
          tpu.wait_dma2 semaphore(%arg18 : memref<!tpu.dma_semaphore, #tpu.memory_space<semaphore_mem>>) src(%dma_wait3A_703 : memref<80xi32, #tpu.memory_space<hbm>>) dst(%dma_wait3A_702 : memref<80xi32, #tpu.memory_space<vmem>>)
          %dma_wait3A_704 = arith.constant 3 : i32
          %dma_wait3A_705 = arith.constant 0 : i32
          %dma_wait3A_706 = tpu.memref_slice %arg9[%dma_wait3A_704, %dma_wait3A_705] : memref<4x80xi32, #tpu.memory_space<vmem>> -> memref<1x80xi32, #tpu.memory_space<vmem>>
          %dma_wait3A_707 = tpu.memref_squeeze %dma_wait3A_706 : memref<1x80xi32, #tpu.memory_space<vmem>> -> memref<80xi32, #tpu.memory_space<vmem>>
          %dma_wait3A_708 = tpu.memref_slice %arg3[%add3A_676] : memref<640000xi32, #tpu.memory_space<hbm>> -> memref<80xi32, #tpu.memory_space<hbm>>
          %dma_wait3A_709 = arith.constant 0 : i32
          %dma_wait3A_710 = tpu.memref_slice %arg9[%dma_wait3A_704, %dma_wait3A_709] : memref<4x80xi32, #tpu.memory_space<vmem>> -> memref<1x80xi32, #tpu.memory_space<vmem>>
          %dma_wait3A_711 = tpu.memref_squeeze %dma_wait3A_710 : memref<1x80xi32, #tpu.memory_space<vmem>> -> memref<80xi32, #tpu.memory_space<vmem>>
          %dma_wait3A_712 = tpu.memref_slice %arg3[%add3A_676] : memref<640000xi32, #tpu.memory_space<hbm>> -> memref<80xi32, #tpu.memory_space<hbm>>
          tpu.wait_dma2 semaphore(%arg18 : memref<!tpu.dma_semaphore, #tpu.memory_space<semaphore_mem>>) src(%dma_wait3A_712 : memref<80xi32, #tpu.memory_space<hbm>>) dst(%dma_wait3A_711 : memref<80xi32, #tpu.memory_space<vmem>>)
          %get3A_713 = arith.constant 0 : i32
          %get3A_714 = arith.index_cast %get3A_713 : i32 to index
          %get3A_715 = arith.constant 0 : index
          %get3A_716 = tpu.vector_load %arg9[%get3A_714, %get3A_715] {strides = array<i32>} : memref<4x80xi32, #tpu.memory_space<vmem>>, vector<1x16xi32>,
          %get3A_717 = vector.shape_cast %get3A_716 : vector<1x16xi32> to vector<16xi32>
          %mul3A_718 = arith.constant 4 : i32
          %mul3A_719 = vector.broadcast %mul3A_718 : i32 to vector<16xi32>
          %mul3A_720 = arith.muli %get3A_717, %mul3A_719 : vector<16xi32>
          %get3A_721 = arith.constant 1 : i32
          %get3A_722 = arith.index_cast %get3A_721 : i32 to index
          %get3A_723 = arith.constant 0 : index
          %get3A_724 = tpu.vector_load %arg9[%get3A_722, %get3A_723] {strides = array<i32>} : memref<4x80xi32, #tpu.memory_space<vmem>>, vector<1x16xi32>,
          %get3A_725 = vector.shape_cast %get3A_724 : vector<1x16xi32> to vector<16xi32>
          %mul3A_726 = arith.constant 2 : i32
          %mul3A_727 = vector.broadcast %mul3A_726 : i32 to vector<16xi32>
          %mul3A_728 = arith.muli %get3A_725, %mul3A_727 : vector<16xi32>
          %add3A_729 = arith.addi %mul3A_720, %mul3A_728 : vector<16xi32>
          %get3A_730 = arith.constant 2 : i32
          %get3A_731 = arith.index_cast %get3A_730 : i32 to index
          %get3A_732 = arith.constant 0 : index
          %get3A_733 = tpu.vector_load %arg9[%get3A_731, %get3A_732] {strides = array<i32>} : memref<4x80xi32, #tpu.memory_space<vmem>>, vector<1x16xi32>,
          %get3A_734 = vector.shape_cast %get3A_733 : vector<1x16xi32> to vector<16xi32>
          %add3A_735 = arith.addi %add3A_729, %get3A_734 : vector<16xi32>
          %swap3A_736 = arith.constant 0 : i32
          %swap3A_737 = arith.index_cast %swap3A_736 : i32 to index
          %swap3A_738 = arith.constant 0 : index
          %swap3A_739 = tpu.vector_load %arg9[%swap3A_737, %swap3A_738] {strides = array<i32>} : memref<4x80xi32, #tpu.memory_space<vmem>>, vector<1x16xi32>,
          %swap3A_740 = vector.shape_cast %swap3A_739 : vector<1x16xi32> to vector<16xi32>
          %swap3A_741 = vector.shape_cast %add3A_735 : vector<16xi32> to vector<1x16xi32>
          tpu.vector_store %arg9[%swap3A_737, %swap3A_738], %swap3A_741 {strides = array<i32>} : memref<4x80xi32, #tpu.memory_space<vmem>>, vector<1x16xi32>,
          %get3A_742 = arith.constant 0 : i32
          %get3A_743 = arith.index_cast %get3A_742 : i32 to index
          %get3A_744 = arith.constant 16 : index
          %get3A_745 = tpu.vector_load %arg9[%get3A_743, %get3A_744] {strides = array<i32>} : memref<4x80xi32, #tpu.memory_space<vmem>>, vector<1x16xi32>,
          %get3A_746 = vector.shape_cast %get3A_745 : vector<1x16xi32> to vector<16xi32>
          %mul3A_747 = arith.constant 4 : i32
          %mul3A_748 = vector.broadcast %mul3A_747 : i32 to vector<16xi32>
          %mul3A_749 = arith.muli %get3A_746, %mul3A_748 : vector<16xi32>
          %get3A_750 = arith.constant 1 : i32
          %get3A_751 = arith.index_cast %get3A_750 : i32 to index
          %get3A_752 = arith.constant 16 : index
          %get3A_753 = tpu.vector_load %arg9[%get3A_751, %get3A_752] {strides = array<i32>} : memref<4x80xi32, #tpu.memory_space<vmem>>, vector<1x16xi32>,
          %get3A_754 = vector.shape_cast %get3A_753 : vector<1x16xi32> to vector<16xi32>
          %mul3A_755 = arith.constant 2 : i32
          %mul3A_756 = vector.broadcast %mul3A_755 : i32 to vector<16xi32>
          %mul3A_757 = arith.muli %get3A_754, %mul3A_756 : vector<16xi32>
          %add3A_758 = arith.addi %mul3A_749, %mul3A_757 : vector<16xi32>
          %get3A_759 = arith.constant 2 : i32
          %get3A_760 = arith.index_cast %get3A_759 : i32 to index
          %get3A_761 = arith.constant 16 : index
          %get3A_762 = tpu.vector_load %arg9[%get3A_760, %get3A_761] {strides = array<i32>} : memref<4x80xi32, #tpu.memory_space<vmem>>, vector<1x16xi32>,
          %get3A_763 = vector.shape_cast %get3A_762 : vector<1x16xi32> to vector<16xi32>
          %add3A_764 = arith.addi %add3A_758, %get3A_763 : vector<16xi32>
          %swap3A_765 = arith.constant 0 : i32
          %swap3A_766 = arith.index_cast %swap3A_765 : i32 to index
          %swap3A_767 = arith.constant 16 : index
          %swap3A_768 = tpu.vector_load %arg9[%swap3A_766, %swap3A_767] {strides = array<i32>} : memref<4x80xi32, #tpu.memory_space<vmem>>, vector<1x16xi32>,
          %swap3A_769 = vector.shape_cast %swap3A_768 : vector<1x16xi32> to vector<16xi32>
          %swap3A_770 = vector.shape_cast %add3A_764 : vector<16xi32> to vector<1x16xi32>
          tpu.vector_store %arg9[%swap3A_766, %swap3A_767], %swap3A_770 {strides = array<i32>} : memref<4x80xi32, #tpu.memory_space<vmem>>, vector<1x16xi32>,
          %get3A_771 = arith.constant 0 : i32
          %get3A_772 = arith.index_cast %get3A_771 : i32 to index
          %get3A_773 = arith.constant 32 : index
          %get3A_774 = tpu.vector_load %arg9[%get3A_772, %get3A_773] {strides = array<i32>} : memref<4x80xi32, #tpu.memory_space<vmem>>, vector<1x16xi32>,
          %get3A_775 = vector.shape_cast %get3A_774 : vector<1x16xi32> to vector<16xi32>
          %mul3A_776 = arith.constant 4 : i32
          %mul3A_777 = vector.broadcast %mul3A_776 : i32 to vector<16xi32>
          %mul3A_778 = arith.muli %get3A_775, %mul3A_777 : vector<16xi32>
          %get3A_779 = arith.constant 1 : i32
          %get3A_780 = arith.index_cast %get3A_779 : i32 to index
          %get3A_781 = arith.constant 32 : index
          %get3A_782 = tpu.vector_load %arg9[%get3A_780, %get3A_781] {strides = array<i32>} : memref<4x80xi32, #tpu.memory_space<vmem>>, vector<1x16xi32>,
          %get3A_783 = vector.shape_cast %get3A_782 : vector<1x16xi32> to vector<16xi32>
          %mul3A_784 = arith.constant 2 : i32
          %mul3A_785 = vector.broadcast %mul3A_784 : i32 to vector<16xi32>
          %mul3A_786 = arith.muli %get3A_783, %mul3A_785 : vector<16xi32>
          %add3A_787 = arith.addi %mul3A_778, %mul3A_786 : vector<16xi32>
          %get3A_788 = arith.constant 2 : i32
          %get3A_789 = arith.index_cast %get3A_788 : i32 to index
          %get3A_790 = arith.constant 32 : index
          %get3A_791 = tpu.vector_load %arg9[%get3A_789, %get3A_790] {strides = array<i32>} : memref<4x80xi32, #tpu.memory_space<vmem>>, vector<1x16xi32>,
          %get3A_792 = vector.shape_cast %get3A_791 : vector<1x16xi32> to vector<16xi32>
          %add3A_793 = arith.addi %add3A_787, %get3A_792 : vector<16xi32>
          %swap3A_794 = arith.constant 0 : i32
          %swap3A_795 = arith.index_cast %swap3A_794 : i32 to index
          %swap3A_796 = arith.constant 32 : index
          %swap3A_797 = tpu.vector_load %arg9[%swap3A_795, %swap3A_796] {strides = array<i32>} : memref<4x80xi32, #tpu.memory_space<vmem>>, vector<1x16xi32>,
          %swap3A_798 = vector.shape_cast %swap3A_797 : vector<1x16xi32> to vector<16xi32>
          %swap3A_799 = vector.shape_cast %add3A_793 : vector<16xi32> to vector<1x16xi32>
          tpu.vector_store %arg9[%swap3A_795, %swap3A_796], %swap3A_799 {strides = array<i32>} : memref<4x80xi32, #tpu.memory_space<vmem>>, vector<1x16xi32>,
          %get3A_800 = arith.constant 0 : i32
          %get3A_801 = arith.index_cast %get3A_800 : i32 to index
          %get3A_802 = arith.constant 48 : index
          %get3A_803 = tpu.vector_load %arg9[%get3A_801, %get3A_802] {strides = array<i32>} : memref<4x80xi32, #tpu.memory_space<vmem>>, vector<1x16xi32>,
          %get3A_804 = vector.shape_cast %get3A_803 : vector<1x16xi32> to vector<16xi32>
          %mul3A_805 = arith.constant 4 : i32
          %mul3A_806 = vector.broadcast %mul3A_805 : i32 to vector<16xi32>
          %mul3A_807 = arith.muli %get3A_804, %mul3A_806 : vector<16xi32>
          %get3A_808 = arith.constant 1 : i32
          %get3A_809 = arith.index_cast %get3A_808 : i32 to index
          %get3A_810 = arith.constant 48 : index
          %get3A_811 = tpu.vector_load %arg9[%get3A_809, %get3A_810] {strides = array<i32>} : memref<4x80xi32, #tpu.memory_space<vmem>>, vector<1x16xi32>,
          %get3A_812 = vector.shape_cast %get3A_811 : vector<1x16xi32> to vector<16xi32>
          %mul3A_813 = arith.constant 2 : i32
          %mul3A_814 = vector.broadcast %mul3A_813 : i32 to vector<16xi32>
          %mul3A_815 = arith.muli %get3A_812, %mul3A_814 : vector<16xi32>
          %add3A_816 = arith.addi %mul3A_807, %mul3A_815 : vector<16xi32>
          %get3A_817 = arith.constant 2 : i32
          %get3A_818 = arith.index_cast %get3A_817 : i32 to index
          %get3A_819 = arith.constant 48 : index
          %get3A_820 = tpu.vector_load %arg9[%get3A_818, %get3A_819] {strides = array<i32>} : memref<4x80xi32, #tpu.memory_space<vmem>>, vector<1x16xi32>,
          %get3A_821 = vector.shape_cast %get3A_820 : vector<1x16xi32> to vector<16xi32>
          %add3A_822 = arith.addi %add3A_816, %get3A_821 : vector<16xi32>
          %swap3A_823 = arith.constant 0 : i32
          %swap3A_824 = arith.index_cast %swap3A_823 : i32 to index
          %swap3A_825 = arith.constant 48 : index
          %swap3A_826 = tpu.vector_load %arg9[%swap3A_824, %swap3A_825] {strides = array<i32>} : memref<4x80xi32, #tpu.memory_space<vmem>>, vector<1x16xi32>,
          %swap3A_827 = vector.shape_cast %swap3A_826 : vector<1x16xi32> to vector<16xi32>
          %swap3A_828 = vector.shape_cast %add3A_822 : vector<16xi32> to vector<1x16xi32>
          tpu.vector_store %arg9[%swap3A_824, %swap3A_825], %swap3A_828 {strides = array<i32>} : memref<4x80xi32, #tpu.memory_space<vmem>>, vector<1x16xi32>,
          %get3A_829 = arith.constant 0 : i32
          %get3A_830 = arith.index_cast %get3A_829 : i32 to index
          %get3A_831 = arith.constant 64 : index
          %get3A_832 = tpu.vector_load %arg9[%get3A_830, %get3A_831] {strides = array<i32>} : memref<4x80xi32, #tpu.memory_space<vmem>>, vector<1x16xi32>,
          %get3A_833 = vector.shape_cast %get3A_832 : vector<1x16xi32> to vector<16xi32>
          %mul3A_834 = arith.constant 4 : i32
          %mul3A_835 = vector.broadcast %mul3A_834 : i32 to vector<16xi32>
          %mul3A_836 = arith.muli %get3A_833, %mul3A_835 : vector<16xi32>
          %get3A_837 = arith.constant 1 : i32
          %get3A_838 = arith.index_cast %get3A_837 : i32 to index
          %get3A_839 = arith.constant 64 : index
          %get3A_840 = tpu.vector_load %arg9[%get3A_838, %get3A_839] {strides = array<i32>} : memref<4x80xi32, #tpu.memory_space<vmem>>, vector<1x16xi32>,
          %get3A_841 = vector.shape_cast %get3A_840 : vector<1x16xi32> to vector<16xi32>
          %mul3A_842 = arith.constant 2 : i32
          %mul3A_843 = vector.broadcast %mul3A_842 : i32 to vector<16xi32>
          %mul3A_844 = arith.muli %get3A_841, %mul3A_843 : vector<16xi32>
          %add3A_845 = arith.addi %mul3A_836, %mul3A_844 : vector<16xi32>
          %get3A_846 = arith.constant 2 : i32
          %get3A_847 = arith.index_cast %get3A_846 : i32 to index
          %get3A_848 = arith.constant 64 : index
          %get3A_849 = tpu.vector_load %arg9[%get3A_847, %get3A_848] {strides = array<i32>} : memref<4x80xi32, #tpu.memory_space<vmem>>, vector<1x16xi32>,
          %get3A_850 = vector.shape_cast %get3A_849 : vector<1x16xi32> to vector<16xi32>
          %add3A_851 = arith.addi %add3A_845, %get3A_850 : vector<16xi32>
          %swap3A_852 = arith.constant 0 : i32
          %swap3A_853 = arith.index_cast %swap3A_852 : i32 to index
          %swap3A_854 = arith.constant 64 : index
          %swap3A_855 = tpu.vector_load %arg9[%swap3A_853, %swap3A_854] {strides = array<i32>} : memref<4x80xi32, #tpu.memory_space<vmem>>, vector<1x16xi32>,
          %swap3A_856 = vector.shape_cast %swap3A_855 : vector<1x16xi32> to vector<16xi32>
          %swap3A_857 = vector.shape_cast %add3A_851 : vector<16xi32> to vector<1x16xi32>
          tpu.vector_store %arg9[%swap3A_853, %swap3A_854], %swap3A_857 {strides = array<i32>} : memref<4x80xi32, #tpu.memory_space<vmem>>, vector<1x16xi32>,
          %dma_start3A_858 = arith.constant 0 : i32
          %dma_start3A_859 = arith.constant 0 : i32
          %dma_start3A_860 = tpu.memref_slice %arg9[%dma_start3A_858, %dma_start3A_859] : memref<4x80xi32, #tpu.memory_space<vmem>> -> memref<1x80xi32, #tpu.memory_space<vmem>>
          %dma_start3A_861 = tpu.memref_squeeze %dma_start3A_860 : memref<1x80xi32, #tpu.memory_space<vmem>> -> memref<80xi32, #tpu.memory_space<vmem>>
          %dma_start3A_862 = arith.constant 0 : i32
          %dma_start3A_863 = arith.constant 0 : i32
          %dma_start3A_864 = tpu.memref_slice %arg2[%dma_start3A_862, %dma_start3A_863] : memref<40000x128xf32, #tpu.memory_space<hbm>> -> memref<40000x128xf32, #tpu.memory_space<hbm>>
          tpu.enqueue_indirect_dma source(%dma_start3A_864 : memref<40000x128xf32, #tpu.memory_space<hbm>>) target(%arg11 : memref<80x128xf32, #tpu.memory_space<vmem>>) offsets(%dma_start3A_861 : memref<80xi32, #tpu.memory_space<vmem>>) semaphore(%arg14 : memref<!tpu.dma_semaphore, #tpu.memory_space<semaphore_mem>>)
        } else {
        }
      } else {
      }
      %jit3A_586 = arith.constant 4 : i32
      %eq3A_587 = arith.constant 0 : i32
      %eq3A_588 = arith.cmpi eq, %jit3A_586, %eq3A_587 : i32
      %jit3A_589 = arith.constant 1 : i32
      %select_n3A_590 = arith.select %eq3A_588, %jit3A_589, %jit3A_586 : i32
      %rem3A_591 = arith.remsi %scan3A_573, %select_n3A_590 : i32
      %ne3A_592 = arith.constant 0 : i32
      %ne3A_593 = arith.cmpi ne, %rem3A_591, %ne3A_592 : i32
      %lt3A_594 = arith.constant 0 : i32
      %lt3A_595 = arith.cmpi slt, %rem3A_591, %lt3A_594 : i32
      %lt3A_596 = arith.constant 0 : i32
      %lt3A_597 = arith.cmpi slt, %select_n3A_590, %lt3A_596 : i32
      %ne3A_598 = arith.xori %lt3A_595, %lt3A_597 : i1
      %and3A_599 = arith.andi %ne3A_598, %ne3A_593 : i1
      %add3A_600 = arith.addi %rem3A_591, %select_n3A_590 : i32
      %select_n3A_601 = arith.select %and3A_599, %add3A_600, %rem3A_591 : i32
      %eq3A_602 = arith.constant 1 : i32
      %eq3A_603 = arith.cmpi eq, %select_n3A_601, %eq3A_602 : i32
      %convert_element_type3A_604 = arith.extui %eq3A_603 : i1 to i32
      %cond3A_605 = arith.constant 0 : i32
      %cond3A_606 = arith.cmpi ne, %convert_element_type3A_604, %cond3A_605 : i32
      scf.if %cond3A_606 {
        %dma_wait3A_649 = arith.constant 0 : i32
        %dma_wait3A_650 = arith.constant 0 : i32
        %dma_wait3A_651 = tpu.memref_slice %arg8[%dma_wait3A_649, %dma_wait3A_650] : memref<4x80xi32, #tpu.memory_space<vmem>> -> memref<1x80xi32, #tpu.memory_space<vmem>>
        %dma_wait3A_652 = tpu.memref_squeeze %dma_wait3A_651 : memref<1x80xi32, #tpu.memory_space<vmem>> -> memref<80xi32, #tpu.memory_space<vmem>>
        %dma_wait3A_653 = arith.constant 0 : i32
        %dma_wait3A_654 = arith.constant 0 : i32
        %dma_wait3A_655 = tpu.memref_slice %arg2[%dma_wait3A_653, %dma_wait3A_654] : memref<40000x128xf32, #tpu.memory_space<hbm>> -> memref<40000x128xf32, #tpu.memory_space<hbm>>
        tpu.wait_indirect_dma semaphore(%arg15 : memref<!tpu.dma_semaphore, #tpu.memory_space<semaphore_mem>>) src(%dma_wait3A_655 : memref<40000x128xf32, #tpu.memory_space<hbm>>) dst(%arg12 : memref<80x128xf32, #tpu.memory_space<vmem>>)
        %run_scoped3A = arith.constant 3 : i32
        "tpu.region"() ({
          %run_scoped3A_670 = tpu.sem_alloc : memref<!tpu.dma_semaphore, #tpu.memory_space<semaphore_mem>>
          %dma_start3A_671 = arith.constant 0 : i32
          %dma_start3A_672 = tpu.memref_slice %arg8[%run_scoped3A, %dma_start3A_671] : memref<4x80xi32, #tpu.memory_space<vmem>> -> memref<1x80xi32, #tpu.memory_space<vmem>>
          %dma_start3A_673 = tpu.memref_squeeze %dma_start3A_672 : memref<1x80xi32, #tpu.memory_space<vmem>> -> memref<80xi32, #tpu.memory_space<vmem>>
          %dma_start3A_674 = arith.constant 0 : i32
          %dma_start3A_675 = arith.constant 0 : i32
          %dma_start3A_676 = tpu.memref_slice %arg13[%dma_start3A_674, %dma_start3A_675] : memref<10240x128xf32, #tpu.memory_space<vmem_shared>> -> memref<10240x128xf32, #tpu.memory_space<vmem_shared>>
          tpu.enqueue_indirect_dma source(%arg12 : memref<80x128xf32, #tpu.memory_space<vmem>>) target(%dma_start3A_676 : memref<10240x128xf32, #tpu.memory_space<vmem_shared>>) offsets(%dma_start3A_673 : memref<80xi32, #tpu.memory_space<vmem>>) semaphore(%run_scoped3A_670 : memref<!tpu.dma_semaphore, #tpu.memory_space<semaphore_mem>>) {add = true}
          %dma_wait3A_677 = arith.constant 0 : i32
          %dma_wait3A_678 = tpu.memref_slice %arg8[%run_scoped3A, %dma_wait3A_677] : memref<4x80xi32, #tpu.memory_space<vmem>> -> memref<1x80xi32, #tpu.memory_space<vmem>>
          %dma_wait3A_679 = tpu.memref_squeeze %dma_wait3A_678 : memref<1x80xi32, #tpu.memory_space<vmem>> -> memref<80xi32, #tpu.memory_space<vmem>>
          %dma_wait3A_680 = arith.constant 0 : i32
          %dma_wait3A_681 = arith.constant 0 : i32
          %dma_wait3A_682 = tpu.memref_slice %arg13[%dma_wait3A_680, %dma_wait3A_681] : memref<10240x128xf32, #tpu.memory_space<vmem_shared>> -> memref<10240x128xf32, #tpu.memory_space<vmem_shared>>
          tpu.wait_indirect_dma semaphore(%run_scoped3A_670 : memref<!tpu.dma_semaphore, #tpu.memory_space<semaphore_mem>>) src(%arg12 : memref<80x128xf32, #tpu.memory_space<vmem>>) dst(%dma_wait3A_682 : memref<10240x128xf32, #tpu.memory_space<vmem_shared>>)
          tpu.yield
        }) : () -> ()
        %add3A_656 = arith.constant 4 : i32
        %add3A_657 = arith.addi %scan3A_573, %add3A_656 : i32
        %lt3A_658 = arith.constant 125 : i32
        %lt3A_659 = arith.cmpi slt, %add3A_657, %lt3A_658 : i32
        %convert_element_type3A_660 = arith.extui %lt3A_659 : i1 to i32
        %cond3A_661 = arith.constant 0 : i32
        %cond3A_662 = arith.cmpi ne, %convert_element_type3A_660, %cond3A_661 : i32
        scf.if %cond3A_662 {
          %add3A_670 = arith.constant 4 : i32
          %add3A_671 = arith.addi %scan3A_573, %add3A_670 : i32
          %mul3A_672 = arith.constant 80 : i32
          %mul3A_673 = arith.muli %add3A_671, %mul3A_672 : i32
          %add3A_674 = arith.addi %mul3A_4, %mul3A_673 : i32
          %add3A_675 = arith.constant 320000 : i32
          %add3A_676 = arith.addi %add3A_675, %add3A_674 : i32
          %dma_start3A_677 = arith.constant 0 : i32
          %dma_start3A_678 = arith.constant 0 : i32
          %dma_start3A_679 = tpu.memref_slice %arg8[%dma_start3A_677, %dma_start3A_678] : memref<4x80xi32, #tpu.memory_space<vmem>> -> memref<1x80xi32, #tpu.memory_space<vmem>>
          %dma_start3A_680 = tpu.memref_squeeze %dma_start3A_679 : memref<1x80xi32, #tpu.memory_space<vmem>> -> memref<80xi32, #tpu.memory_space<vmem>>
          %dma_start3A_681 = tpu.memref_slice %arg3[%add3A_674] : memref<640000xi32, #tpu.memory_space<hbm>> -> memref<80xi32, #tpu.memory_space<hbm>>
          %dma_start3A_682 = arith.constant 0 : i32
          %dma_start3A_683 = tpu.memref_slice %arg8[%dma_start3A_677, %dma_start3A_682] : memref<4x80xi32, #tpu.memory_space<vmem>> -> memref<1x80xi32, #tpu.memory_space<vmem>>
          %dma_start3A_684 = tpu.memref_squeeze %dma_start3A_683 : memref<1x80xi32, #tpu.memory_space<vmem>> -> memref<80xi32, #tpu.memory_space<vmem>>
          %dma_start3A_685 = tpu.memref_slice %arg3[%add3A_674] : memref<640000xi32, #tpu.memory_space<hbm>> -> memref<80xi32, #tpu.memory_space<hbm>>
          tpu.enqueue_dma source(%dma_start3A_685 : memref<80xi32, #tpu.memory_space<hbm>>) target(%dma_start3A_684 : memref<80xi32, #tpu.memory_space<vmem>>) target_semaphore(%arg17 : memref<!tpu.dma_semaphore, #tpu.memory_space<semaphore_mem>>)
          %dma_start3A_686 = arith.constant 1 : i32
          %dma_start3A_687 = arith.constant 0 : i32
          %dma_start3A_688 = tpu.memref_slice %arg8[%dma_start3A_686, %dma_start3A_687] : memref<4x80xi32, #tpu.memory_space<vmem>> -> memref<1x80xi32, #tpu.memory_space<vmem>>
          %dma_start3A_689 = tpu.memref_squeeze %dma_start3A_688 : memref<1x80xi32, #tpu.memory_space<vmem>> -> memref<80xi32, #tpu.memory_space<vmem>>
          %dma_start3A_690 = tpu.memref_slice %arg4[%add3A_674] : memref<320000xi32, #tpu.memory_space<hbm>> -> memref<80xi32, #tpu.memory_space<hbm>>
          %dma_start3A_691 = arith.constant 0 : i32
          %dma_start3A_692 = tpu.memref_slice %arg8[%dma_start3A_686, %dma_start3A_691] : memref<4x80xi32, #tpu.memory_space<vmem>> -> memref<1x80xi32, #tpu.memory_space<vmem>>
          %dma_start3A_693 = tpu.memref_squeeze %dma_start3A_692 : memref<1x80xi32, #tpu.memory_space<vmem>> -> memref<80xi32, #tpu.memory_space<vmem>>
          %dma_start3A_694 = tpu.memref_slice %arg4[%add3A_674] : memref<320000xi32, #tpu.memory_space<hbm>> -> memref<80xi32, #tpu.memory_space<hbm>>
          tpu.enqueue_dma source(%dma_start3A_694 : memref<80xi32, #tpu.memory_space<hbm>>) target(%dma_start3A_693 : memref<80xi32, #tpu.memory_space<vmem>>) target_semaphore(%arg17 : memref<!tpu.dma_semaphore, #tpu.memory_space<semaphore_mem>>)
          %dma_start3A_695 = arith.constant 2 : i32
          %dma_start3A_696 = arith.constant 0 : i32
          %dma_start3A_697 = tpu.memref_slice %arg8[%dma_start3A_695, %dma_start3A_696] : memref<4x80xi32, #tpu.memory_space<vmem>> -> memref<1x80xi32, #tpu.memory_space<vmem>>
          %dma_start3A_698 = tpu.memref_squeeze %dma_start3A_697 : memref<1x80xi32, #tpu.memory_space<vmem>> -> memref<80xi32, #tpu.memory_space<vmem>>
          %dma_start3A_699 = tpu.memref_slice %arg5[%add3A_674] : memref<320000xi32, #tpu.memory_space<hbm>> -> memref<80xi32, #tpu.memory_space<hbm>>
          %dma_start3A_700 = arith.constant 0 : i32
          %dma_start3A_701 = tpu.memref_slice %arg8[%dma_start3A_695, %dma_start3A_700] : memref<4x80xi32, #tpu.memory_space<vmem>> -> memref<1x80xi32, #tpu.memory_space<vmem>>
          %dma_start3A_702 = tpu.memref_squeeze %dma_start3A_701 : memref<1x80xi32, #tpu.memory_space<vmem>> -> memref<80xi32, #tpu.memory_space<vmem>>
          %dma_start3A_703 = tpu.memref_slice %arg5[%add3A_674] : memref<320000xi32, #tpu.memory_space<hbm>> -> memref<80xi32, #tpu.memory_space<hbm>>
          tpu.enqueue_dma source(%dma_start3A_703 : memref<80xi32, #tpu.memory_space<hbm>>) target(%dma_start3A_702 : memref<80xi32, #tpu.memory_space<vmem>>) target_semaphore(%arg17 : memref<!tpu.dma_semaphore, #tpu.memory_space<semaphore_mem>>)
          %dma_start3A_704 = arith.constant 3 : i32
          %dma_start3A_705 = arith.constant 0 : i32
          %dma_start3A_706 = tpu.memref_slice %arg8[%dma_start3A_704, %dma_start3A_705] : memref<4x80xi32, #tpu.memory_space<vmem>> -> memref<1x80xi32, #tpu.memory_space<vmem>>
          %dma_start3A_707 = tpu.memref_squeeze %dma_start3A_706 : memref<1x80xi32, #tpu.memory_space<vmem>> -> memref<80xi32, #tpu.memory_space<vmem>>
          %dma_start3A_708 = tpu.memref_slice %arg3[%add3A_676] : memref<640000xi32, #tpu.memory_space<hbm>> -> memref<80xi32, #tpu.memory_space<hbm>>
          %dma_start3A_709 = arith.constant 0 : i32
          %dma_start3A_710 = tpu.memref_slice %arg8[%dma_start3A_704, %dma_start3A_709] : memref<4x80xi32, #tpu.memory_space<vmem>> -> memref<1x80xi32, #tpu.memory_space<vmem>>
          %dma_start3A_711 = tpu.memref_squeeze %dma_start3A_710 : memref<1x80xi32, #tpu.memory_space<vmem>> -> memref<80xi32, #tpu.memory_space<vmem>>
          %dma_start3A_712 = tpu.memref_slice %arg3[%add3A_676] : memref<640000xi32, #tpu.memory_space<hbm>> -> memref<80xi32, #tpu.memory_space<hbm>>
          tpu.enqueue_dma source(%dma_start3A_712 : memref<80xi32, #tpu.memory_space<hbm>>) target(%dma_start3A_711 : memref<80xi32, #tpu.memory_space<vmem>>) target_semaphore(%arg17 : memref<!tpu.dma_semaphore, #tpu.memory_space<semaphore_mem>>)
        } else {
        }
        %add3A_663 = arith.constant 2 : i32
        %add3A_664 = arith.addi %scan3A_573, %add3A_663 : i32
        %lt3A_665 = arith.constant 125 : i32
        %lt3A_666 = arith.cmpi slt, %add3A_664, %lt3A_665 : i32
        %convert_element_type3A_667 = arith.extui %lt3A_666 : i1 to i32
        %cond3A_668 = arith.constant 0 : i32
        %cond3A_669 = arith.cmpi ne, %convert_element_type3A_667, %cond3A_668 : i32
        scf.if %cond3A_669 {
          %add3A_670 = arith.constant 2 : i32
          %add3A_671 = arith.addi %scan3A_573, %add3A_670 : i32
          %mul3A_672 = arith.constant 80 : i32
          %mul3A_673 = arith.muli %add3A_671, %mul3A_672 : i32
          %add3A_674 = arith.addi %mul3A_4, %mul3A_673 : i32
          %add3A_675 = arith.constant 320000 : i32
          %add3A_676 = arith.addi %add3A_675, %add3A_674 : i32
          %dma_wait3A_677 = arith.constant 0 : i32
          %dma_wait3A_678 = arith.constant 0 : i32
          %dma_wait3A_679 = tpu.memref_slice %arg10[%dma_wait3A_677, %dma_wait3A_678] : memref<4x80xi32, #tpu.memory_space<vmem>> -> memref<1x80xi32, #tpu.memory_space<vmem>>
          %dma_wait3A_680 = tpu.memref_squeeze %dma_wait3A_679 : memref<1x80xi32, #tpu.memory_space<vmem>> -> memref<80xi32, #tpu.memory_space<vmem>>
          %dma_wait3A_681 = tpu.memref_slice %arg3[%add3A_674] : memref<640000xi32, #tpu.memory_space<hbm>> -> memref<80xi32, #tpu.memory_space<hbm>>
          %dma_wait3A_682 = arith.constant 0 : i32
          %dma_wait3A_683 = tpu.memref_slice %arg10[%dma_wait3A_677, %dma_wait3A_682] : memref<4x80xi32, #tpu.memory_space<vmem>> -> memref<1x80xi32, #tpu.memory_space<vmem>>
          %dma_wait3A_684 = tpu.memref_squeeze %dma_wait3A_683 : memref<1x80xi32, #tpu.memory_space<vmem>> -> memref<80xi32, #tpu.memory_space<vmem>>
          %dma_wait3A_685 = tpu.memref_slice %arg3[%add3A_674] : memref<640000xi32, #tpu.memory_space<hbm>> -> memref<80xi32, #tpu.memory_space<hbm>>
          tpu.wait_dma2 semaphore(%arg19 : memref<!tpu.dma_semaphore, #tpu.memory_space<semaphore_mem>>) src(%dma_wait3A_685 : memref<80xi32, #tpu.memory_space<hbm>>) dst(%dma_wait3A_684 : memref<80xi32, #tpu.memory_space<vmem>>)
          %dma_wait3A_686 = arith.constant 1 : i32
          %dma_wait3A_687 = arith.constant 0 : i32
          %dma_wait3A_688 = tpu.memref_slice %arg10[%dma_wait3A_686, %dma_wait3A_687] : memref<4x80xi32, #tpu.memory_space<vmem>> -> memref<1x80xi32, #tpu.memory_space<vmem>>
          %dma_wait3A_689 = tpu.memref_squeeze %dma_wait3A_688 : memref<1x80xi32, #tpu.memory_space<vmem>> -> memref<80xi32, #tpu.memory_space<vmem>>
          %dma_wait3A_690 = tpu.memref_slice %arg4[%add3A_674] : memref<320000xi32, #tpu.memory_space<hbm>> -> memref<80xi32, #tpu.memory_space<hbm>>
          %dma_wait3A_691 = arith.constant 0 : i32
          %dma_wait3A_692 = tpu.memref_slice %arg10[%dma_wait3A_686, %dma_wait3A_691] : memref<4x80xi32, #tpu.memory_space<vmem>> -> memref<1x80xi32, #tpu.memory_space<vmem>>
          %dma_wait3A_693 = tpu.memref_squeeze %dma_wait3A_692 : memref<1x80xi32, #tpu.memory_space<vmem>> -> memref<80xi32, #tpu.memory_space<vmem>>
          %dma_wait3A_694 = tpu.memref_slice %arg4[%add3A_674] : memref<320000xi32, #tpu.memory_space<hbm>> -> memref<80xi32, #tpu.memory_space<hbm>>
          tpu.wait_dma2 semaphore(%arg19 : memref<!tpu.dma_semaphore, #tpu.memory_space<semaphore_mem>>) src(%dma_wait3A_694 : memref<80xi32, #tpu.memory_space<hbm>>) dst(%dma_wait3A_693 : memref<80xi32, #tpu.memory_space<vmem>>)
          %dma_wait3A_695 = arith.constant 2 : i32
          %dma_wait3A_696 = arith.constant 0 : i32
          %dma_wait3A_697 = tpu.memref_slice %arg10[%dma_wait3A_695, %dma_wait3A_696] : memref<4x80xi32, #tpu.memory_space<vmem>> -> memref<1x80xi32, #tpu.memory_space<vmem>>
          %dma_wait3A_698 = tpu.memref_squeeze %dma_wait3A_697 : memref<1x80xi32, #tpu.memory_space<vmem>> -> memref<80xi32, #tpu.memory_space<vmem>>
          %dma_wait3A_699 = tpu.memref_slice %arg5[%add3A_674] : memref<320000xi32, #tpu.memory_space<hbm>> -> memref<80xi32, #tpu.memory_space<hbm>>
          %dma_wait3A_700 = arith.constant 0 : i32
          %dma_wait3A_701 = tpu.memref_slice %arg10[%dma_wait3A_695, %dma_wait3A_700] : memref<4x80xi32, #tpu.memory_space<vmem>> -> memref<1x80xi32, #tpu.memory_space<vmem>>
          %dma_wait3A_702 = tpu.memref_squeeze %dma_wait3A_701 : memref<1x80xi32, #tpu.memory_space<vmem>> -> memref<80xi32, #tpu.memory_space<vmem>>
          %dma_wait3A_703 = tpu.memref_slice %arg5[%add3A_674] : memref<320000xi32, #tpu.memory_space<hbm>> -> memref<80xi32, #tpu.memory_space<hbm>>
          tpu.wait_dma2 semaphore(%arg19 : memref<!tpu.dma_semaphore, #tpu.memory_space<semaphore_mem>>) src(%dma_wait3A_703 : memref<80xi32, #tpu.memory_space<hbm>>) dst(%dma_wait3A_702 : memref<80xi32, #tpu.memory_space<vmem>>)
          %dma_wait3A_704 = arith.constant 3 : i32
          %dma_wait3A_705 = arith.constant 0 : i32
          %dma_wait3A_706 = tpu.memref_slice %arg10[%dma_wait3A_704, %dma_wait3A_705] : memref<4x80xi32, #tpu.memory_space<vmem>> -> memref<1x80xi32, #tpu.memory_space<vmem>>
          %dma_wait3A_707 = tpu.memref_squeeze %dma_wait3A_706 : memref<1x80xi32, #tpu.memory_space<vmem>> -> memref<80xi32, #tpu.memory_space<vmem>>
          %dma_wait3A_708 = tpu.memref_slice %arg3[%add3A_676] : memref<640000xi32, #tpu.memory_space<hbm>> -> memref<80xi32, #tpu.memory_space<hbm>>
          %dma_wait3A_709 = arith.constant 0 : i32
          %dma_wait3A_710 = tpu.memref_slice %arg10[%dma_wait3A_704, %dma_wait3A_709] : memref<4x80xi32, #tpu.memory_space<vmem>> -> memref<1x80xi32, #tpu.memory_space<vmem>>
          %dma_wait3A_711 = tpu.memref_squeeze %dma_wait3A_710 : memref<1x80xi32, #tpu.memory_space<vmem>> -> memref<80xi32, #tpu.memory_space<vmem>>
          %dma_wait3A_712 = tpu.memref_slice %arg3[%add3A_676] : memref<640000xi32, #tpu.memory_space<hbm>> -> memref<80xi32, #tpu.memory_space<hbm>>
          tpu.wait_dma2 semaphore(%arg19 : memref<!tpu.dma_semaphore, #tpu.memory_space<semaphore_mem>>) src(%dma_wait3A_712 : memref<80xi32, #tpu.memory_space<hbm>>) dst(%dma_wait3A_711 : memref<80xi32, #tpu.memory_space<vmem>>)
          %get3A_713 = arith.constant 0 : i32
          %get3A_714 = arith.index_cast %get3A_713 : i32 to index
          %get3A_715 = arith.constant 0 : index
          %get3A_716 = tpu.vector_load %arg10[%get3A_714, %get3A_715] {strides = array<i32>} : memref<4x80xi32, #tpu.memory_space<vmem>>, vector<1x16xi32>,
          %get3A_717 = vector.shape_cast %get3A_716 : vector<1x16xi32> to vector<16xi32>
          %mul3A_718 = arith.constant 4 : i32
          %mul3A_719 = vector.broadcast %mul3A_718 : i32 to vector<16xi32>
          %mul3A_720 = arith.muli %get3A_717, %mul3A_719 : vector<16xi32>
          %get3A_721 = arith.constant 1 : i32
          %get3A_722 = arith.index_cast %get3A_721 : i32 to index
          %get3A_723 = arith.constant 0 : index
          %get3A_724 = tpu.vector_load %arg10[%get3A_722, %get3A_723] {strides = array<i32>} : memref<4x80xi32, #tpu.memory_space<vmem>>, vector<1x16xi32>,
          %get3A_725 = vector.shape_cast %get3A_724 : vector<1x16xi32> to vector<16xi32>
          %mul3A_726 = arith.constant 2 : i32
          %mul3A_727 = vector.broadcast %mul3A_726 : i32 to vector<16xi32>
          %mul3A_728 = arith.muli %get3A_725, %mul3A_727 : vector<16xi32>
          %add3A_729 = arith.addi %mul3A_720, %mul3A_728 : vector<16xi32>
          %get3A_730 = arith.constant 2 : i32
          %get3A_731 = arith.index_cast %get3A_730 : i32 to index
          %get3A_732 = arith.constant 0 : index
          %get3A_733 = tpu.vector_load %arg10[%get3A_731, %get3A_732] {strides = array<i32>} : memref<4x80xi32, #tpu.memory_space<vmem>>, vector<1x16xi32>,
          %get3A_734 = vector.shape_cast %get3A_733 : vector<1x16xi32> to vector<16xi32>
          %add3A_735 = arith.addi %add3A_729, %get3A_734 : vector<16xi32>
          %swap3A_736 = arith.constant 0 : i32
          %swap3A_737 = arith.index_cast %swap3A_736 : i32 to index
          %swap3A_738 = arith.constant 0 : index
          %swap3A_739 = tpu.vector_load %arg10[%swap3A_737, %swap3A_738] {strides = array<i32>} : memref<4x80xi32, #tpu.memory_space<vmem>>, vector<1x16xi32>,
          %swap3A_740 = vector.shape_cast %swap3A_739 : vector<1x16xi32> to vector<16xi32>
          %swap3A_741 = vector.shape_cast %add3A_735 : vector<16xi32> to vector<1x16xi32>
          tpu.vector_store %arg10[%swap3A_737, %swap3A_738], %swap3A_741 {strides = array<i32>} : memref<4x80xi32, #tpu.memory_space<vmem>>, vector<1x16xi32>,
          %get3A_742 = arith.constant 0 : i32
          %get3A_743 = arith.index_cast %get3A_742 : i32 to index
          %get3A_744 = arith.constant 16 : index
          %get3A_745 = tpu.vector_load %arg10[%get3A_743, %get3A_744] {strides = array<i32>} : memref<4x80xi32, #tpu.memory_space<vmem>>, vector<1x16xi32>,
          %get3A_746 = vector.shape_cast %get3A_745 : vector<1x16xi32> to vector<16xi32>
          %mul3A_747 = arith.constant 4 : i32
          %mul3A_748 = vector.broadcast %mul3A_747 : i32 to vector<16xi32>
          %mul3A_749 = arith.muli %get3A_746, %mul3A_748 : vector<16xi32>
          %get3A_750 = arith.constant 1 : i32
          %get3A_751 = arith.index_cast %get3A_750 : i32 to index
          %get3A_752 = arith.constant 16 : index
          %get3A_753 = tpu.vector_load %arg10[%get3A_751, %get3A_752] {strides = array<i32>} : memref<4x80xi32, #tpu.memory_space<vmem>>, vector<1x16xi32>,
          %get3A_754 = vector.shape_cast %get3A_753 : vector<1x16xi32> to vector<16xi32>
          %mul3A_755 = arith.constant 2 : i32
          %mul3A_756 = vector.broadcast %mul3A_755 : i32 to vector<16xi32>
          %mul3A_757 = arith.muli %get3A_754, %mul3A_756 : vector<16xi32>
          %add3A_758 = arith.addi %mul3A_749, %mul3A_757 : vector<16xi32>
          %get3A_759 = arith.constant 2 : i32
          %get3A_760 = arith.index_cast %get3A_759 : i32 to index
          %get3A_761 = arith.constant 16 : index
          %get3A_762 = tpu.vector_load %arg10[%get3A_760, %get3A_761] {strides = array<i32>} : memref<4x80xi32, #tpu.memory_space<vmem>>, vector<1x16xi32>,
          %get3A_763 = vector.shape_cast %get3A_762 : vector<1x16xi32> to vector<16xi32>
          %add3A_764 = arith.addi %add3A_758, %get3A_763 : vector<16xi32>
          %swap3A_765 = arith.constant 0 : i32
          %swap3A_766 = arith.index_cast %swap3A_765 : i32 to index
          %swap3A_767 = arith.constant 16 : index
          %swap3A_768 = tpu.vector_load %arg10[%swap3A_766, %swap3A_767] {strides = array<i32>} : memref<4x80xi32, #tpu.memory_space<vmem>>, vector<1x16xi32>,
          %swap3A_769 = vector.shape_cast %swap3A_768 : vector<1x16xi32> to vector<16xi32>
          %swap3A_770 = vector.shape_cast %add3A_764 : vector<16xi32> to vector<1x16xi32>
          tpu.vector_store %arg10[%swap3A_766, %swap3A_767], %swap3A_770 {strides = array<i32>} : memref<4x80xi32, #tpu.memory_space<vmem>>, vector<1x16xi32>,
          %get3A_771 = arith.constant 0 : i32
          %get3A_772 = arith.index_cast %get3A_771 : i32 to index
          %get3A_773 = arith.constant 32 : index
          %get3A_774 = tpu.vector_load %arg10[%get3A_772, %get3A_773] {strides = array<i32>} : memref<4x80xi32, #tpu.memory_space<vmem>>, vector<1x16xi32>,
          %get3A_775 = vector.shape_cast %get3A_774 : vector<1x16xi32> to vector<16xi32>
          %mul3A_776 = arith.constant 4 : i32
          %mul3A_777 = vector.broadcast %mul3A_776 : i32 to vector<16xi32>
          %mul3A_778 = arith.muli %get3A_775, %mul3A_777 : vector<16xi32>
          %get3A_779 = arith.constant 1 : i32
          %get3A_780 = arith.index_cast %get3A_779 : i32 to index
          %get3A_781 = arith.constant 32 : index
          %get3A_782 = tpu.vector_load %arg10[%get3A_780, %get3A_781] {strides = array<i32>} : memref<4x80xi32, #tpu.memory_space<vmem>>, vector<1x16xi32>,
          %get3A_783 = vector.shape_cast %get3A_782 : vector<1x16xi32> to vector<16xi32>
          %mul3A_784 = arith.constant 2 : i32
          %mul3A_785 = vector.broadcast %mul3A_784 : i32 to vector<16xi32>
          %mul3A_786 = arith.muli %get3A_783, %mul3A_785 : vector<16xi32>
          %add3A_787 = arith.addi %mul3A_778, %mul3A_786 : vector<16xi32>
          %get3A_788 = arith.constant 2 : i32
          %get3A_789 = arith.index_cast %get3A_788 : i32 to index
          %get3A_790 = arith.constant 32 : index
          %get3A_791 = tpu.vector_load %arg10[%get3A_789, %get3A_790] {strides = array<i32>} : memref<4x80xi32, #tpu.memory_space<vmem>>, vector<1x16xi32>,
          %get3A_792 = vector.shape_cast %get3A_791 : vector<1x16xi32> to vector<16xi32>
          %add3A_793 = arith.addi %add3A_787, %get3A_792 : vector<16xi32>
          %swap3A_794 = arith.constant 0 : i32
          %swap3A_795 = arith.index_cast %swap3A_794 : i32 to index
          %swap3A_796 = arith.constant 32 : index
          %swap3A_797 = tpu.vector_load %arg10[%swap3A_795, %swap3A_796] {strides = array<i32>} : memref<4x80xi32, #tpu.memory_space<vmem>>, vector<1x16xi32>,
          %swap3A_798 = vector.shape_cast %swap3A_797 : vector<1x16xi32> to vector<16xi32>
          %swap3A_799 = vector.shape_cast %add3A_793 : vector<16xi32> to vector<1x16xi32>
          tpu.vector_store %arg10[%swap3A_795, %swap3A_796], %swap3A_799 {strides = array<i32>} : memref<4x80xi32, #tpu.memory_space<vmem>>, vector<1x16xi32>,
          %get3A_800 = arith.constant 0 : i32
          %get3A_801 = arith.index_cast %get3A_800 : i32 to index
          %get3A_802 = arith.constant 48 : index
          %get3A_803 = tpu.vector_load %arg10[%get3A_801, %get3A_802] {strides = array<i32>} : memref<4x80xi32, #tpu.memory_space<vmem>>, vector<1x16xi32>,
          %get3A_804 = vector.shape_cast %get3A_803 : vector<1x16xi32> to vector<16xi32>
          %mul3A_805 = arith.constant 4 : i32
          %mul3A_806 = vector.broadcast %mul3A_805 : i32 to vector<16xi32>
          %mul3A_807 = arith.muli %get3A_804, %mul3A_806 : vector<16xi32>
          %get3A_808 = arith.constant 1 : i32
          %get3A_809 = arith.index_cast %get3A_808 : i32 to index
          %get3A_810 = arith.constant 48 : index
          %get3A_811 = tpu.vector_load %arg10[%get3A_809, %get3A_810] {strides = array<i32>} : memref<4x80xi32, #tpu.memory_space<vmem>>, vector<1x16xi32>,
          %get3A_812 = vector.shape_cast %get3A_811 : vector<1x16xi32> to vector<16xi32>
          %mul3A_813 = arith.constant 2 : i32
          %mul3A_814 = vector.broadcast %mul3A_813 : i32 to vector<16xi32>
          %mul3A_815 = arith.muli %get3A_812, %mul3A_814 : vector<16xi32>
          %add3A_816 = arith.addi %mul3A_807, %mul3A_815 : vector<16xi32>
          %get3A_817 = arith.constant 2 : i32
          %get3A_818 = arith.index_cast %get3A_817 : i32 to index
          %get3A_819 = arith.constant 48 : index
          %get3A_820 = tpu.vector_load %arg10[%get3A_818, %get3A_819] {strides = array<i32>} : memref<4x80xi32, #tpu.memory_space<vmem>>, vector<1x16xi32>,
          %get3A_821 = vector.shape_cast %get3A_820 : vector<1x16xi32> to vector<16xi32>
          %add3A_822 = arith.addi %add3A_816, %get3A_821 : vector<16xi32>
          %swap3A_823 = arith.constant 0 : i32
          %swap3A_824 = arith.index_cast %swap3A_823 : i32 to index
          %swap3A_825 = arith.constant 48 : index
          %swap3A_826 = tpu.vector_load %arg10[%swap3A_824, %swap3A_825] {strides = array<i32>} : memref<4x80xi32, #tpu.memory_space<vmem>>, vector<1x16xi32>,
          %swap3A_827 = vector.shape_cast %swap3A_826 : vector<1x16xi32> to vector<16xi32>
          %swap3A_828 = vector.shape_cast %add3A_822 : vector<16xi32> to vector<1x16xi32>
          tpu.vector_store %arg10[%swap3A_824, %swap3A_825], %swap3A_828 {strides = array<i32>} : memref<4x80xi32, #tpu.memory_space<vmem>>, vector<1x16xi32>,
          %get3A_829 = arith.constant 0 : i32
          %get3A_830 = arith.index_cast %get3A_829 : i32 to index
          %get3A_831 = arith.constant 64 : index
          %get3A_832 = tpu.vector_load %arg10[%get3A_830, %get3A_831] {strides = array<i32>} : memref<4x80xi32, #tpu.memory_space<vmem>>, vector<1x16xi32>,
          %get3A_833 = vector.shape_cast %get3A_832 : vector<1x16xi32> to vector<16xi32>
          %mul3A_834 = arith.constant 4 : i32
          %mul3A_835 = vector.broadcast %mul3A_834 : i32 to vector<16xi32>
          %mul3A_836 = arith.muli %get3A_833, %mul3A_835 : vector<16xi32>
          %get3A_837 = arith.constant 1 : i32
          %get3A_838 = arith.index_cast %get3A_837 : i32 to index
          %get3A_839 = arith.constant 64 : index
          %get3A_840 = tpu.vector_load %arg10[%get3A_838, %get3A_839] {strides = array<i32>} : memref<4x80xi32, #tpu.memory_space<vmem>>, vector<1x16xi32>,
          %get3A_841 = vector.shape_cast %get3A_840 : vector<1x16xi32> to vector<16xi32>
          %mul3A_842 = arith.constant 2 : i32
          %mul3A_843 = vector.broadcast %mul3A_842 : i32 to vector<16xi32>
          %mul3A_844 = arith.muli %get3A_841, %mul3A_843 : vector<16xi32>
          %add3A_845 = arith.addi %mul3A_836, %mul3A_844 : vector<16xi32>
          %get3A_846 = arith.constant 2 : i32
          %get3A_847 = arith.index_cast %get3A_846 : i32 to index
          %get3A_848 = arith.constant 64 : index
          %get3A_849 = tpu.vector_load %arg10[%get3A_847, %get3A_848] {strides = array<i32>} : memref<4x80xi32, #tpu.memory_space<vmem>>, vector<1x16xi32>,
          %get3A_850 = vector.shape_cast %get3A_849 : vector<1x16xi32> to vector<16xi32>
          %add3A_851 = arith.addi %add3A_845, %get3A_850 : vector<16xi32>
          %swap3A_852 = arith.constant 0 : i32
          %swap3A_853 = arith.index_cast %swap3A_852 : i32 to index
          %swap3A_854 = arith.constant 64 : index
          %swap3A_855 = tpu.vector_load %arg10[%swap3A_853, %swap3A_854] {strides = array<i32>} : memref<4x80xi32, #tpu.memory_space<vmem>>, vector<1x16xi32>,
          %swap3A_856 = vector.shape_cast %swap3A_855 : vector<1x16xi32> to vector<16xi32>
          %swap3A_857 = vector.shape_cast %add3A_851 : vector<16xi32> to vector<1x16xi32>
          tpu.vector_store %arg10[%swap3A_853, %swap3A_854], %swap3A_857 {strides = array<i32>} : memref<4x80xi32, #tpu.memory_space<vmem>>, vector<1x16xi32>,
          %dma_start3A_858 = arith.constant 0 : i32
          %dma_start3A_859 = arith.constant 0 : i32
          %dma_start3A_860 = tpu.memref_slice %arg10[%dma_start3A_858, %dma_start3A_859] : memref<4x80xi32, #tpu.memory_space<vmem>> -> memref<1x80xi32, #tpu.memory_space<vmem>>
          %dma_start3A_861 = tpu.memref_squeeze %dma_start3A_860 : memref<1x80xi32, #tpu.memory_space<vmem>> -> memref<80xi32, #tpu.memory_space<vmem>>
          %dma_start3A_862 = arith.constant 0 : i32
          %dma_start3A_863 = arith.constant 0 : i32
          %dma_start3A_864 = tpu.memref_slice %arg2[%dma_start3A_862, %dma_start3A_863] : memref<40000x128xf32, #tpu.memory_space<hbm>> -> memref<40000x128xf32, #tpu.memory_space<hbm>>
          tpu.enqueue_indirect_dma source(%dma_start3A_864 : memref<40000x128xf32, #tpu.memory_space<hbm>>) target(%arg12 : memref<80x128xf32, #tpu.memory_space<vmem>>) offsets(%dma_start3A_861 : memref<80xi32, #tpu.memory_space<vmem>>) semaphore(%arg15 : memref<!tpu.dma_semaphore, #tpu.memory_space<semaphore_mem>>)
        } else {
        }
      } else {
      }
      %jit3A_607 = arith.constant 4 : i32
      %eq3A_608 = arith.constant 0 : i32
      %eq3A_609 = arith.cmpi eq, %jit3A_607, %eq3A_608 : i32
      %jit3A_610 = arith.constant 1 : i32
      %select_n3A_611 = arith.select %eq3A_609, %jit3A_610, %jit3A_607 : i32
      %rem3A_612 = arith.remsi %scan3A_573, %select_n3A_611 : i32
      %ne3A_613 = arith.constant 0 : i32
      %ne3A_614 = arith.cmpi ne, %rem3A_612, %ne3A_613 : i32
      %lt3A_615 = arith.constant 0 : i32
      %lt3A_616 = arith.cmpi slt, %rem3A_612, %lt3A_615 : i32
      %lt3A_617 = arith.constant 0 : i32
      %lt3A_618 = arith.cmpi slt, %select_n3A_611, %lt3A_617 : i32
      %ne3A_619 = arith.xori %lt3A_616, %lt3A_618 : i1
      %and3A_620 = arith.andi %ne3A_619, %ne3A_614 : i1
      %add3A_621 = arith.addi %rem3A_612, %select_n3A_611 : i32
      %select_n3A_622 = arith.select %and3A_620, %add3A_621, %rem3A_612 : i32
      %eq3A_623 = arith.constant 2 : i32
      %eq3A_624 = arith.cmpi eq, %select_n3A_622, %eq3A_623 : i32
      %convert_element_type3A_625 = arith.extui %eq3A_624 : i1 to i32
      %cond3A_626 = arith.constant 0 : i32
      %cond3A_627 = arith.cmpi ne, %convert_element_type3A_625, %cond3A_626 : i32
      scf.if %cond3A_627 {
        %dma_wait3A_649 = arith.constant 0 : i32
        %dma_wait3A_650 = arith.constant 0 : i32
        %dma_wait3A_651 = tpu.memref_slice %arg9[%dma_wait3A_649, %dma_wait3A_650] : memref<4x80xi32, #tpu.memory_space<vmem>> -> memref<1x80xi32, #tpu.memory_space<vmem>>
        %dma_wait3A_652 = tpu.memref_squeeze %dma_wait3A_651 : memref<1x80xi32, #tpu.memory_space<vmem>> -> memref<80xi32, #tpu.memory_space<vmem>>
        %dma_wait3A_653 = arith.constant 0 : i32
        %dma_wait3A_654 = arith.constant 0 : i32
        %dma_wait3A_655 = tpu.memref_slice %arg2[%dma_wait3A_653, %dma_wait3A_654] : memref<40000x128xf32, #tpu.memory_space<hbm>> -> memref<40000x128xf32, #tpu.memory_space<hbm>>
        tpu.wait_indirect_dma semaphore(%arg14 : memref<!tpu.dma_semaphore, #tpu.memory_space<semaphore_mem>>) src(%dma_wait3A_655 : memref<40000x128xf32, #tpu.memory_space<hbm>>) dst(%arg11 : memref<80x128xf32, #tpu.memory_space<vmem>>)
        %run_scoped3A = arith.constant 3 : i32
        "tpu.region"() ({
          %run_scoped3A_670 = tpu.sem_alloc : memref<!tpu.dma_semaphore, #tpu.memory_space<semaphore_mem>>
          %dma_start3A_671 = arith.constant 0 : i32
          %dma_start3A_672 = tpu.memref_slice %arg9[%run_scoped3A, %dma_start3A_671] : memref<4x80xi32, #tpu.memory_space<vmem>> -> memref<1x80xi32, #tpu.memory_space<vmem>>
          %dma_start3A_673 = tpu.memref_squeeze %dma_start3A_672 : memref<1x80xi32, #tpu.memory_space<vmem>> -> memref<80xi32, #tpu.memory_space<vmem>>
          %dma_start3A_674 = arith.constant 0 : i32
          %dma_start3A_675 = arith.constant 0 : i32
          %dma_start3A_676 = tpu.memref_slice %arg13[%dma_start3A_674, %dma_start3A_675] : memref<10240x128xf32, #tpu.memory_space<vmem_shared>> -> memref<10240x128xf32, #tpu.memory_space<vmem_shared>>
          tpu.enqueue_indirect_dma source(%arg11 : memref<80x128xf32, #tpu.memory_space<vmem>>) target(%dma_start3A_676 : memref<10240x128xf32, #tpu.memory_space<vmem_shared>>) offsets(%dma_start3A_673 : memref<80xi32, #tpu.memory_space<vmem>>) semaphore(%run_scoped3A_670 : memref<!tpu.dma_semaphore, #tpu.memory_space<semaphore_mem>>) {add = true}
          %dma_wait3A_677 = arith.constant 0 : i32
          %dma_wait3A_678 = tpu.memref_slice %arg9[%run_scoped3A, %dma_wait3A_677] : memref<4x80xi32, #tpu.memory_space<vmem>> -> memref<1x80xi32, #tpu.memory_space<vmem>>
          %dma_wait3A_679 = tpu.memref_squeeze %dma_wait3A_678 : memref<1x80xi32, #tpu.memory_space<vmem>> -> memref<80xi32, #tpu.memory_space<vmem>>
          %dma_wait3A_680 = arith.constant 0 : i32
          %dma_wait3A_681 = arith.constant 0 : i32
          %dma_wait3A_682 = tpu.memref_slice %arg13[%dma_wait3A_680, %dma_wait3A_681] : memref<10240x128xf32, #tpu.memory_space<vmem_shared>> -> memref<10240x128xf32, #tpu.memory_space<vmem_shared>>
          tpu.wait_indirect_dma semaphore(%run_scoped3A_670 : memref<!tpu.dma_semaphore, #tpu.memory_space<semaphore_mem>>) src(%arg11 : memref<80x128xf32, #tpu.memory_space<vmem>>) dst(%dma_wait3A_682 : memref<10240x128xf32, #tpu.memory_space<vmem_shared>>)
          tpu.yield
        }) : () -> ()
        %add3A_656 = arith.constant 4 : i32
        %add3A_657 = arith.addi %scan3A_573, %add3A_656 : i32
        %lt3A_658 = arith.constant 125 : i32
        %lt3A_659 = arith.cmpi slt, %add3A_657, %lt3A_658 : i32
        %convert_element_type3A_660 = arith.extui %lt3A_659 : i1 to i32
        %cond3A_661 = arith.constant 0 : i32
        %cond3A_662 = arith.cmpi ne, %convert_element_type3A_660, %cond3A_661 : i32
        scf.if %cond3A_662 {
          %add3A_670 = arith.constant 4 : i32
          %add3A_671 = arith.addi %scan3A_573, %add3A_670 : i32
          %mul3A_672 = arith.constant 80 : i32
          %mul3A_673 = arith.muli %add3A_671, %mul3A_672 : i32
          %add3A_674 = arith.addi %mul3A_4, %mul3A_673 : i32
          %add3A_675 = arith.constant 320000 : i32
          %add3A_676 = arith.addi %add3A_675, %add3A_674 : i32
          %dma_start3A_677 = arith.constant 0 : i32
          %dma_start3A_678 = arith.constant 0 : i32
          %dma_start3A_679 = tpu.memref_slice %arg9[%dma_start3A_677, %dma_start3A_678] : memref<4x80xi32, #tpu.memory_space<vmem>> -> memref<1x80xi32, #tpu.memory_space<vmem>>
          %dma_start3A_680 = tpu.memref_squeeze %dma_start3A_679 : memref<1x80xi32, #tpu.memory_space<vmem>> -> memref<80xi32, #tpu.memory_space<vmem>>
          %dma_start3A_681 = tpu.memref_slice %arg3[%add3A_674] : memref<640000xi32, #tpu.memory_space<hbm>> -> memref<80xi32, #tpu.memory_space<hbm>>
          %dma_start3A_682 = arith.constant 0 : i32
          %dma_start3A_683 = tpu.memref_slice %arg9[%dma_start3A_677, %dma_start3A_682] : memref<4x80xi32, #tpu.memory_space<vmem>> -> memref<1x80xi32, #tpu.memory_space<vmem>>
          %dma_start3A_684 = tpu.memref_squeeze %dma_start3A_683 : memref<1x80xi32, #tpu.memory_space<vmem>> -> memref<80xi32, #tpu.memory_space<vmem>>
          %dma_start3A_685 = tpu.memref_slice %arg3[%add3A_674] : memref<640000xi32, #tpu.memory_space<hbm>> -> memref<80xi32, #tpu.memory_space<hbm>>
          tpu.enqueue_dma source(%dma_start3A_685 : memref<80xi32, #tpu.memory_space<hbm>>) target(%dma_start3A_684 : memref<80xi32, #tpu.memory_space<vmem>>) target_semaphore(%arg18 : memref<!tpu.dma_semaphore, #tpu.memory_space<semaphore_mem>>)
          %dma_start3A_686 = arith.constant 1 : i32
          %dma_start3A_687 = arith.constant 0 : i32
          %dma_start3A_688 = tpu.memref_slice %arg9[%dma_start3A_686, %dma_start3A_687] : memref<4x80xi32, #tpu.memory_space<vmem>> -> memref<1x80xi32, #tpu.memory_space<vmem>>
          %dma_start3A_689 = tpu.memref_squeeze %dma_start3A_688 : memref<1x80xi32, #tpu.memory_space<vmem>> -> memref<80xi32, #tpu.memory_space<vmem>>
          %dma_start3A_690 = tpu.memref_slice %arg4[%add3A_674] : memref<320000xi32, #tpu.memory_space<hbm>> -> memref<80xi32, #tpu.memory_space<hbm>>
          %dma_start3A_691 = arith.constant 0 : i32
          %dma_start3A_692 = tpu.memref_slice %arg9[%dma_start3A_686, %dma_start3A_691] : memref<4x80xi32, #tpu.memory_space<vmem>> -> memref<1x80xi32, #tpu.memory_space<vmem>>
          %dma_start3A_693 = tpu.memref_squeeze %dma_start3A_692 : memref<1x80xi32, #tpu.memory_space<vmem>> -> memref<80xi32, #tpu.memory_space<vmem>>
          %dma_start3A_694 = tpu.memref_slice %arg4[%add3A_674] : memref<320000xi32, #tpu.memory_space<hbm>> -> memref<80xi32, #tpu.memory_space<hbm>>
          tpu.enqueue_dma source(%dma_start3A_694 : memref<80xi32, #tpu.memory_space<hbm>>) target(%dma_start3A_693 : memref<80xi32, #tpu.memory_space<vmem>>) target_semaphore(%arg18 : memref<!tpu.dma_semaphore, #tpu.memory_space<semaphore_mem>>)
          %dma_start3A_695 = arith.constant 2 : i32
          %dma_start3A_696 = arith.constant 0 : i32
          %dma_start3A_697 = tpu.memref_slice %arg9[%dma_start3A_695, %dma_start3A_696] : memref<4x80xi32, #tpu.memory_space<vmem>> -> memref<1x80xi32, #tpu.memory_space<vmem>>
          %dma_start3A_698 = tpu.memref_squeeze %dma_start3A_697 : memref<1x80xi32, #tpu.memory_space<vmem>> -> memref<80xi32, #tpu.memory_space<vmem>>
          %dma_start3A_699 = tpu.memref_slice %arg5[%add3A_674] : memref<320000xi32, #tpu.memory_space<hbm>> -> memref<80xi32, #tpu.memory_space<hbm>>
          %dma_start3A_700 = arith.constant 0 : i32
          %dma_start3A_701 = tpu.memref_slice %arg9[%dma_start3A_695, %dma_start3A_700] : memref<4x80xi32, #tpu.memory_space<vmem>> -> memref<1x80xi32, #tpu.memory_space<vmem>>
          %dma_start3A_702 = tpu.memref_squeeze %dma_start3A_701 : memref<1x80xi32, #tpu.memory_space<vmem>> -> memref<80xi32, #tpu.memory_space<vmem>>
          %dma_start3A_703 = tpu.memref_slice %arg5[%add3A_674] : memref<320000xi32, #tpu.memory_space<hbm>> -> memref<80xi32, #tpu.memory_space<hbm>>
          tpu.enqueue_dma source(%dma_start3A_703 : memref<80xi32, #tpu.memory_space<hbm>>) target(%dma_start3A_702 : memref<80xi32, #tpu.memory_space<vmem>>) target_semaphore(%arg18 : memref<!tpu.dma_semaphore, #tpu.memory_space<semaphore_mem>>)
          %dma_start3A_704 = arith.constant 3 : i32
          %dma_start3A_705 = arith.constant 0 : i32
          %dma_start3A_706 = tpu.memref_slice %arg9[%dma_start3A_704, %dma_start3A_705] : memref<4x80xi32, #tpu.memory_space<vmem>> -> memref<1x80xi32, #tpu.memory_space<vmem>>
          %dma_start3A_707 = tpu.memref_squeeze %dma_start3A_706 : memref<1x80xi32, #tpu.memory_space<vmem>> -> memref<80xi32, #tpu.memory_space<vmem>>
          %dma_start3A_708 = tpu.memref_slice %arg3[%add3A_676] : memref<640000xi32, #tpu.memory_space<hbm>> -> memref<80xi32, #tpu.memory_space<hbm>>
          %dma_start3A_709 = arith.constant 0 : i32
          %dma_start3A_710 = tpu.memref_slice %arg9[%dma_start3A_704, %dma_start3A_709] : memref<4x80xi32, #tpu.memory_space<vmem>> -> memref<1x80xi32, #tpu.memory_space<vmem>>
          %dma_start3A_711 = tpu.memref_squeeze %dma_start3A_710 : memref<1x80xi32, #tpu.memory_space<vmem>> -> memref<80xi32, #tpu.memory_space<vmem>>
          %dma_start3A_712 = tpu.memref_slice %arg3[%add3A_676] : memref<640000xi32, #tpu.memory_space<hbm>> -> memref<80xi32, #tpu.memory_space<hbm>>
          tpu.enqueue_dma source(%dma_start3A_712 : memref<80xi32, #tpu.memory_space<hbm>>) target(%dma_start3A_711 : memref<80xi32, #tpu.memory_space<vmem>>) target_semaphore(%arg18 : memref<!tpu.dma_semaphore, #tpu.memory_space<semaphore_mem>>)
        } else {
        }
        %add3A_663 = arith.constant 2 : i32
        %add3A_664 = arith.addi %scan3A_573, %add3A_663 : i32
        %lt3A_665 = arith.constant 125 : i32
        %lt3A_666 = arith.cmpi slt, %add3A_664, %lt3A_665 : i32
        %convert_element_type3A_667 = arith.extui %lt3A_666 : i1 to i32
        %cond3A_668 = arith.constant 0 : i32
        %cond3A_669 = arith.cmpi ne, %convert_element_type3A_667, %cond3A_668 : i32
        scf.if %cond3A_669 {
          %add3A_670 = arith.constant 2 : i32
          %add3A_671 = arith.addi %scan3A_573, %add3A_670 : i32
          %mul3A_672 = arith.constant 80 : i32
          %mul3A_673 = arith.muli %add3A_671, %mul3A_672 : i32
          %add3A_674 = arith.addi %mul3A_4, %mul3A_673 : i32
          %add3A_675 = arith.constant 320000 : i32
          %add3A_676 = arith.addi %add3A_675, %add3A_674 : i32
          %dma_wait3A_677 = arith.constant 0 : i32
          %dma_wait3A_678 = arith.constant 0 : i32
          %dma_wait3A_679 = tpu.memref_slice %arg7[%dma_wait3A_677, %dma_wait3A_678] : memref<4x80xi32, #tpu.memory_space<vmem>> -> memref<1x80xi32, #tpu.memory_space<vmem>>
          %dma_wait3A_680 = tpu.memref_squeeze %dma_wait3A_679 : memref<1x80xi32, #tpu.memory_space<vmem>> -> memref<80xi32, #tpu.memory_space<vmem>>
          %dma_wait3A_681 = tpu.memref_slice %arg3[%add3A_674] : memref<640000xi32, #tpu.memory_space<hbm>> -> memref<80xi32, #tpu.memory_space<hbm>>
          %dma_wait3A_682 = arith.constant 0 : i32
          %dma_wait3A_683 = tpu.memref_slice %arg7[%dma_wait3A_677, %dma_wait3A_682] : memref<4x80xi32, #tpu.memory_space<vmem>> -> memref<1x80xi32, #tpu.memory_space<vmem>>
          %dma_wait3A_684 = tpu.memref_squeeze %dma_wait3A_683 : memref<1x80xi32, #tpu.memory_space<vmem>> -> memref<80xi32, #tpu.memory_space<vmem>>
          %dma_wait3A_685 = tpu.memref_slice %arg3[%add3A_674] : memref<640000xi32, #tpu.memory_space<hbm>> -> memref<80xi32, #tpu.memory_space<hbm>>
          tpu.wait_dma2 semaphore(%arg16 : memref<!tpu.dma_semaphore, #tpu.memory_space<semaphore_mem>>) src(%dma_wait3A_685 : memref<80xi32, #tpu.memory_space<hbm>>) dst(%dma_wait3A_684 : memref<80xi32, #tpu.memory_space<vmem>>)
          %dma_wait3A_686 = arith.constant 1 : i32
          %dma_wait3A_687 = arith.constant 0 : i32
          %dma_wait3A_688 = tpu.memref_slice %arg7[%dma_wait3A_686, %dma_wait3A_687] : memref<4x80xi32, #tpu.memory_space<vmem>> -> memref<1x80xi32, #tpu.memory_space<vmem>>
          %dma_wait3A_689 = tpu.memref_squeeze %dma_wait3A_688 : memref<1x80xi32, #tpu.memory_space<vmem>> -> memref<80xi32, #tpu.memory_space<vmem>>
          %dma_wait3A_690 = tpu.memref_slice %arg4[%add3A_674] : memref<320000xi32, #tpu.memory_space<hbm>> -> memref<80xi32, #tpu.memory_space<hbm>>
          %dma_wait3A_691 = arith.constant 0 : i32
          %dma_wait3A_692 = tpu.memref_slice %arg7[%dma_wait3A_686, %dma_wait3A_691] : memref<4x80xi32, #tpu.memory_space<vmem>> -> memref<1x80xi32, #tpu.memory_space<vmem>>
          %dma_wait3A_693 = tpu.memref_squeeze %dma_wait3A_692 : memref<1x80xi32, #tpu.memory_space<vmem>> -> memref<80xi32, #tpu.memory_space<vmem>>
          %dma_wait3A_694 = tpu.memref_slice %arg4[%add3A_674] : memref<320000xi32, #tpu.memory_space<hbm>> -> memref<80xi32, #tpu.memory_space<hbm>>
          tpu.wait_dma2 semaphore(%arg16 : memref<!tpu.dma_semaphore, #tpu.memory_space<semaphore_mem>>) src(%dma_wait3A_694 : memref<80xi32, #tpu.memory_space<hbm>>) dst(%dma_wait3A_693 : memref<80xi32, #tpu.memory_space<vmem>>)
          %dma_wait3A_695 = arith.constant 2 : i32
          %dma_wait3A_696 = arith.constant 0 : i32
          %dma_wait3A_697 = tpu.memref_slice %arg7[%dma_wait3A_695, %dma_wait3A_696] : memref<4x80xi32, #tpu.memory_space<vmem>> -> memref<1x80xi32, #tpu.memory_space<vmem>>
          %dma_wait3A_698 = tpu.memref_squeeze %dma_wait3A_697 : memref<1x80xi32, #tpu.memory_space<vmem>> -> memref<80xi32, #tpu.memory_space<vmem>>
          %dma_wait3A_699 = tpu.memref_slice %arg5[%add3A_674] : memref<320000xi32, #tpu.memory_space<hbm>> -> memref<80xi32, #tpu.memory_space<hbm>>
          %dma_wait3A_700 = arith.constant 0 : i32
          %dma_wait3A_701 = tpu.memref_slice %arg7[%dma_wait3A_695, %dma_wait3A_700] : memref<4x80xi32, #tpu.memory_space<vmem>> -> memref<1x80xi32, #tpu.memory_space<vmem>>
          %dma_wait3A_702 = tpu.memref_squeeze %dma_wait3A_701 : memref<1x80xi32, #tpu.memory_space<vmem>> -> memref<80xi32, #tpu.memory_space<vmem>>
          %dma_wait3A_703 = tpu.memref_slice %arg5[%add3A_674] : memref<320000xi32, #tpu.memory_space<hbm>> -> memref<80xi32, #tpu.memory_space<hbm>>
          tpu.wait_dma2 semaphore(%arg16 : memref<!tpu.dma_semaphore, #tpu.memory_space<semaphore_mem>>) src(%dma_wait3A_703 : memref<80xi32, #tpu.memory_space<hbm>>) dst(%dma_wait3A_702 : memref<80xi32, #tpu.memory_space<vmem>>)
          %dma_wait3A_704 = arith.constant 3 : i32
          %dma_wait3A_705 = arith.constant 0 : i32
          %dma_wait3A_706 = tpu.memref_slice %arg7[%dma_wait3A_704, %dma_wait3A_705] : memref<4x80xi32, #tpu.memory_space<vmem>> -> memref<1x80xi32, #tpu.memory_space<vmem>>
          %dma_wait3A_707 = tpu.memref_squeeze %dma_wait3A_706 : memref<1x80xi32, #tpu.memory_space<vmem>> -> memref<80xi32, #tpu.memory_space<vmem>>
          %dma_wait3A_708 = tpu.memref_slice %arg3[%add3A_676] : memref<640000xi32, #tpu.memory_space<hbm>> -> memref<80xi32, #tpu.memory_space<hbm>>
          %dma_wait3A_709 = arith.constant 0 : i32
          %dma_wait3A_710 = tpu.memref_slice %arg7[%dma_wait3A_704, %dma_wait3A_709] : memref<4x80xi32, #tpu.memory_space<vmem>> -> memref<1x80xi32, #tpu.memory_space<vmem>>
          %dma_wait3A_711 = tpu.memref_squeeze %dma_wait3A_710 : memref<1x80xi32, #tpu.memory_space<vmem>> -> memref<80xi32, #tpu.memory_space<vmem>>
          %dma_wait3A_712 = tpu.memref_slice %arg3[%add3A_676] : memref<640000xi32, #tpu.memory_space<hbm>> -> memref<80xi32, #tpu.memory_space<hbm>>
          tpu.wait_dma2 semaphore(%arg16 : memref<!tpu.dma_semaphore, #tpu.memory_space<semaphore_mem>>) src(%dma_wait3A_712 : memref<80xi32, #tpu.memory_space<hbm>>) dst(%dma_wait3A_711 : memref<80xi32, #tpu.memory_space<vmem>>)
          %get3A_713 = arith.constant 0 : i32
          %get3A_714 = arith.index_cast %get3A_713 : i32 to index
          %get3A_715 = arith.constant 0 : index
          %get3A_716 = tpu.vector_load %arg7[%get3A_714, %get3A_715] {strides = array<i32>} : memref<4x80xi32, #tpu.memory_space<vmem>>, vector<1x16xi32>,
          %get3A_717 = vector.shape_cast %get3A_716 : vector<1x16xi32> to vector<16xi32>
          %mul3A_718 = arith.constant 4 : i32
          %mul3A_719 = vector.broadcast %mul3A_718 : i32 to vector<16xi32>
          %mul3A_720 = arith.muli %get3A_717, %mul3A_719 : vector<16xi32>
          %get3A_721 = arith.constant 1 : i32
          %get3A_722 = arith.index_cast %get3A_721 : i32 to index
          %get3A_723 = arith.constant 0 : index
          %get3A_724 = tpu.vector_load %arg7[%get3A_722, %get3A_723] {strides = array<i32>} : memref<4x80xi32, #tpu.memory_space<vmem>>, vector<1x16xi32>,
          %get3A_725 = vector.shape_cast %get3A_724 : vector<1x16xi32> to vector<16xi32>
          %mul3A_726 = arith.constant 2 : i32
          %mul3A_727 = vector.broadcast %mul3A_726 : i32 to vector<16xi32>
          %mul3A_728 = arith.muli %get3A_725, %mul3A_727 : vector<16xi32>
          %add3A_729 = arith.addi %mul3A_720, %mul3A_728 : vector<16xi32>
          %get3A_730 = arith.constant 2 : i32
          %get3A_731 = arith.index_cast %get3A_730 : i32 to index
          %get3A_732 = arith.constant 0 : index
          %get3A_733 = tpu.vector_load %arg7[%get3A_731, %get3A_732] {strides = array<i32>} : memref<4x80xi32, #tpu.memory_space<vmem>>, vector<1x16xi32>,
          %get3A_734 = vector.shape_cast %get3A_733 : vector<1x16xi32> to vector<16xi32>
          %add3A_735 = arith.addi %add3A_729, %get3A_734 : vector<16xi32>
          %swap3A_736 = arith.constant 0 : i32
          %swap3A_737 = arith.index_cast %swap3A_736 : i32 to index
          %swap3A_738 = arith.constant 0 : index
          %swap3A_739 = tpu.vector_load %arg7[%swap3A_737, %swap3A_738] {strides = array<i32>} : memref<4x80xi32, #tpu.memory_space<vmem>>, vector<1x16xi32>,
          %swap3A_740 = vector.shape_cast %swap3A_739 : vector<1x16xi32> to vector<16xi32>
          %swap3A_741 = vector.shape_cast %add3A_735 : vector<16xi32> to vector<1x16xi32>
          tpu.vector_store %arg7[%swap3A_737, %swap3A_738], %swap3A_741 {strides = array<i32>} : memref<4x80xi32, #tpu.memory_space<vmem>>, vector<1x16xi32>,
          %get3A_742 = arith.constant 0 : i32
          %get3A_743 = arith.index_cast %get3A_742 : i32 to index
          %get3A_744 = arith.constant 16 : index
          %get3A_745 = tpu.vector_load %arg7[%get3A_743, %get3A_744] {strides = array<i32>} : memref<4x80xi32, #tpu.memory_space<vmem>>, vector<1x16xi32>,
          %get3A_746 = vector.shape_cast %get3A_745 : vector<1x16xi32> to vector<16xi32>
          %mul3A_747 = arith.constant 4 : i32
          %mul3A_748 = vector.broadcast %mul3A_747 : i32 to vector<16xi32>
          %mul3A_749 = arith.muli %get3A_746, %mul3A_748 : vector<16xi32>
          %get3A_750 = arith.constant 1 : i32
          %get3A_751 = arith.index_cast %get3A_750 : i32 to index
          %get3A_752 = arith.constant 16 : index
          %get3A_753 = tpu.vector_load %arg7[%get3A_751, %get3A_752] {strides = array<i32>} : memref<4x80xi32, #tpu.memory_space<vmem>>, vector<1x16xi32>,
          %get3A_754 = vector.shape_cast %get3A_753 : vector<1x16xi32> to vector<16xi32>
          %mul3A_755 = arith.constant 2 : i32
          %mul3A_756 = vector.broadcast %mul3A_755 : i32 to vector<16xi32>
          %mul3A_757 = arith.muli %get3A_754, %mul3A_756 : vector<16xi32>
          %add3A_758 = arith.addi %mul3A_749, %mul3A_757 : vector<16xi32>
          %get3A_759 = arith.constant 2 : i32
          %get3A_760 = arith.index_cast %get3A_759 : i32 to index
          %get3A_761 = arith.constant 16 : index
          %get3A_762 = tpu.vector_load %arg7[%get3A_760, %get3A_761] {strides = array<i32>} : memref<4x80xi32, #tpu.memory_space<vmem>>, vector<1x16xi32>,
          %get3A_763 = vector.shape_cast %get3A_762 : vector<1x16xi32> to vector<16xi32>
          %add3A_764 = arith.addi %add3A_758, %get3A_763 : vector<16xi32>
          %swap3A_765 = arith.constant 0 : i32
          %swap3A_766 = arith.index_cast %swap3A_765 : i32 to index
          %swap3A_767 = arith.constant 16 : index
          %swap3A_768 = tpu.vector_load %arg7[%swap3A_766, %swap3A_767] {strides = array<i32>} : memref<4x80xi32, #tpu.memory_space<vmem>>, vector<1x16xi32>,
          %swap3A_769 = vector.shape_cast %swap3A_768 : vector<1x16xi32> to vector<16xi32>
          %swap3A_770 = vector.shape_cast %add3A_764 : vector<16xi32> to vector<1x16xi32>
          tpu.vector_store %arg7[%swap3A_766, %swap3A_767], %swap3A_770 {strides = array<i32>} : memref<4x80xi32, #tpu.memory_space<vmem>>, vector<1x16xi32>,
          %get3A_771 = arith.constant 0 : i32
          %get3A_772 = arith.index_cast %get3A_771 : i32 to index
          %get3A_773 = arith.constant 32 : index
          %get3A_774 = tpu.vector_load %arg7[%get3A_772, %get3A_773] {strides = array<i32>} : memref<4x80xi32, #tpu.memory_space<vmem>>, vector<1x16xi32>,
          %get3A_775 = vector.shape_cast %get3A_774 : vector<1x16xi32> to vector<16xi32>
          %mul3A_776 = arith.constant 4 : i32
          %mul3A_777 = vector.broadcast %mul3A_776 : i32 to vector<16xi32>
          %mul3A_778 = arith.muli %get3A_775, %mul3A_777 : vector<16xi32>
          %get3A_779 = arith.constant 1 : i32
          %get3A_780 = arith.index_cast %get3A_779 : i32 to index
          %get3A_781 = arith.constant 32 : index
          %get3A_782 = tpu.vector_load %arg7[%get3A_780, %get3A_781] {strides = array<i32>} : memref<4x80xi32, #tpu.memory_space<vmem>>, vector<1x16xi32>,
          %get3A_783 = vector.shape_cast %get3A_782 : vector<1x16xi32> to vector<16xi32>
          %mul3A_784 = arith.constant 2 : i32
          %mul3A_785 = vector.broadcast %mul3A_784 : i32 to vector<16xi32>
          %mul3A_786 = arith.muli %get3A_783, %mul3A_785 : vector<16xi32>
          %add3A_787 = arith.addi %mul3A_778, %mul3A_786 : vector<16xi32>
          %get3A_788 = arith.constant 2 : i32
          %get3A_789 = arith.index_cast %get3A_788 : i32 to index
          %get3A_790 = arith.constant 32 : index
          %get3A_791 = tpu.vector_load %arg7[%get3A_789, %get3A_790] {strides = array<i32>} : memref<4x80xi32, #tpu.memory_space<vmem>>, vector<1x16xi32>,
          %get3A_792 = vector.shape_cast %get3A_791 : vector<1x16xi32> to vector<16xi32>
          %add3A_793 = arith.addi %add3A_787, %get3A_792 : vector<16xi32>
          %swap3A_794 = arith.constant 0 : i32
          %swap3A_795 = arith.index_cast %swap3A_794 : i32 to index
          %swap3A_796 = arith.constant 32 : index
          %swap3A_797 = tpu.vector_load %arg7[%swap3A_795, %swap3A_796] {strides = array<i32>} : memref<4x80xi32, #tpu.memory_space<vmem>>, vector<1x16xi32>,
          %swap3A_798 = vector.shape_cast %swap3A_797 : vector<1x16xi32> to vector<16xi32>
          %swap3A_799 = vector.shape_cast %add3A_793 : vector<16xi32> to vector<1x16xi32>
          tpu.vector_store %arg7[%swap3A_795, %swap3A_796], %swap3A_799 {strides = array<i32>} : memref<4x80xi32, #tpu.memory_space<vmem>>, vector<1x16xi32>,
          %get3A_800 = arith.constant 0 : i32
          %get3A_801 = arith.index_cast %get3A_800 : i32 to index
          %get3A_802 = arith.constant 48 : index
          %get3A_803 = tpu.vector_load %arg7[%get3A_801, %get3A_802] {strides = array<i32>} : memref<4x80xi32, #tpu.memory_space<vmem>>, vector<1x16xi32>,
          %get3A_804 = vector.shape_cast %get3A_803 : vector<1x16xi32> to vector<16xi32>
          %mul3A_805 = arith.constant 4 : i32
          %mul3A_806 = vector.broadcast %mul3A_805 : i32 to vector<16xi32>
          %mul3A_807 = arith.muli %get3A_804, %mul3A_806 : vector<16xi32>
          %get3A_808 = arith.constant 1 : i32
          %get3A_809 = arith.index_cast %get3A_808 : i32 to index
          %get3A_810 = arith.constant 48 : index
          %get3A_811 = tpu.vector_load %arg7[%get3A_809, %get3A_810] {strides = array<i32>} : memref<4x80xi32, #tpu.memory_space<vmem>>, vector<1x16xi32>,
          %get3A_812 = vector.shape_cast %get3A_811 : vector<1x16xi32> to vector<16xi32>
          %mul3A_813 = arith.constant 2 : i32
          %mul3A_814 = vector.broadcast %mul3A_813 : i32 to vector<16xi32>
          %mul3A_815 = arith.muli %get3A_812, %mul3A_814 : vector<16xi32>
          %add3A_816 = arith.addi %mul3A_807, %mul3A_815 : vector<16xi32>
          %get3A_817 = arith.constant 2 : i32
          %get3A_818 = arith.index_cast %get3A_817 : i32 to index
          %get3A_819 = arith.constant 48 : index
          %get3A_820 = tpu.vector_load %arg7[%get3A_818, %get3A_819] {strides = array<i32>} : memref<4x80xi32, #tpu.memory_space<vmem>>, vector<1x16xi32>,
          %get3A_821 = vector.shape_cast %get3A_820 : vector<1x16xi32> to vector<16xi32>
          %add3A_822 = arith.addi %add3A_816, %get3A_821 : vector<16xi32>
          %swap3A_823 = arith.constant 0 : i32
          %swap3A_824 = arith.index_cast %swap3A_823 : i32 to index
          %swap3A_825 = arith.constant 48 : index
          %swap3A_826 = tpu.vector_load %arg7[%swap3A_824, %swap3A_825] {strides = array<i32>} : memref<4x80xi32, #tpu.memory_space<vmem>>, vector<1x16xi32>,
          %swap3A_827 = vector.shape_cast %swap3A_826 : vector<1x16xi32> to vector<16xi32>
          %swap3A_828 = vector.shape_cast %add3A_822 : vector<16xi32> to vector<1x16xi32>
          tpu.vector_store %arg7[%swap3A_824, %swap3A_825], %swap3A_828 {strides = array<i32>} : memref<4x80xi32, #tpu.memory_space<vmem>>, vector<1x16xi32>,
          %get3A_829 = arith.constant 0 : i32
          %get3A_830 = arith.index_cast %get3A_829 : i32 to index
          %get3A_831 = arith.constant 64 : index
          %get3A_832 = tpu.vector_load %arg7[%get3A_830, %get3A_831] {strides = array<i32>} : memref<4x80xi32, #tpu.memory_space<vmem>>, vector<1x16xi32>,
          %get3A_833 = vector.shape_cast %get3A_832 : vector<1x16xi32> to vector<16xi32>
          %mul3A_834 = arith.constant 4 : i32
          %mul3A_835 = vector.broadcast %mul3A_834 : i32 to vector<16xi32>
          %mul3A_836 = arith.muli %get3A_833, %mul3A_835 : vector<16xi32>
          %get3A_837 = arith.constant 1 : i32
          %get3A_838 = arith.index_cast %get3A_837 : i32 to index
          %get3A_839 = arith.constant 64 : index
          %get3A_840 = tpu.vector_load %arg7[%get3A_838, %get3A_839] {strides = array<i32>} : memref<4x80xi32, #tpu.memory_space<vmem>>, vector<1x16xi32>,
          %get3A_841 = vector.shape_cast %get3A_840 : vector<1x16xi32> to vector<16xi32>
          %mul3A_842 = arith.constant 2 : i32
          %mul3A_843 = vector.broadcast %mul3A_842 : i32 to vector<16xi32>
          %mul3A_844 = arith.muli %get3A_841, %mul3A_843 : vector<16xi32>
          %add3A_845 = arith.addi %mul3A_836, %mul3A_844 : vector<16xi32>
          %get3A_846 = arith.constant 2 : i32
          %get3A_847 = arith.index_cast %get3A_846 : i32 to index
          %get3A_848 = arith.constant 64 : index
          %get3A_849 = tpu.vector_load %arg7[%get3A_847, %get3A_848] {strides = array<i32>} : memref<4x80xi32, #tpu.memory_space<vmem>>, vector<1x16xi32>,
          %get3A_850 = vector.shape_cast %get3A_849 : vector<1x16xi32> to vector<16xi32>
          %add3A_851 = arith.addi %add3A_845, %get3A_850 : vector<16xi32>
          %swap3A_852 = arith.constant 0 : i32
          %swap3A_853 = arith.index_cast %swap3A_852 : i32 to index
          %swap3A_854 = arith.constant 64 : index
          %swap3A_855 = tpu.vector_load %arg7[%swap3A_853, %swap3A_854] {strides = array<i32>} : memref<4x80xi32, #tpu.memory_space<vmem>>, vector<1x16xi32>,
          %swap3A_856 = vector.shape_cast %swap3A_855 : vector<1x16xi32> to vector<16xi32>
          %swap3A_857 = vector.shape_cast %add3A_851 : vector<16xi32> to vector<1x16xi32>
          tpu.vector_store %arg7[%swap3A_853, %swap3A_854], %swap3A_857 {strides = array<i32>} : memref<4x80xi32, #tpu.memory_space<vmem>>, vector<1x16xi32>,
          %dma_start3A_858 = arith.constant 0 : i32
          %dma_start3A_859 = arith.constant 0 : i32
          %dma_start3A_860 = tpu.memref_slice %arg7[%dma_start3A_858, %dma_start3A_859] : memref<4x80xi32, #tpu.memory_space<vmem>> -> memref<1x80xi32, #tpu.memory_space<vmem>>
          %dma_start3A_861 = tpu.memref_squeeze %dma_start3A_860 : memref<1x80xi32, #tpu.memory_space<vmem>> -> memref<80xi32, #tpu.memory_space<vmem>>
          %dma_start3A_862 = arith.constant 0 : i32
          %dma_start3A_863 = arith.constant 0 : i32
          %dma_start3A_864 = tpu.memref_slice %arg2[%dma_start3A_862, %dma_start3A_863] : memref<40000x128xf32, #tpu.memory_space<hbm>> -> memref<40000x128xf32, #tpu.memory_space<hbm>>
          tpu.enqueue_indirect_dma source(%dma_start3A_864 : memref<40000x128xf32, #tpu.memory_space<hbm>>) target(%arg11 : memref<80x128xf32, #tpu.memory_space<vmem>>) offsets(%dma_start3A_861 : memref<80xi32, #tpu.memory_space<vmem>>) semaphore(%arg14 : memref<!tpu.dma_semaphore, #tpu.memory_space<semaphore_mem>>)
        } else {
        }
      } else {
      }
      %jit3A_628 = arith.constant 4 : i32
      %eq3A_629 = arith.constant 0 : i32
      %eq3A_630 = arith.cmpi eq, %jit3A_628, %eq3A_629 : i32
      %jit3A_631 = arith.constant 1 : i32
      %select_n3A_632 = arith.select %eq3A_630, %jit3A_631, %jit3A_628 : i32
      %rem3A_633 = arith.remsi %scan3A_573, %select_n3A_632 : i32
      %ne3A_634 = arith.constant 0 : i32
      %ne3A_635 = arith.cmpi ne, %rem3A_633, %ne3A_634 : i32
      %lt3A_636 = arith.constant 0 : i32
      %lt3A_637 = arith.cmpi slt, %rem3A_633, %lt3A_636 : i32
      %lt3A_638 = arith.constant 0 : i32
      %lt3A_639 = arith.cmpi slt, %select_n3A_632, %lt3A_638 : i32
      %ne3A_640 = arith.xori %lt3A_637, %lt3A_639 : i1
      %and3A_641 = arith.andi %ne3A_640, %ne3A_635 : i1
      %add3A_642 = arith.addi %rem3A_633, %select_n3A_632 : i32
      %select_n3A_643 = arith.select %and3A_641, %add3A_642, %rem3A_633 : i32
      %eq3A_644 = arith.constant 3 : i32
      %eq3A_645 = arith.cmpi eq, %select_n3A_643, %eq3A_644 : i32
      %convert_element_type3A_646 = arith.extui %eq3A_645 : i1 to i32
      %cond3A_647 = arith.constant 0 : i32
      %cond3A_648 = arith.cmpi ne, %convert_element_type3A_646, %cond3A_647 : i32
      scf.if %cond3A_648 {
        %dma_wait3A_649 = arith.constant 0 : i32
        %dma_wait3A_650 = arith.constant 0 : i32
        %dma_wait3A_651 = tpu.memref_slice %arg10[%dma_wait3A_649, %dma_wait3A_650] : memref<4x80xi32, #tpu.memory_space<vmem>> -> memref<1x80xi32, #tpu.memory_space<vmem>>
        %dma_wait3A_652 = tpu.memref_squeeze %dma_wait3A_651 : memref<1x80xi32, #tpu.memory_space<vmem>> -> memref<80xi32, #tpu.memory_space<vmem>>
        %dma_wait3A_653 = arith.constant 0 : i32
        %dma_wait3A_654 = arith.constant 0 : i32
        %dma_wait3A_655 = tpu.memref_slice %arg2[%dma_wait3A_653, %dma_wait3A_654] : memref<40000x128xf32, #tpu.memory_space<hbm>> -> memref<40000x128xf32, #tpu.memory_space<hbm>>
        tpu.wait_indirect_dma semaphore(%arg15 : memref<!tpu.dma_semaphore, #tpu.memory_space<semaphore_mem>>) src(%dma_wait3A_655 : memref<40000x128xf32, #tpu.memory_space<hbm>>) dst(%arg12 : memref<80x128xf32, #tpu.memory_space<vmem>>)
        %run_scoped3A = arith.constant 3 : i32
        "tpu.region"() ({
          %run_scoped3A_670 = tpu.sem_alloc : memref<!tpu.dma_semaphore, #tpu.memory_space<semaphore_mem>>
          %dma_start3A_671 = arith.constant 0 : i32
          %dma_start3A_672 = tpu.memref_slice %arg10[%run_scoped3A, %dma_start3A_671] : memref<4x80xi32, #tpu.memory_space<vmem>> -> memref<1x80xi32, #tpu.memory_space<vmem>>
          %dma_start3A_673 = tpu.memref_squeeze %dma_start3A_672 : memref<1x80xi32, #tpu.memory_space<vmem>> -> memref<80xi32, #tpu.memory_space<vmem>>
          %dma_start3A_674 = arith.constant 0 : i32
          %dma_start3A_675 = arith.constant 0 : i32
          %dma_start3A_676 = tpu.memref_slice %arg13[%dma_start3A_674, %dma_start3A_675] : memref<10240x128xf32, #tpu.memory_space<vmem_shared>> -> memref<10240x128xf32, #tpu.memory_space<vmem_shared>>
          tpu.enqueue_indirect_dma source(%arg12 : memref<80x128xf32, #tpu.memory_space<vmem>>) target(%dma_start3A_676 : memref<10240x128xf32, #tpu.memory_space<vmem_shared>>) offsets(%dma_start3A_673 : memref<80xi32, #tpu.memory_space<vmem>>) semaphore(%run_scoped3A_670 : memref<!tpu.dma_semaphore, #tpu.memory_space<semaphore_mem>>) {add = true}
          %dma_wait3A_677 = arith.constant 0 : i32
          %dma_wait3A_678 = tpu.memref_slice %arg10[%run_scoped3A, %dma_wait3A_677] : memref<4x80xi32, #tpu.memory_space<vmem>> -> memref<1x80xi32, #tpu.memory_space<vmem>>
          %dma_wait3A_679 = tpu.memref_squeeze %dma_wait3A_678 : memref<1x80xi32, #tpu.memory_space<vmem>> -> memref<80xi32, #tpu.memory_space<vmem>>
          %dma_wait3A_680 = arith.constant 0 : i32
          %dma_wait3A_681 = arith.constant 0 : i32
          %dma_wait3A_682 = tpu.memref_slice %arg13[%dma_wait3A_680, %dma_wait3A_681] : memref<10240x128xf32, #tpu.memory_space<vmem_shared>> -> memref<10240x128xf32, #tpu.memory_space<vmem_shared>>
          tpu.wait_indirect_dma semaphore(%run_scoped3A_670 : memref<!tpu.dma_semaphore, #tpu.memory_space<semaphore_mem>>) src(%arg12 : memref<80x128xf32, #tpu.memory_space<vmem>>) dst(%dma_wait3A_682 : memref<10240x128xf32, #tpu.memory_space<vmem_shared>>)
          tpu.yield
        }) : () -> ()
        %add3A_656 = arith.constant 4 : i32
        %add3A_657 = arith.addi %scan3A_573, %add3A_656 : i32
        %lt3A_658 = arith.constant 125 : i32
        %lt3A_659 = arith.cmpi slt, %add3A_657, %lt3A_658 : i32
        %convert_element_type3A_660 = arith.extui %lt3A_659 : i1 to i32
        %cond3A_661 = arith.constant 0 : i32
        %cond3A_662 = arith.cmpi ne, %convert_element_type3A_660, %cond3A_661 : i32
        scf.if %cond3A_662 {
          %add3A_670 = arith.constant 4 : i32
          %add3A_671 = arith.addi %scan3A_573, %add3A_670 : i32
          %mul3A_672 = arith.constant 80 : i32
          %mul3A_673 = arith.muli %add3A_671, %mul3A_672 : i32
          %add3A_674 = arith.addi %mul3A_4, %mul3A_673 : i32
          %add3A_675 = arith.constant 320000 : i32
          %add3A_676 = arith.addi %add3A_675, %add3A_674 : i32
          %dma_start3A_677 = arith.constant 0 : i32
          %dma_start3A_678 = arith.constant 0 : i32
          %dma_start3A_679 = tpu.memref_slice %arg10[%dma_start3A_677, %dma_start3A_678] : memref<4x80xi32, #tpu.memory_space<vmem>> -> memref<1x80xi32, #tpu.memory_space<vmem>>
          %dma_start3A_680 = tpu.memref_squeeze %dma_start3A_679 : memref<1x80xi32, #tpu.memory_space<vmem>> -> memref<80xi32, #tpu.memory_space<vmem>>
          %dma_start3A_681 = tpu.memref_slice %arg3[%add3A_674] : memref<640000xi32, #tpu.memory_space<hbm>> -> memref<80xi32, #tpu.memory_space<hbm>>
          %dma_start3A_682 = arith.constant 0 : i32
          %dma_start3A_683 = tpu.memref_slice %arg10[%dma_start3A_677, %dma_start3A_682] : memref<4x80xi32, #tpu.memory_space<vmem>> -> memref<1x80xi32, #tpu.memory_space<vmem>>
          %dma_start3A_684 = tpu.memref_squeeze %dma_start3A_683 : memref<1x80xi32, #tpu.memory_space<vmem>> -> memref<80xi32, #tpu.memory_space<vmem>>
          %dma_start3A_685 = tpu.memref_slice %arg3[%add3A_674] : memref<640000xi32, #tpu.memory_space<hbm>> -> memref<80xi32, #tpu.memory_space<hbm>>
          tpu.enqueue_dma source(%dma_start3A_685 : memref<80xi32, #tpu.memory_space<hbm>>) target(%dma_start3A_684 : memref<80xi32, #tpu.memory_space<vmem>>) target_semaphore(%arg19 : memref<!tpu.dma_semaphore, #tpu.memory_space<semaphore_mem>>)
          %dma_start3A_686 = arith.constant 1 : i32
          %dma_start3A_687 = arith.constant 0 : i32
          %dma_start3A_688 = tpu.memref_slice %arg10[%dma_start3A_686, %dma_start3A_687] : memref<4x80xi32, #tpu.memory_space<vmem>> -> memref<1x80xi32, #tpu.memory_space<vmem>>
          %dma_start3A_689 = tpu.memref_squeeze %dma_start3A_688 : memref<1x80xi32, #tpu.memory_space<vmem>> -> memref<80xi32, #tpu.memory_space<vmem>>
          %dma_start3A_690 = tpu.memref_slice %arg4[%add3A_674] : memref<320000xi32, #tpu.memory_space<hbm>> -> memref<80xi32, #tpu.memory_space<hbm>>
          %dma_start3A_691 = arith.constant 0 : i32
          %dma_start3A_692 = tpu.memref_slice %arg10[%dma_start3A_686, %dma_start3A_691] : memref<4x80xi32, #tpu.memory_space<vmem>> -> memref<1x80xi32, #tpu.memory_space<vmem>>
          %dma_start3A_693 = tpu.memref_squeeze %dma_start3A_692 : memref<1x80xi32, #tpu.memory_space<vmem>> -> memref<80xi32, #tpu.memory_space<vmem>>
          %dma_start3A_694 = tpu.memref_slice %arg4[%add3A_674] : memref<320000xi32, #tpu.memory_space<hbm>> -> memref<80xi32, #tpu.memory_space<hbm>>
          tpu.enqueue_dma source(%dma_start3A_694 : memref<80xi32, #tpu.memory_space<hbm>>) target(%dma_start3A_693 : memref<80xi32, #tpu.memory_space<vmem>>) target_semaphore(%arg19 : memref<!tpu.dma_semaphore, #tpu.memory_space<semaphore_mem>>)
          %dma_start3A_695 = arith.constant 2 : i32
          %dma_start3A_696 = arith.constant 0 : i32
          %dma_start3A_697 = tpu.memref_slice %arg10[%dma_start3A_695, %dma_start3A_696] : memref<4x80xi32, #tpu.memory_space<vmem>> -> memref<1x80xi32, #tpu.memory_space<vmem>>
          %dma_start3A_698 = tpu.memref_squeeze %dma_start3A_697 : memref<1x80xi32, #tpu.memory_space<vmem>> -> memref<80xi32, #tpu.memory_space<vmem>>
          %dma_start3A_699 = tpu.memref_slice %arg5[%add3A_674] : memref<320000xi32, #tpu.memory_space<hbm>> -> memref<80xi32, #tpu.memory_space<hbm>>
          %dma_start3A_700 = arith.constant 0 : i32
          %dma_start3A_701 = tpu.memref_slice %arg10[%dma_start3A_695, %dma_start3A_700] : memref<4x80xi32, #tpu.memory_space<vmem>> -> memref<1x80xi32, #tpu.memory_space<vmem>>
          %dma_start3A_702 = tpu.memref_squeeze %dma_start3A_701 : memref<1x80xi32, #tpu.memory_space<vmem>> -> memref<80xi32, #tpu.memory_space<vmem>>
          %dma_start3A_703 = tpu.memref_slice %arg5[%add3A_674] : memref<320000xi32, #tpu.memory_space<hbm>> -> memref<80xi32, #tpu.memory_space<hbm>>
          tpu.enqueue_dma source(%dma_start3A_703 : memref<80xi32, #tpu.memory_space<hbm>>) target(%dma_start3A_702 : memref<80xi32, #tpu.memory_space<vmem>>) target_semaphore(%arg19 : memref<!tpu.dma_semaphore, #tpu.memory_space<semaphore_mem>>)
          %dma_start3A_704 = arith.constant 3 : i32
          %dma_start3A_705 = arith.constant 0 : i32
          %dma_start3A_706 = tpu.memref_slice %arg10[%dma_start3A_704, %dma_start3A_705] : memref<4x80xi32, #tpu.memory_space<vmem>> -> memref<1x80xi32, #tpu.memory_space<vmem>>
          %dma_start3A_707 = tpu.memref_squeeze %dma_start3A_706 : memref<1x80xi32, #tpu.memory_space<vmem>> -> memref<80xi32, #tpu.memory_space<vmem>>
          %dma_start3A_708 = tpu.memref_slice %arg3[%add3A_676] : memref<640000xi32, #tpu.memory_space<hbm>> -> memref<80xi32, #tpu.memory_space<hbm>>
          %dma_start3A_709 = arith.constant 0 : i32
          %dma_start3A_710 = tpu.memref_slice %arg10[%dma_start3A_704, %dma_start3A_709] : memref<4x80xi32, #tpu.memory_space<vmem>> -> memref<1x80xi32, #tpu.memory_space<vmem>>
          %dma_start3A_711 = tpu.memref_squeeze %dma_start3A_710 : memref<1x80xi32, #tpu.memory_space<vmem>> -> memref<80xi32, #tpu.memory_space<vmem>>
          %dma_start3A_712 = tpu.memref_slice %arg3[%add3A_676] : memref<640000xi32, #tpu.memory_space<hbm>> -> memref<80xi32, #tpu.memory_space<hbm>>
          tpu.enqueue_dma source(%dma_start3A_712 : memref<80xi32, #tpu.memory_space<hbm>>) target(%dma_start3A_711 : memref<80xi32, #tpu.memory_space<vmem>>) target_semaphore(%arg19 : memref<!tpu.dma_semaphore, #tpu.memory_space<semaphore_mem>>)
        } else {
        }
        %add3A_663 = arith.constant 2 : i32
        %add3A_664 = arith.addi %scan3A_573, %add3A_663 : i32
        %lt3A_665 = arith.constant 125 : i32
        %lt3A_666 = arith.cmpi slt, %add3A_664, %lt3A_665 : i32
        %convert_element_type3A_667 = arith.extui %lt3A_666 : i1 to i32
        %cond3A_668 = arith.constant 0 : i32
        %cond3A_669 = arith.cmpi ne, %convert_element_type3A_667, %cond3A_668 : i32
        scf.if %cond3A_669 {
          %add3A_670 = arith.constant 2 : i32
          %add3A_671 = arith.addi %scan3A_573, %add3A_670 : i32
          %mul3A_672 = arith.constant 80 : i32
          %mul3A_673 = arith.muli %add3A_671, %mul3A_672 : i32
          %add3A_674 = arith.addi %mul3A_4, %mul3A_673 : i32
          %add3A_675 = arith.constant 320000 : i32
          %add3A_676 = arith.addi %add3A_675, %add3A_674 : i32
          %dma_wait3A_677 = arith.constant 0 : i32
          %dma_wait3A_678 = arith.constant 0 : i32
          %dma_wait3A_679 = tpu.memref_slice %arg8[%dma_wait3A_677, %dma_wait3A_678] : memref<4x80xi32, #tpu.memory_space<vmem>> -> memref<1x80xi32, #tpu.memory_space<vmem>>
          %dma_wait3A_680 = tpu.memref_squeeze %dma_wait3A_679 : memref<1x80xi32, #tpu.memory_space<vmem>> -> memref<80xi32, #tpu.memory_space<vmem>>
          %dma_wait3A_681 = tpu.memref_slice %arg3[%add3A_674] : memref<640000xi32, #tpu.memory_space<hbm>> -> memref<80xi32, #tpu.memory_space<hbm>>
          %dma_wait3A_682 = arith.constant 0 : i32
          %dma_wait3A_683 = tpu.memref_slice %arg8[%dma_wait3A_677, %dma_wait3A_682] : memref<4x80xi32, #tpu.memory_space<vmem>> -> memref<1x80xi32, #tpu.memory_space<vmem>>
          %dma_wait3A_684 = tpu.memref_squeeze %dma_wait3A_683 : memref<1x80xi32, #tpu.memory_space<vmem>> -> memref<80xi32, #tpu.memory_space<vmem>>
          %dma_wait3A_685 = tpu.memref_slice %arg3[%add3A_674] : memref<640000xi32, #tpu.memory_space<hbm>> -> memref<80xi32, #tpu.memory_space<hbm>>
          tpu.wait_dma2 semaphore(%arg17 : memref<!tpu.dma_semaphore, #tpu.memory_space<semaphore_mem>>) src(%dma_wait3A_685 : memref<80xi32, #tpu.memory_space<hbm>>) dst(%dma_wait3A_684 : memref<80xi32, #tpu.memory_space<vmem>>)
          %dma_wait3A_686 = arith.constant 1 : i32
          %dma_wait3A_687 = arith.constant 0 : i32
          %dma_wait3A_688 = tpu.memref_slice %arg8[%dma_wait3A_686, %dma_wait3A_687] : memref<4x80xi32, #tpu.memory_space<vmem>> -> memref<1x80xi32, #tpu.memory_space<vmem>>
          %dma_wait3A_689 = tpu.memref_squeeze %dma_wait3A_688 : memref<1x80xi32, #tpu.memory_space<vmem>> -> memref<80xi32, #tpu.memory_space<vmem>>
          %dma_wait3A_690 = tpu.memref_slice %arg4[%add3A_674] : memref<320000xi32, #tpu.memory_space<hbm>> -> memref<80xi32, #tpu.memory_space<hbm>>
          %dma_wait3A_691 = arith.constant 0 : i32
          %dma_wait3A_692 = tpu.memref_slice %arg8[%dma_wait3A_686, %dma_wait3A_691] : memref<4x80xi32, #tpu.memory_space<vmem>> -> memref<1x80xi32, #tpu.memory_space<vmem>>
          %dma_wait3A_693 = tpu.memref_squeeze %dma_wait3A_692 : memref<1x80xi32, #tpu.memory_space<vmem>> -> memref<80xi32, #tpu.memory_space<vmem>>
          %dma_wait3A_694 = tpu.memref_slice %arg4[%add3A_674] : memref<320000xi32, #tpu.memory_space<hbm>> -> memref<80xi32, #tpu.memory_space<hbm>>
          tpu.wait_dma2 semaphore(%arg17 : memref<!tpu.dma_semaphore, #tpu.memory_space<semaphore_mem>>) src(%dma_wait3A_694 : memref<80xi32, #tpu.memory_space<hbm>>) dst(%dma_wait3A_693 : memref<80xi32, #tpu.memory_space<vmem>>)
          %dma_wait3A_695 = arith.constant 2 : i32
          %dma_wait3A_696 = arith.constant 0 : i32
          %dma_wait3A_697 = tpu.memref_slice %arg8[%dma_wait3A_695, %dma_wait3A_696] : memref<4x80xi32, #tpu.memory_space<vmem>> -> memref<1x80xi32, #tpu.memory_space<vmem>>
          %dma_wait3A_698 = tpu.memref_squeeze %dma_wait3A_697 : memref<1x80xi32, #tpu.memory_space<vmem>> -> memref<80xi32, #tpu.memory_space<vmem>>
          %dma_wait3A_699 = tpu.memref_slice %arg5[%add3A_674] : memref<320000xi32, #tpu.memory_space<hbm>> -> memref<80xi32, #tpu.memory_space<hbm>>
          %dma_wait3A_700 = arith.constant 0 : i32
          %dma_wait3A_701 = tpu.memref_slice %arg8[%dma_wait3A_695, %dma_wait3A_700] : memref<4x80xi32, #tpu.memory_space<vmem>> -> memref<1x80xi32, #tpu.memory_space<vmem>>
          %dma_wait3A_702 = tpu.memref_squeeze %dma_wait3A_701 : memref<1x80xi32, #tpu.memory_space<vmem>> -> memref<80xi32, #tpu.memory_space<vmem>>
          %dma_wait3A_703 = tpu.memref_slice %arg5[%add3A_674] : memref<320000xi32, #tpu.memory_space<hbm>> -> memref<80xi32, #tpu.memory_space<hbm>>
          tpu.wait_dma2 semaphore(%arg17 : memref<!tpu.dma_semaphore, #tpu.memory_space<semaphore_mem>>) src(%dma_wait3A_703 : memref<80xi32, #tpu.memory_space<hbm>>) dst(%dma_wait3A_702 : memref<80xi32, #tpu.memory_space<vmem>>)
          %dma_wait3A_704 = arith.constant 3 : i32
          %dma_wait3A_705 = arith.constant 0 : i32
          %dma_wait3A_706 = tpu.memref_slice %arg8[%dma_wait3A_704, %dma_wait3A_705] : memref<4x80xi32, #tpu.memory_space<vmem>> -> memref<1x80xi32, #tpu.memory_space<vmem>>
          %dma_wait3A_707 = tpu.memref_squeeze %dma_wait3A_706 : memref<1x80xi32, #tpu.memory_space<vmem>> -> memref<80xi32, #tpu.memory_space<vmem>>
          %dma_wait3A_708 = tpu.memref_slice %arg3[%add3A_676] : memref<640000xi32, #tpu.memory_space<hbm>> -> memref<80xi32, #tpu.memory_space<hbm>>
          %dma_wait3A_709 = arith.constant 0 : i32
          %dma_wait3A_710 = tpu.memref_slice %arg8[%dma_wait3A_704, %dma_wait3A_709] : memref<4x80xi32, #tpu.memory_space<vmem>> -> memref<1x80xi32, #tpu.memory_space<vmem>>
          %dma_wait3A_711 = tpu.memref_squeeze %dma_wait3A_710 : memref<1x80xi32, #tpu.memory_space<vmem>> -> memref<80xi32, #tpu.memory_space<vmem>>
          %dma_wait3A_712 = tpu.memref_slice %arg3[%add3A_676] : memref<640000xi32, #tpu.memory_space<hbm>> -> memref<80xi32, #tpu.memory_space<hbm>>
          tpu.wait_dma2 semaphore(%arg17 : memref<!tpu.dma_semaphore, #tpu.memory_space<semaphore_mem>>) src(%dma_wait3A_712 : memref<80xi32, #tpu.memory_space<hbm>>) dst(%dma_wait3A_711 : memref<80xi32, #tpu.memory_space<vmem>>)
          %get3A_713 = arith.constant 0 : i32
          %get3A_714 = arith.index_cast %get3A_713 : i32 to index
          %get3A_715 = arith.constant 0 : index
          %get3A_716 = tpu.vector_load %arg8[%get3A_714, %get3A_715] {strides = array<i32>} : memref<4x80xi32, #tpu.memory_space<vmem>>, vector<1x16xi32>,
          %get3A_717 = vector.shape_cast %get3A_716 : vector<1x16xi32> to vector<16xi32>
          %mul3A_718 = arith.constant 4 : i32
          %mul3A_719 = vector.broadcast %mul3A_718 : i32 to vector<16xi32>
          %mul3A_720 = arith.muli %get3A_717, %mul3A_719 : vector<16xi32>
          %get3A_721 = arith.constant 1 : i32
          %get3A_722 = arith.index_cast %get3A_721 : i32 to index
          %get3A_723 = arith.constant 0 : index
          %get3A_724 = tpu.vector_load %arg8[%get3A_722, %get3A_723] {strides = array<i32>} : memref<4x80xi32, #tpu.memory_space<vmem>>, vector<1x16xi32>,
          %get3A_725 = vector.shape_cast %get3A_724 : vector<1x16xi32> to vector<16xi32>
          %mul3A_726 = arith.constant 2 : i32
          %mul3A_727 = vector.broadcast %mul3A_726 : i32 to vector<16xi32>
          %mul3A_728 = arith.muli %get3A_725, %mul3A_727 : vector<16xi32>
          %add3A_729 = arith.addi %mul3A_720, %mul3A_728 : vector<16xi32>
          %get3A_730 = arith.constant 2 : i32
          %get3A_731 = arith.index_cast %get3A_730 : i32 to index
          %get3A_732 = arith.constant 0 : index
          %get3A_733 = tpu.vector_load %arg8[%get3A_731, %get3A_732] {strides = array<i32>} : memref<4x80xi32, #tpu.memory_space<vmem>>, vector<1x16xi32>,
          %get3A_734 = vector.shape_cast %get3A_733 : vector<1x16xi32> to vector<16xi32>
          %add3A_735 = arith.addi %add3A_729, %get3A_734 : vector<16xi32>
          %swap3A_736 = arith.constant 0 : i32
          %swap3A_737 = arith.index_cast %swap3A_736 : i32 to index
          %swap3A_738 = arith.constant 0 : index
          %swap3A_739 = tpu.vector_load %arg8[%swap3A_737, %swap3A_738] {strides = array<i32>} : memref<4x80xi32, #tpu.memory_space<vmem>>, vector<1x16xi32>,
          %swap3A_740 = vector.shape_cast %swap3A_739 : vector<1x16xi32> to vector<16xi32>
          %swap3A_741 = vector.shape_cast %add3A_735 : vector<16xi32> to vector<1x16xi32>
          tpu.vector_store %arg8[%swap3A_737, %swap3A_738], %swap3A_741 {strides = array<i32>} : memref<4x80xi32, #tpu.memory_space<vmem>>, vector<1x16xi32>,
          %get3A_742 = arith.constant 0 : i32
          %get3A_743 = arith.index_cast %get3A_742 : i32 to index
          %get3A_744 = arith.constant 16 : index
          %get3A_745 = tpu.vector_load %arg8[%get3A_743, %get3A_744] {strides = array<i32>} : memref<4x80xi32, #tpu.memory_space<vmem>>, vector<1x16xi32>,
          %get3A_746 = vector.shape_cast %get3A_745 : vector<1x16xi32> to vector<16xi32>
          %mul3A_747 = arith.constant 4 : i32
          %mul3A_748 = vector.broadcast %mul3A_747 : i32 to vector<16xi32>
          %mul3A_749 = arith.muli %get3A_746, %mul3A_748 : vector<16xi32>
          %get3A_750 = arith.constant 1 : i32
          %get3A_751 = arith.index_cast %get3A_750 : i32 to index
          %get3A_752 = arith.constant 16 : index
          %get3A_753 = tpu.vector_load %arg8[%get3A_751, %get3A_752] {strides = array<i32>} : memref<4x80xi32, #tpu.memory_space<vmem>>, vector<1x16xi32>,
          %get3A_754 = vector.shape_cast %get3A_753 : vector<1x16xi32> to vector<16xi32>
          %mul3A_755 = arith.constant 2 : i32
          %mul3A_756 = vector.broadcast %mul3A_755 : i32 to vector<16xi32>
          %mul3A_757 = arith.muli %get3A_754, %mul3A_756 : vector<16xi32>
          %add3A_758 = arith.addi %mul3A_749, %mul3A_757 : vector<16xi32>
          %get3A_759 = arith.constant 2 : i32
          %get3A_760 = arith.index_cast %get3A_759 : i32 to index
          %get3A_761 = arith.constant 16 : index
          %get3A_762 = tpu.vector_load %arg8[%get3A_760, %get3A_761] {strides = array<i32>} : memref<4x80xi32, #tpu.memory_space<vmem>>, vector<1x16xi32>,
          %get3A_763 = vector.shape_cast %get3A_762 : vector<1x16xi32> to vector<16xi32>
          %add3A_764 = arith.addi %add3A_758, %get3A_763 : vector<16xi32>
          %swap3A_765 = arith.constant 0 : i32
          %swap3A_766 = arith.index_cast %swap3A_765 : i32 to index
          %swap3A_767 = arith.constant 16 : index
          %swap3A_768 = tpu.vector_load %arg8[%swap3A_766, %swap3A_767] {strides = array<i32>} : memref<4x80xi32, #tpu.memory_space<vmem>>, vector<1x16xi32>,
          %swap3A_769 = vector.shape_cast %swap3A_768 : vector<1x16xi32> to vector<16xi32>
          %swap3A_770 = vector.shape_cast %add3A_764 : vector<16xi32> to vector<1x16xi32>
          tpu.vector_store %arg8[%swap3A_766, %swap3A_767], %swap3A_770 {strides = array<i32>} : memref<4x80xi32, #tpu.memory_space<vmem>>, vector<1x16xi32>,
          %get3A_771 = arith.constant 0 : i32
          %get3A_772 = arith.index_cast %get3A_771 : i32 to index
          %get3A_773 = arith.constant 32 : index
          %get3A_774 = tpu.vector_load %arg8[%get3A_772, %get3A_773] {strides = array<i32>} : memref<4x80xi32, #tpu.memory_space<vmem>>, vector<1x16xi32>,
          %get3A_775 = vector.shape_cast %get3A_774 : vector<1x16xi32> to vector<16xi32>
          %mul3A_776 = arith.constant 4 : i32
          %mul3A_777 = vector.broadcast %mul3A_776 : i32 to vector<16xi32>
          %mul3A_778 = arith.muli %get3A_775, %mul3A_777 : vector<16xi32>
          %get3A_779 = arith.constant 1 : i32
          %get3A_780 = arith.index_cast %get3A_779 : i32 to index
          %get3A_781 = arith.constant 32 : index
          %get3A_782 = tpu.vector_load %arg8[%get3A_780, %get3A_781] {strides = array<i32>} : memref<4x80xi32, #tpu.memory_space<vmem>>, vector<1x16xi32>,
          %get3A_783 = vector.shape_cast %get3A_782 : vector<1x16xi32> to vector<16xi32>
          %mul3A_784 = arith.constant 2 : i32
          %mul3A_785 = vector.broadcast %mul3A_784 : i32 to vector<16xi32>
          %mul3A_786 = arith.muli %get3A_783, %mul3A_785 : vector<16xi32>
          %add3A_787 = arith.addi %mul3A_778, %mul3A_786 : vector<16xi32>
          %get3A_788 = arith.constant 2 : i32
          %get3A_789 = arith.index_cast %get3A_788 : i32 to index
          %get3A_790 = arith.constant 32 : index
          %get3A_791 = tpu.vector_load %arg8[%get3A_789, %get3A_790] {strides = array<i32>} : memref<4x80xi32, #tpu.memory_space<vmem>>, vector<1x16xi32>,
          %get3A_792 = vector.shape_cast %get3A_791 : vector<1x16xi32> to vector<16xi32>
          %add3A_793 = arith.addi %add3A_787, %get3A_792 : vector<16xi32>
          %swap3A_794 = arith.constant 0 : i32
          %swap3A_795 = arith.index_cast %swap3A_794 : i32 to index
          %swap3A_796 = arith.constant 32 : index
          %swap3A_797 = tpu.vector_load %arg8[%swap3A_795, %swap3A_796] {strides = array<i32>} : memref<4x80xi32, #tpu.memory_space<vmem>>, vector<1x16xi32>,
          %swap3A_798 = vector.shape_cast %swap3A_797 : vector<1x16xi32> to vector<16xi32>
          %swap3A_799 = vector.shape_cast %add3A_793 : vector<16xi32> to vector<1x16xi32>
          tpu.vector_store %arg8[%swap3A_795, %swap3A_796], %swap3A_799 {strides = array<i32>} : memref<4x80xi32, #tpu.memory_space<vmem>>, vector<1x16xi32>,
          %get3A_800 = arith.constant 0 : i32
          %get3A_801 = arith.index_cast %get3A_800 : i32 to index
          %get3A_802 = arith.constant 48 : index
          %get3A_803 = tpu.vector_load %arg8[%get3A_801, %get3A_802] {strides = array<i32>} : memref<4x80xi32, #tpu.memory_space<vmem>>, vector<1x16xi32>,
          %get3A_804 = vector.shape_cast %get3A_803 : vector<1x16xi32> to vector<16xi32>
          %mul3A_805 = arith.constant 4 : i32
          %mul3A_806 = vector.broadcast %mul3A_805 : i32 to vector<16xi32>
          %mul3A_807 = arith.muli %get3A_804, %mul3A_806 : vector<16xi32>
          %get3A_808 = arith.constant 1 : i32
          %get3A_809 = arith.index_cast %get3A_808 : i32 to index
          %get3A_810 = arith.constant 48 : index
          %get3A_811 = tpu.vector_load %arg8[%get3A_809, %get3A_810] {strides = array<i32>} : memref<4x80xi32, #tpu.memory_space<vmem>>, vector<1x16xi32>,
          %get3A_812 = vector.shape_cast %get3A_811 : vector<1x16xi32> to vector<16xi32>
          %mul3A_813 = arith.constant 2 : i32
          %mul3A_814 = vector.broadcast %mul3A_813 : i32 to vector<16xi32>
          %mul3A_815 = arith.muli %get3A_812, %mul3A_814 : vector<16xi32>
          %add3A_816 = arith.addi %mul3A_807, %mul3A_815 : vector<16xi32>
          %get3A_817 = arith.constant 2 : i32
          %get3A_818 = arith.index_cast %get3A_817 : i32 to index
          %get3A_819 = arith.constant 48 : index
          %get3A_820 = tpu.vector_load %arg8[%get3A_818, %get3A_819] {strides = array<i32>} : memref<4x80xi32, #tpu.memory_space<vmem>>, vector<1x16xi32>,
          %get3A_821 = vector.shape_cast %get3A_820 : vector<1x16xi32> to vector<16xi32>
          %add3A_822 = arith.addi %add3A_816, %get3A_821 : vector<16xi32>
          %swap3A_823 = arith.constant 0 : i32
          %swap3A_824 = arith.index_cast %swap3A_823 : i32 to index
          %swap3A_825 = arith.constant 48 : index
          %swap3A_826 = tpu.vector_load %arg8[%swap3A_824, %swap3A_825] {strides = array<i32>} : memref<4x80xi32, #tpu.memory_space<vmem>>, vector<1x16xi32>,
          %swap3A_827 = vector.shape_cast %swap3A_826 : vector<1x16xi32> to vector<16xi32>
          %swap3A_828 = vector.shape_cast %add3A_822 : vector<16xi32> to vector<1x16xi32>
          tpu.vector_store %arg8[%swap3A_824, %swap3A_825], %swap3A_828 {strides = array<i32>} : memref<4x80xi32, #tpu.memory_space<vmem>>, vector<1x16xi32>,
          %get3A_829 = arith.constant 0 : i32
          %get3A_830 = arith.index_cast %get3A_829 : i32 to index
          %get3A_831 = arith.constant 64 : index
          %get3A_832 = tpu.vector_load %arg8[%get3A_830, %get3A_831] {strides = array<i32>} : memref<4x80xi32, #tpu.memory_space<vmem>>, vector<1x16xi32>,
          %get3A_833 = vector.shape_cast %get3A_832 : vector<1x16xi32> to vector<16xi32>
          %mul3A_834 = arith.constant 4 : i32
          %mul3A_835 = vector.broadcast %mul3A_834 : i32 to vector<16xi32>
          %mul3A_836 = arith.muli %get3A_833, %mul3A_835 : vector<16xi32>
          %get3A_837 = arith.constant 1 : i32
          %get3A_838 = arith.index_cast %get3A_837 : i32 to index
          %get3A_839 = arith.constant 64 : index
          %get3A_840 = tpu.vector_load %arg8[%get3A_838, %get3A_839] {strides = array<i32>} : memref<4x80xi32, #tpu.memory_space<vmem>>, vector<1x16xi32>,
          %get3A_841 = vector.shape_cast %get3A_840 : vector<1x16xi32> to vector<16xi32>
          %mul3A_842 = arith.constant 2 : i32
          %mul3A_843 = vector.broadcast %mul3A_842 : i32 to vector<16xi32>
          %mul3A_844 = arith.muli %get3A_841, %mul3A_843 : vector<16xi32>
          %add3A_845 = arith.addi %mul3A_836, %mul3A_844 : vector<16xi32>
          %get3A_846 = arith.constant 2 : i32
          %get3A_847 = arith.index_cast %get3A_846 : i32 to index
          %get3A_848 = arith.constant 64 : index
          %get3A_849 = tpu.vector_load %arg8[%get3A_847, %get3A_848] {strides = array<i32>} : memref<4x80xi32, #tpu.memory_space<vmem>>, vector<1x16xi32>,
          %get3A_850 = vector.shape_cast %get3A_849 : vector<1x16xi32> to vector<16xi32>
          %add3A_851 = arith.addi %add3A_845, %get3A_850 : vector<16xi32>
          %swap3A_852 = arith.constant 0 : i32
          %swap3A_853 = arith.index_cast %swap3A_852 : i32 to index
          %swap3A_854 = arith.constant 64 : index
          %swap3A_855 = tpu.vector_load %arg8[%swap3A_853, %swap3A_854] {strides = array<i32>} : memref<4x80xi32, #tpu.memory_space<vmem>>, vector<1x16xi32>,
          %swap3A_856 = vector.shape_cast %swap3A_855 : vector<1x16xi32> to vector<16xi32>
          %swap3A_857 = vector.shape_cast %add3A_851 : vector<16xi32> to vector<1x16xi32>
          tpu.vector_store %arg8[%swap3A_853, %swap3A_854], %swap3A_857 {strides = array<i32>} : memref<4x80xi32, #tpu.memory_space<vmem>>, vector<1x16xi32>,
          %dma_start3A_858 = arith.constant 0 : i32
          %dma_start3A_859 = arith.constant 0 : i32
          %dma_start3A_860 = tpu.memref_slice %arg8[%dma_start3A_858, %dma_start3A_859] : memref<4x80xi32, #tpu.memory_space<vmem>> -> memref<1x80xi32, #tpu.memory_space<vmem>>
          %dma_start3A_861 = tpu.memref_squeeze %dma_start3A_860 : memref<1x80xi32, #tpu.memory_space<vmem>> -> memref<80xi32, #tpu.memory_space<vmem>>
          %dma_start3A_862 = arith.constant 0 : i32
          %dma_start3A_863 = arith.constant 0 : i32
          %dma_start3A_864 = tpu.memref_slice %arg2[%dma_start3A_862, %dma_start3A_863] : memref<40000x128xf32, #tpu.memory_space<hbm>> -> memref<40000x128xf32, #tpu.memory_space<hbm>>
          tpu.enqueue_indirect_dma source(%dma_start3A_864 : memref<40000x128xf32, #tpu.memory_space<hbm>>) target(%arg12 : memref<80x128xf32, #tpu.memory_space<vmem>>) offsets(%dma_start3A_861 : memref<80xi32, #tpu.memory_space<vmem>>) semaphore(%arg15 : memref<!tpu.dma_semaphore, #tpu.memory_space<semaphore_mem>>)
        } else {
        }
      } else {
      }
    }
    %scan3A_571 = arith.constant 125 : i32
    %barrier3A_572 = arith.constant 0 : index
    tpu.barrier barrier_id(%barrier3A_572)
    "tpu.region"() ({
      %run_scoped3A = tpu.sem_alloc : memref<!tpu.dma_semaphore, #tpu.memory_space<semaphore_mem>>
      %dma_start3A_573 = arith.constant 0 : i32
      %dma_start3A_574 = tpu.memref_slice %arg6[%arg0, %mul3A_2, %dma_start3A_573] : memref<2x10240x128xf32, #tpu.memory_space<hbm>> -> memref<1x640x128xf32, #tpu.memory_space<hbm>>
      %dma_start3A_575 = tpu.memref_squeeze %dma_start3A_574 : memref<1x640x128xf32, #tpu.memory_space<hbm>> -> memref<640x128xf32, #tpu.memory_space<hbm>>
      %dma_start3A_576 = arith.constant 0 : i32
      %dma_start3A_577 = tpu.memref_slice %arg13[%mul3A_2, %dma_start3A_576] : memref<10240x128xf32, #tpu.memory_space<vmem_shared>> -> memref<640x128xf32, #tpu.memory_space<vmem_shared>>
      tpu.enqueue_dma source(%dma_start3A_577 : memref<640x128xf32, #tpu.memory_space<vmem_shared>>) target(%dma_start3A_575 : memref<640x128xf32, #tpu.memory_space<hbm>>) target_semaphore(%run_scoped3A : memref<!tpu.dma_semaphore, #tpu.memory_space<semaphore_mem>>)
      %dma_wait3A_578 = arith.constant 0 : i32
      %dma_wait3A_579 = tpu.memref_slice %arg6[%arg0, %mul3A_2, %dma_wait3A_578] : memref<2x10240x128xf32, #tpu.memory_space<hbm>> -> memref<1x640x128xf32, #tpu.memory_space<hbm>>
      %dma_wait3A_580 = tpu.memref_squeeze %dma_wait3A_579 : memref<1x640x128xf32, #tpu.memory_space<hbm>> -> memref<640x128xf32, #tpu.memory_space<hbm>>
      %dma_wait3A_581 = arith.constant 0 : i32
      %dma_wait3A_582 = tpu.memref_slice %arg13[%mul3A_2, %dma_wait3A_581] : memref<10240x128xf32, #tpu.memory_space<vmem_shared>> -> memref<640x128xf32, #tpu.memory_space<vmem_shared>>
      tpu.wait_dma2 semaphore(%run_scoped3A : memref<!tpu.dma_semaphore, #tpu.memory_space<semaphore_mem>>) src(%dma_wait3A_582 : memref<640x128xf32, #tpu.memory_space<vmem_shared>>) dst(%dma_wait3A_580 : memref<640x128xf32, #tpu.memory_space<hbm>>)
      tpu.yield
    }) : () -> ()
    return
  }
}

module attributes {stable_mosaic.version = 14 : i64} {
  func.func @_cst_send_body(%arg0: i32, %arg1: memref<2000x128xf32, #tpu.memory_space<vmem>>, %arg2: memref<128x128xf32, #tpu.memory_space<vmem>>, %arg3: memref<1x128xf32, #tpu.memory_space<vmem>>, %arg4: memref<512x128xf32, #tpu.memory_space<vmem>>, %arg5: memref<1x512xf32, #tpu.memory_space<vmem>>, %arg6: memref<1x512xf32, #tpu.memory_space<vmem>>, %arg7: memref<2000x512xf32, #tpu.memory_space<vmem>>) attributes {dimension_semantics = [#tpu.dimension_semantics<arbitrary>], iteration_bounds = array<i64: 5>, scalar_prefetch = 0 : i64, scratch_operands = 0 : i64, tpu.core_type = #tpu.core_type<tc>, window_params = [{transform_indices = @transform_0, window_bounds = array<i64: 2000, 128>}, {pipeline_mode = #tpu.pipeline_mode<synchronous>, transform_indices = @transform_1, window_bounds = array<i64: 128, 128>}, {pipeline_mode = #tpu.pipeline_mode<synchronous>, transform_indices = @transform_2, window_bounds = array<i64: 1, 128>}, {pipeline_mode = #tpu.pipeline_mode<synchronous>, transform_indices = @transform_3, window_bounds = array<i64: 512, 128>}, {pipeline_mode = #tpu.pipeline_mode<synchronous>, transform_indices = @transform_4, window_bounds = array<i64: 1, 512>}, {pipeline_mode = #tpu.pipeline_mode<synchronous>, transform_indices = @transform_5, window_bounds = array<i64: 1, 512>}, {transform_indices = @transform_6, window_bounds = array<i64: 2000, 512>}]} {
    %get3A = arith.constant 0 : index
    %get3A_0 = arith.constant 0 : index
    %get3A_1 = vector.load %arg1[%get3A, %get3A_0] : memref<2000x128xf32, #tpu.memory_space<vmem>>, vector<2000x128xf32>
    %get3A_2 = arith.constant 0 : index
    %get3A_3 = arith.constant 0 : index
    %get3A_4 = vector.load %arg2[%get3A_2, %get3A_3] : memref<128x128xf32, #tpu.memory_space<vmem>>, vector<128x128xf32>
    %dot_general3A = arith.constant dense<0.000000e+00> : vector<2000x128xf32>
    %dot_general3A_5 = tpu.matmul %get3A_1, %get3A_4, %dot_general3A {dimension_numbers = #tpu.dot_dimension_numbers<[1], [1], [0], [0], [0, 0, 1, 0], [], []>, transpose_lhs_hint = false} : vector<2000x128xf32>, vector<128x128xf32>, vector<2000x128xf32> -> vector<2000x128xf32>
    %get3A_6 = arith.constant 0 : index
    %get3A_7 = arith.constant 0 : index
    %get3A_8 = vector.load %arg3[%get3A_6, %get3A_7] : memref<1x128xf32, #tpu.memory_space<vmem>>, vector<1x128xf32>
    %add3A = vector.broadcast %get3A_8 : vector<1x128xf32> to vector<2000x128xf32>
    %add3A_9 = arith.addf %dot_general3A_5, %add3A : vector<2000x128xf32>
    %max3A = arith.constant 0.000000e+00 : f32
    %max3A_10 = vector.broadcast %max3A : f32 to vector<2000x128xf32>
    %max3A_11 = arith.maximumf %add3A_9, %max3A_10 : vector<2000x128xf32>
    %get3A_12 = arith.constant 0 : index
    %get3A_13 = arith.constant 0 : index
    %get3A_14 = vector.load %arg4[%get3A_12, %get3A_13] : memref<512x128xf32, #tpu.memory_space<vmem>>, vector<512x128xf32>
    %dot_general3A_15 = arith.constant dense<0.000000e+00> : vector<2000x512xf32>
    %dot_general3A_16 = tpu.matmul %max3A_11, %get3A_14, %dot_general3A_15 {dimension_numbers = #tpu.dot_dimension_numbers<[1], [1], [0], [0], [0, 0, 1, 0], [], []>, transpose_lhs_hint = false} : vector<2000x128xf32>, vector<512x128xf32>, vector<2000x512xf32> -> vector<2000x512xf32>
    %reduce_sum3A = arith.constant dense<0.000000e+00> : vector<2000xf32>
    %reduce_sum3A_17 = vector.multi_reduction <add>, %dot_general3A_16, %reduce_sum3A [1] : vector<2000x512xf32> to vector<2000xf32>
    %broadcast_in_dim3A = vector.shape_cast %reduce_sum3A_17 : vector<2000xf32> to vector<2000x1xf32>
    %div3A = arith.constant 5.120000e+02 : f32
    %div3A_18 = vector.broadcast %div3A : f32 to vector<2000x1xf32>
    %div3A_19 = arith.divf %broadcast_in_dim3A, %div3A_18 : vector<2000x1xf32>
    %sub3A = vector.broadcast %div3A_19 : vector<2000x1xf32> to vector<2000x512xf32>
    %sub3A_20 = arith.subf %dot_general3A_16, %sub3A : vector<2000x512xf32>
    %integer_pow3A = arith.mulf %sub3A_20, %sub3A_20 : vector<2000x512xf32>
    %reduce_sum3A_21 = arith.constant dense<0.000000e+00> : vector<2000xf32>
    %reduce_sum3A_22 = vector.multi_reduction <add>, %integer_pow3A, %reduce_sum3A_21 [1] : vector<2000x512xf32> to vector<2000xf32>
    %broadcast_in_dim3A_23 = vector.shape_cast %reduce_sum3A_22 : vector<2000xf32> to vector<2000x1xf32>
    %div3A_24 = arith.constant 5.120000e+02 : f32
    %div3A_25 = vector.broadcast %div3A_24 : f32 to vector<2000x1xf32>
    %div3A_26 = arith.divf %broadcast_in_dim3A_23, %div3A_25 : vector<2000x1xf32>
    %sub3A_27 = vector.broadcast %div3A_19 : vector<2000x1xf32> to vector<2000x512xf32>
    %sub3A_28 = arith.subf %dot_general3A_16, %sub3A_27 : vector<2000x512xf32>
    %add3A_29 = arith.constant 9.99999974E-6 : f32
    %add3A_30 = vector.broadcast %add3A_29 : f32 to vector<2000x1xf32>
    %add3A_31 = arith.addf %div3A_26, %add3A_30 : vector<2000x1xf32>
    %sqrt3A = math.sqrt %add3A_31 : vector<2000x1xf32>
    %div3A_32 = vector.broadcast %sqrt3A : vector<2000x1xf32> to vector<2000x512xf32>
    %div3A_33 = arith.divf %sub3A_28, %div3A_32 : vector<2000x512xf32>
    %get3A_34 = arith.constant 0 : index
    %get3A_35 = arith.constant 0 : index
    %get3A_36 = vector.load %arg5[%get3A_34, %get3A_35] : memref<1x512xf32, #tpu.memory_space<vmem>>, vector<1x512xf32>
    %mul3A = vector.broadcast %get3A_36 : vector<1x512xf32> to vector<2000x512xf32>
    %mul3A_37 = arith.mulf %div3A_33, %mul3A : vector<2000x512xf32>
    %get3A_38 = arith.constant 0 : index
    %get3A_39 = arith.constant 0 : index
    %get3A_40 = vector.load %arg6[%get3A_38, %get3A_39] : memref<1x512xf32, #tpu.memory_space<vmem>>, vector<1x512xf32>
    %add3A_41 = vector.broadcast %get3A_40 : vector<1x512xf32> to vector<2000x512xf32>
    %add3A_42 = arith.addf %mul3A_37, %add3A_41 : vector<2000x512xf32>
    %swap3A = arith.constant 0 : index
    %swap3A_43 = arith.constant 0 : index
    %swap3A_44 = vector.load %arg7[%swap3A, %swap3A_43] : memref<2000x512xf32, #tpu.memory_space<vmem>>, vector<2000x512xf32>
    tpu.vector_store %arg7[%swap3A, %swap3A_43], %add3A_42 {strides = array<i32>} : memref<2000x512xf32, #tpu.memory_space<vmem>>, vector<2000x512xf32>,
    return
  }
  func.func @transform_0(%arg0: i32) -> (i32, i32) {
    %c0_i32 = arith.constant 0 : i32
    %c0_i32_0 = arith.constant 0 : i32
    return %arg0, %c0_i32 : i32, i32
  }
  func.func @transform_1(%arg0: i32) -> (i32, i32) {
    %c0_i32 = arith.constant 0 : i32
    %c0_i32_0 = arith.constant 0 : i32
    %c0_i32_1 = arith.constant 0 : i32
    return %c0_i32, %c0_i32_0 : i32, i32
  }
  func.func @transform_2(%arg0: i32) -> (i32, i32) {
    %c0_i32 = arith.constant 0 : i32
    %c0_i32_0 = arith.constant 0 : i32
    %c0_i32_1 = arith.constant 0 : i32
    return %c0_i32, %c0_i32_0 : i32, i32
  }
  func.func @transform_3(%arg0: i32) -> (i32, i32) {
    %c0_i32 = arith.constant 0 : i32
    %c0_i32_0 = arith.constant 0 : i32
    %c0_i32_1 = arith.constant 0 : i32
    return %c0_i32, %c0_i32_0 : i32, i32
  }
  func.func @transform_4(%arg0: i32) -> (i32, i32) {
    %c0_i32 = arith.constant 0 : i32
    %c0_i32_0 = arith.constant 0 : i32
    %c0_i32_1 = arith.constant 0 : i32
    return %c0_i32, %c0_i32_0 : i32, i32
  }
  func.func @transform_5(%arg0: i32) -> (i32, i32) {
    %c0_i32 = arith.constant 0 : i32
    %c0_i32_0 = arith.constant 0 : i32
    %c0_i32_1 = arith.constant 0 : i32
    return %c0_i32, %c0_i32_0 : i32, i32
  }
  func.func @transform_6(%arg0: i32) -> (i32, i32) {
    %c0_i32 = arith.constant 0 : i32
    %c0_i32_0 = arith.constant 0 : i32
    return %arg0, %c0_i32 : i32, i32
  }
}

module attributes {stable_mosaic.version = 14 : i64} {
  func.func @_val_rec_body(%arg0: i32, %arg1: memref<2000x128xf32, #tpu.memory_space<vmem>>, %arg2: memref<2x2000x128xf32, #tpu.memory_space<vmem>>, %arg3: memref<128x128xf32, #tpu.memory_space<vmem>>, %arg4: memref<1x128xf32, #tpu.memory_space<vmem>>, %arg5: memref<128x128xf32, #tpu.memory_space<vmem>>, %arg6: memref<1x128xf32, #tpu.memory_space<vmem>>, %arg7: memref<1x128xf32, #tpu.memory_space<vmem>>, %arg8: memref<2000x128xf32, #tpu.memory_space<vmem>>) attributes {dimension_semantics = [#tpu.dimension_semantics<arbitrary>], iteration_bounds = array<i64: 5>, scalar_prefetch = 0 : i64, scratch_operands = 0 : i64, tpu.core_type = #tpu.core_type<tc>, window_params = [{transform_indices = @transform_0, window_bounds = array<i64: 2000, 128>}, {transform_indices = @transform_1, window_bounds = array<i64: 2, 2000, 128>}, {pipeline_mode = #tpu.pipeline_mode<synchronous>, transform_indices = @transform_2, window_bounds = array<i64: 128, 128>}, {pipeline_mode = #tpu.pipeline_mode<synchronous>, transform_indices = @transform_3, window_bounds = array<i64: 1, 128>}, {pipeline_mode = #tpu.pipeline_mode<synchronous>, transform_indices = @transform_4, window_bounds = array<i64: 128, 128>}, {pipeline_mode = #tpu.pipeline_mode<synchronous>, transform_indices = @transform_5, window_bounds = array<i64: 1, 128>}, {pipeline_mode = #tpu.pipeline_mode<synchronous>, transform_indices = @transform_6, window_bounds = array<i64: 1, 128>}, {transform_indices = @transform_7, window_bounds = array<i64: 2000, 128>}]} {
    %get3A = arith.constant 0 : index
    %get3A_0 = arith.constant 0 : index
    %get3A_1 = vector.load %arg1[%get3A, %get3A_0] : memref<2000x128xf32, #tpu.memory_space<vmem>>, vector<2000x128xf32>
    %get3A_2 = arith.constant 0 : index
    %get3A_3 = arith.constant 0 : index
    %get3A_4 = arith.constant 0 : index
    %get3A_5 = vector.load %arg2[%get3A_2, %get3A_3, %get3A_4] : memref<2x2000x128xf32, #tpu.memory_space<vmem>>, vector<1x2000x128xf32>
    %get3A_6 = vector.shape_cast %get3A_5 : vector<1x2000x128xf32> to vector<2000x128xf32>
    %add3A = arith.addf %get3A_1, %get3A_6 : vector<2000x128xf32>
    %get3A_7 = arith.constant 1 : index
    %get3A_8 = arith.constant 0 : index
    %get3A_9 = arith.constant 0 : index
    %get3A_10 = vector.load %arg2[%get3A_7, %get3A_8, %get3A_9] : memref<2x2000x128xf32, #tpu.memory_space<vmem>>, vector<1x2000x128xf32>
    %get3A_11 = vector.shape_cast %get3A_10 : vector<1x2000x128xf32> to vector<2000x128xf32>
    %add3A_12 = arith.addf %add3A, %get3A_11 : vector<2000x128xf32>
    %get3A_13 = arith.constant 0 : index
    %get3A_14 = arith.constant 0 : index
    %get3A_15 = vector.load %arg3[%get3A_13, %get3A_14] : memref<128x128xf32, #tpu.memory_space<vmem>>, vector<128x128xf32>
    %dot_general3A = arith.constant dense<0.000000e+00> : vector<2000x128xf32>
    %dot_general3A_16 = tpu.matmul %add3A_12, %get3A_15, %dot_general3A {dimension_numbers = #tpu.dot_dimension_numbers<[1], [1], [0], [0], [0, 0, 1, 0], [], []>, transpose_lhs_hint = false} : vector<2000x128xf32>, vector<128x128xf32>, vector<2000x128xf32> -> vector<2000x128xf32>
    %get3A_17 = arith.constant 0 : index
    %get3A_18 = arith.constant 0 : index
    %get3A_19 = vector.load %arg4[%get3A_17, %get3A_18] : memref<1x128xf32, #tpu.memory_space<vmem>>, vector<1x128xf32>
    %add3A_20 = vector.broadcast %get3A_19 : vector<1x128xf32> to vector<2000x128xf32>
    %add3A_21 = arith.addf %dot_general3A_16, %add3A_20 : vector<2000x128xf32>
    %max3A = arith.constant 0.000000e+00 : f32
    %max3A_22 = vector.broadcast %max3A : f32 to vector<2000x128xf32>
    %max3A_23 = arith.maximumf %add3A_21, %max3A_22 : vector<2000x128xf32>
    %get3A_24 = arith.constant 0 : index
    %get3A_25 = arith.constant 0 : index
    %get3A_26 = vector.load %arg5[%get3A_24, %get3A_25] : memref<128x128xf32, #tpu.memory_space<vmem>>, vector<128x128xf32>
    %dot_general3A_27 = arith.constant dense<0.000000e+00> : vector<2000x128xf32>
    %dot_general3A_28 = tpu.matmul %max3A_23, %get3A_26, %dot_general3A_27 {dimension_numbers = #tpu.dot_dimension_numbers<[1], [1], [0], [0], [0, 0, 1, 0], [], []>, transpose_lhs_hint = false} : vector<2000x128xf32>, vector<128x128xf32>, vector<2000x128xf32> -> vector<2000x128xf32>
    %reduce_sum3A = arith.constant dense<0.000000e+00> : vector<2000xf32>
    %reduce_sum3A_29 = vector.multi_reduction <add>, %dot_general3A_28, %reduce_sum3A [1] : vector<2000x128xf32> to vector<2000xf32>
    %broadcast_in_dim3A = vector.shape_cast %reduce_sum3A_29 : vector<2000xf32> to vector<2000x1xf32>
    %div3A = arith.constant 1.280000e+02 : f32
    %div3A_30 = vector.broadcast %div3A : f32 to vector<2000x1xf32>
    %div3A_31 = arith.divf %broadcast_in_dim3A, %div3A_30 : vector<2000x1xf32>
    %sub3A = vector.broadcast %div3A_31 : vector<2000x1xf32> to vector<2000x128xf32>
    %sub3A_32 = arith.subf %dot_general3A_28, %sub3A : vector<2000x128xf32>
    %integer_pow3A = arith.mulf %sub3A_32, %sub3A_32 : vector<2000x128xf32>
    %reduce_sum3A_33 = arith.constant dense<0.000000e+00> : vector<2000xf32>
    %reduce_sum3A_34 = vector.multi_reduction <add>, %integer_pow3A, %reduce_sum3A_33 [1] : vector<2000x128xf32> to vector<2000xf32>
    %broadcast_in_dim3A_35 = vector.shape_cast %reduce_sum3A_34 : vector<2000xf32> to vector<2000x1xf32>
    %div3A_36 = arith.constant 1.280000e+02 : f32
    %div3A_37 = vector.broadcast %div3A_36 : f32 to vector<2000x1xf32>
    %div3A_38 = arith.divf %broadcast_in_dim3A_35, %div3A_37 : vector<2000x1xf32>
    %sub3A_39 = vector.broadcast %div3A_31 : vector<2000x1xf32> to vector<2000x128xf32>
    %sub3A_40 = arith.subf %dot_general3A_28, %sub3A_39 : vector<2000x128xf32>
    %add3A_41 = arith.constant 9.99999974E-6 : f32
    %add3A_42 = vector.broadcast %add3A_41 : f32 to vector<2000x1xf32>
    %add3A_43 = arith.addf %div3A_38, %add3A_42 : vector<2000x1xf32>
    %sqrt3A = math.sqrt %add3A_43 : vector<2000x1xf32>
    %div3A_44 = vector.broadcast %sqrt3A : vector<2000x1xf32> to vector<2000x128xf32>
    %div3A_45 = arith.divf %sub3A_40, %div3A_44 : vector<2000x128xf32>
    %get3A_46 = arith.constant 0 : index
    %get3A_47 = arith.constant 0 : index
    %get3A_48 = vector.load %arg6[%get3A_46, %get3A_47] : memref<1x128xf32, #tpu.memory_space<vmem>>, vector<1x128xf32>
    %mul3A = vector.broadcast %get3A_48 : vector<1x128xf32> to vector<2000x128xf32>
    %mul3A_49 = arith.mulf %div3A_45, %mul3A : vector<2000x128xf32>
    %get3A_50 = arith.constant 0 : index
    %get3A_51 = arith.constant 0 : index
    %get3A_52 = vector.load %arg7[%get3A_50, %get3A_51] : memref<1x128xf32, #tpu.memory_space<vmem>>, vector<1x128xf32>
    %add3A_53 = vector.broadcast %get3A_52 : vector<1x128xf32> to vector<2000x128xf32>
    %add3A_54 = arith.addf %mul3A_49, %add3A_53 : vector<2000x128xf32>
    %add3A_55 = arith.addf %add3A_54, %get3A_1 : vector<2000x128xf32>
    %swap3A = arith.constant 0 : index
    %swap3A_56 = arith.constant 0 : index
    %swap3A_57 = vector.load %arg8[%swap3A, %swap3A_56] : memref<2000x128xf32, #tpu.memory_space<vmem>>, vector<2000x128xf32>
    tpu.vector_store %arg8[%swap3A, %swap3A_56], %add3A_55 {strides = array<i32>} : memref<2000x128xf32, #tpu.memory_space<vmem>>, vector<2000x128xf32>,
    return
  }
  func.func @transform_0(%arg0: i32) -> (i32, i32) {
    %c0_i32 = arith.constant 0 : i32
    %c0_i32_0 = arith.constant 0 : i32
    return %arg0, %c0_i32 : i32, i32
  }
  func.func @transform_1(%arg0: i32) -> (i32, i32, i32) {
    %c0_i32 = arith.constant 0 : i32
    %c0_i32_0 = arith.constant 0 : i32
    %c0_i32_1 = arith.constant 0 : i32
    return %c0_i32, %arg0, %c0_i32_0 : i32, i32, i32
  }
  func.func @transform_2(%arg0: i32) -> (i32, i32) {
    %c0_i32 = arith.constant 0 : i32
    %c0_i32_0 = arith.constant 0 : i32
    %c0_i32_1 = arith.constant 0 : i32
    return %c0_i32, %c0_i32_0 : i32, i32
  }
  func.func @transform_3(%arg0: i32) -> (i32, i32) {
    %c0_i32 = arith.constant 0 : i32
    %c0_i32_0 = arith.constant 0 : i32
    %c0_i32_1 = arith.constant 0 : i32
    return %c0_i32, %c0_i32_0 : i32, i32
  }
  func.func @transform_4(%arg0: i32) -> (i32, i32) {
    %c0_i32 = arith.constant 0 : i32
    %c0_i32_0 = arith.constant 0 : i32
    %c0_i32_1 = arith.constant 0 : i32
    return %c0_i32, %c0_i32_0 : i32, i32
  }
  func.func @transform_5(%arg0: i32) -> (i32, i32) {
    %c0_i32 = arith.constant 0 : i32
    %c0_i32_0 = arith.constant 0 : i32
    %c0_i32_1 = arith.constant 0 : i32
    return %c0_i32, %c0_i32_0 : i32, i32
  }
  func.func @transform_6(%arg0: i32) -> (i32, i32) {
    %c0_i32 = arith.constant 0 : i32
    %c0_i32_0 = arith.constant 0 : i32
    %c0_i32_1 = arith.constant 0 : i32
    return %c0_i32, %c0_i32_0 : i32, i32
  }
  func.func @transform_7(%arg0: i32) -> (i32, i32) {
    %c0_i32 = arith.constant 0 : i32
    %c0_i32_0 = arith.constant 0 : i32
    return %arg0, %c0_i32 : i32, i32
  }
}

</mosaic_0001>

<sc_bundles>
// kernel: kernel.5.cloned.1.call-start
scs
__scs_entry_jumppad:
0x0: {  	(pc) =	sbr.rel $0x88, $3  }
0x1: {  	(tag) =	ssettag $0x0;
	lr =	simm.s32 $0x1  }
0x2: {  	[smem:$0x3F92] =	sst lr;
	_ =	strace $0xD0000000  }
0x3: {  	_ = 	snop  }
0x4: {  	_ = 	snop  }
0x5: {  	_ = 	snop  }
0x6: {  	_ = 	snop  }
0x7: {  	_ = 	snop  }
__scs_overlays_trampoline_lowered:
0x8: {  	[smem:$0x3FA1] =	sst s0  }
0x9: {  	[smem:$0x3FA2] =	sst s1  }
0xa: {  	[smem:$0x3FA3] =	sst s2  }
0xb: {  	[smem:$0x3FA4] =	sst s3  }
0xc: {  	[smem:$0x3FA5] =	sst s4  }
0xd: {  	[smem:$0x3FA6] =	sst s5  }
0xe: {  	[smem:$0x3FA7] =	sst s6  }
0xf: {  	[smem:$0x3FA8] =	sst s7  }
0x10: {  	[smem:$0x3FA9] =	sst s8  }
0x11: {  	[smem:$0x3FAA] =	sst s9;
	s0 =	simm.s32 @!p0 $0x0  }
0x12: {  	s1 =	sld [smem:$0x3F90];
	s0 =	simm.s32 @p0 $0x1  }
0x13: {  	[smem:$0x3FAB] =	sst s0;
	s0 =	simm.s32 @!p1 $0x0  }
0x14: {  	s2 =	sld [smem:$0x3F8F];
	s0 =	simm.s32 @p1 $0x1  }
0x15: {  	[smem:$0x3FAC] =	sst s0;
	s0 =	simm.s32 @!p2 $0x0  }
0x16: {  	s3 =	sld [smem:$0x3FDB];
	s0 =	simm.s32 @p2 $0x1  }
0x17: {  	s4 =	simm.s32 $0x1BF5;
	[smem:$0x3FAE] =	sst s0  }
0x18: {  	s0 =	sld [smem:$0x3F91];
	_ =	swait.ge [sflag:s4], $0x0  }
0x19: {  	s7 =	sld [smem:$0x3F92]  }
0x1a: {  	s8 =	sadd.s32 $0xFFFFE003, lr  }
0x1b: {  	s9 =	sadd.s32 $0xFFFFFEF7, lr;
	s5 =	simm.s32 $0xFFFFFFFF;
	p2 =	slt.u32 s8, $0xFFFFF086  }
0x1c: {  	p1 =	slt.u32 s9, $0xF7A;
	s5 =	simm.s32 @!p2 $0x0  }
0x1d: {  	s5 =	simm.s32 @p1 $0x1;
	p0 =	seq.s32 s7, s2  }
0x1e: {  	s7 =	smul.u32 @!p0 $0xF7A, s2;
	p2 =	seq.s32 @!p0 s5, $0x0  }
0x1f: {  	s9 =	smul.u32 $0xF7A, s1;
	s8 =	simm.s32 @!p0 $0x1BF5;
	p2 =	por !p2, p0  }
0x20: {  	[sflag:s8] =	ssyncset.s32 @!p0 $0xFFFFF086;
	s6 =	sadd.s32 @!p0 s3, s7;
	s7 =	simm.s32 @!p0 $0x108  }
0x21: {  	s3 =	sadd.s32 s3, s9;
	s6 =	sadd.s32 @!p0 $0x88, s6;
	s7 =	simm.s32 @p2 $0x1082  }
0x22: {  	[simem:s7], [sflag:s8] =	dma.local @!p0 [hbm:s6], $0xF7A  }
0x23: {  	s9 =	sor.u32 $0xD0000000, s2;
	s6 =	simm.s32 $0x108;
	_ =	swait.ge @!p0 [sflag:s8], $0x0  }
0x24: {  	s3 =	sadd.s32 $0x88, s3;
	s6 =	simm.s32 @!p1 $0x1082;
	[sflag:s4] =	ssyncset.s32 $0xFFFFF086  }
0x25: {  	[simem:s6], [sflag:s4] =	dma.local [hbm:s3], $0xF7A  }
0x26: {  	[smem:$0x3F92] =	sst s1;
	(tag) =	ssettag s2;
	_ =	strace s9  }
0x27: {  	s1 =	sld [smem:$0x3FA2]  }
0x28: {  	s2 =	sld [smem:$0x3FA3]  }
0x29: {  	s4 =	sld [smem:$0x3FA5]  }
0x2a: {  	p0 =	seq.s32 s5, $0x0;
	s5 =	sld [smem:$0x3FA6]  }
0x2b: {  	s6 =	sld [smem:$0x3FA7]  }
0x2c: {  	s7 =	sld [smem:$0x3FA8]  }
0x2d: {  	s3 =	simm.s32 $0x108;
	s8 =	sld [smem:$0x3FA9]  }
0x2e: {  	s3 =	simm.s32 @!p0 $0x1082;
	s9 =	sld [smem:$0x3FAA]  }
0x2f: {  	lr =	sadd.s32 s0, s3;
	s0 =	sld [smem:$0x3FA1]  }
0x30: {  	s3 =	sld [smem:$0x3FA4]  }
0x31: {  	[smem:$0x3FAD] =	sst s10  }
0x32: {  	s10 =	sld [smem:$0x3FAB];
	_ =	sdelay $0x3  }
0x33: {  	p0 =	seq.s32 s10, $0x1;
	s10 =	sld [smem:$0x3FAD];
	_ =	sdelay $0x3  }
0x34: {  	[smem:$0x3FAD] =	sst s10  }
0x35: {  	s10 =	sld [smem:$0x3FAC];
	_ =	sdelay $0x3  }
0x36: {  	p1 =	seq.s32 s10, $0x1;
	s10 =	sld [smem:$0x3FAD];
	_ =	sdelay $0x3  }
0x37: {  	[smem:$0x3FAD] =	sst s10  }
0x38: {  	s10 =	sld [smem:$0x3FAE]  }
0x39: {  	_ = 	snop;
	(pc) =	sbr.ind lr, $3  }
0x3a: {  	_ = 	snop  }
0x3b: {  	_ = 	snop  }
0x3c: {  	p2 =	seq.s32 s10, $0x1;
	s10 =	sld [smem:$0x3FAD]  }
0x3d: {  	_ =	shalt  }
0x3e: {  	_ =	shalt  }
0x3f: {  	_ =	shalt  }
0x40: {  	_ =	shalt  }
0x41: {  	_ =	shalt  }
0x42: {  	_ =	shalt  }
0x43: {  	_ =	shalt  }
0x44: {  	_ =	shalt  }
0x45: {  	_ =	shalt  }
0x46: {  	_ =	shalt  }
0x47: {  	_ =	shalt  }
0x48: {  	_ =	shalt  }
0x49: {  	_ =	shalt  }
0x4a: {  	_ =	shalt  }
0x4b: {  	_ =	shalt  }
0x4c: {  	_ =	shalt  }
0x4d: {  	_ =	shalt  }
0x4e: {  	_ =	shalt  }
0x4f: {  	_ =	shalt  }
0x50: {  	_ =	shalt  }
0x51: {  	_ =	shalt  }
0x52: {  	_ =	shalt  }
0x53: {  	_ =	shalt  }
0x54: {  	_ =	shalt  }
0x55: {  	_ =	shalt  }
0x56: {  	_ =	shalt  }
0x57: {  	_ =	shalt  }
0x58: {  	_ =	shalt  }
0x59: {  	_ =	shalt  }
0x5a: {  	_ =	shalt  }
0x5b: {  	_ =	shalt  }
0x5c: {  	_ =	shalt  }
0x5d: {  	_ =	shalt  }
0x5e: {  	_ =	shalt  }
0x5f: {  	_ =	shalt  }
0x60: {  	_ =	shalt  }
0x61: {  	_ =	shalt  }
0x62: {  	_ =	shalt  }
0x63: {  	_ =	shalt  }
0x64: {  	_ =	shalt  }
0x65: {  	_ =	shalt  }
0x66: {  	_ =	shalt  }
0x67: {  	_ =	shalt  }
0x68: {  	_ =	shalt  }
0x69: {  	_ =	shalt  }
0x6a: {  	_ =	shalt  }
0x6b: {  	_ =	shalt  }
0x6c: {  	_ =	shalt  }
0x6d: {  	_ =	shalt  }
0x6e: {  	_ =	shalt  }
0x6f: {  	_ =	shalt  }
0x70: {  	_ =	shalt  }
0x71: {  	_ =	shalt  }
0x72: {  	_ =	shalt  }
0x73: {  	_ =	shalt  }
0x74: {  	_ =	shalt  }
0x75: {  	_ =	shalt  }
0x76: {  	_ =	shalt  }
0x77: {  	_ =	shalt  }
0x78: {  	_ =	shalt  }
0x79: {  	_ =	shalt  }
0x7a: {  	_ =	shalt  }
0x7b: {  	_ =	shalt  }
0x7c: {  	_ =	shalt  }
0x7d: {  	_ =	shalt  }
0x7e: {  	_ =	shalt  }
0x7f: {  	_ =	shalt  }
0x80: {  	_ =	shalt  }
0x81: {  	_ =	shalt  }
0x82: {  	_ =	shalt  }
0x83: {  	_ =	shalt  }
0x84: {  	_ =	shalt  }
0x85: {  	_ =	shalt  }
0x86: {  	_ =	shalt  }
0x87: {  	_ =	shalt  }
.Lfunc_end0:
.L_simem_size_0:
called_computation_lowered:
.L_overlay_start_0:
0x88: {  	s2 =	sld [smem:$0x3FD9]  }
0x89: {  	s3 =	sld [smem:$0x3FFE];
	_ =	sdelay $0x1  }
0x8a: {  	s1 =	srdreg.scid  }
0x8b: {  	s0 =	sand.u32 $0x1, s1  }
0x8c: {  	s17 =	sshll.u32 s0, $0xA;
	s2 =	sadd.s32 s3, s2  }
0x8d: {  	s2 =	sadd.s32 s2, s17  }
0x8e: {  	[smem:$0x3FB9] =	sst s2  }
0x8f: {  	_ = 	snop  }
0x90: {  	s2 =	sld [smem:$0x3FC6]  }
0x91: {  	s18 =	sld [smem:$0x3FC5]  }
0x92: {  	s4 =	sld [smem:$0x3FD0];
	(tm) =	ssettm $0x1  }
0x93: {  	s5 =	sld [smem:$0x3FFB];
	_ =	sdelay $0x3  }
0x94: {  	_ =	strace s5  }
0x95: {  	s5 =	sld [smem:$0x3FFC];
	_ =	sdelay $0x3  }
0x96: {  	_ =	strace s5  }
0x97: {  	s5 =	sld [smem:$0x3FFD];
	_ =	sdelay $0x3  }
0x98: {  	_ =	strace s5  }
0x99: {  	_ =	strace $0x8FFFFFFF  }
0x9a: {  	s19 =	sld [smem:$0x3FDB];
	_ =	sdelay $0x1  }
0x9b: {  	s6 =	simm.s32 $_scs_section_size  }
0x9c: {  	s7 =	simm.s32 $_size__tile_overlayer_lowered;
	s8 =	simm.s32 $_tile_overlayer_lowered  }
0x9d: {  	s22 =	simm.s32 $0x1BFF;
	s21 =	sshll.u32 s8, $0x1;
	s5 =	sadd.s32 s6, s19  }
0x9e: {  	s9 =	simm.s32 $0x0;
	s20 =	sshll.u32 s7, $0x1;
	s7 =	sadd.s32 s21, s5  }
0x9f: {  	[timem:s9], [sflag:s22] =	dma.local [hbm:s7], s20  }
0xa0: {  	_ =	swait.ge [sflag:s22], s20  }
0xa1: {  	s6 =	ssub.s32 $0x0, s20;
	[sflag:s22] =	ssyncset.done $0x0  }
0xa2: {  	[sflag:s22] =	ssyncadd.s32 s6;
	_ =	sdelay $0x1  }
0xa3: {  	s23 =	simm.s32 $0x1B8B  }
0xa4: {  	_ =	swait.ge [sflag:s23], $0x1  }
0xa5: {  	[sflag:s23] =	ssyncset.done $0x0  }
0xa6: {  	s25 =	simm.s32 $0x1B8E;
	s24 =	sld [smem:$0x3FFE];
	[sflag:s23] =	ssyncadd.s32 $0xFFFFFFFF  }
0xa7: {  	s26 =	simm.s32 $execute0_lowered;
	[smem:$0x3FD2] =	sst s25  }
0xa8: {  	s7 =	sshll.u32 s26, $0x1;
	_ =	strace $0x80000046;
	[dreg:$0x1] =	wrdreg $0xFFFFFFFF  }
0xa9: {  	s28 =	simm.s32 $_size_execute0_lowered;
	s5 =	sadd.s32 s5, s7;
	[dreg:$0x0] =	wrdreg $0x0  }
0xaa: {  	s7 =	sshll.u32 s28, $0x1;
	[dreg:$0x2] =	wrdreg s5  }
0xab: {  	[dreg:$0x3] =	wrdreg s7  }
0xac: {  	[dreg:$0x4] =	wrdreg $0xC0  }
0xad: {  	_ =	task [dreg:s9], $0x5FFFF  }
0xae: {  	[dreg:$0x1] =	wrdreg $0xFFFFFFFF  }
0xaf: {  	[dreg:$0x0] =	wrdreg $0x60  }
0xb0: {  	[dreg:$0x2] =	wrdreg s24  }
0xb1: {  	[dreg:$0x3] =	wrdreg s4  }
0xb2: {  	[dreg:$0x4] =	wrdreg s2  }
0xb3: {  	[dreg:$0x5] =	wrdreg s18  }
0xb4: {  	[dreg:$0x6] =	wrdreg $0x58000  }
0xb5: {  	[dreg:$0x7] =	wrdreg $0x9  }
0xb6: {  	_ =	task.clear_ibuf [dreg:s9], $0x8FFFF;
	_ =	strace $0x90000046  }
0xb7: {  	s29 =	simm.s32 $0x9;
	_ =	strace $0x80000048  }
0xb8: {  	_ =	swait.ge [sflag:s29], $0x1  }
0xb9: {  	[sflag:s29] =	ssyncadd.s32 $0xFFFFFFFF  }
0xba: {  	_ =	strace $0x90000048  }
0xbb: {  	_ =	sfence  }
0xbc: {  	s30 =	sld [smem:$0x0];
	_ =	sdelay $0x2  }
0xbd: {  	s31 =	sshll.u32 s1, $0xD;
	s1 =	sshrl.u32 s1, $0x2  }
0xbe: {  	s3 =	sand.u32 $0x4000, s31;
	s1 =	sadd.s32 s1, s30  }
0xbf: {  	s0 =	sor.u32 s3, s0;
	s1 =	sshll.u32 s1, $0x11  }
0xc0: {  	s0 =	sor.u32 s1, s0  }
0xc1: {  	s0 =	sadd.s32 $0x8F2B, s0  }
0xc2: {  	[sflag:s0] =	ssyncadd.remote.s32 $0x1  }
0xc3: {  	_ =	sfence.sel $0xFFFF  }
0xc4: {  	[dreg:$0x0] =	wrdreg $0xFFFFFFFF;
	(pc) =	sbr.abs _section_cstart, $3  }
0xc5: {  	[dreg:$0x1] =	wrdreg $0xFFFFFFFF  }
0xc6: {  	_ =	task.clear_ibuf [dreg:s9], $0x2FFFF;
	_ =	strace $0x9FFFFFFF  }
0xc7: {  	(tm) =	ssettm $0x7FFFFFFF  }
tec
execute0_lowered:
.L_overlay_start_1:
0x0: {  	(tag) =	ssettag $0x1  }
0x1: {  	s0 =	rddreg [dreg:$0x0];
	s3 =	srdreg.scid  }
0x2: {  	s1 =	rddreg [dreg:$0x1];
	s12 =	stileid.u32;
	s7 =	sand.u32 $0x1, s3  }
0x3: {  	s5 =	rddreg [dreg:$0x2];
	s8 =	smul.u32 $0x14000, s12;
	s9 =	sshll.u32 s7, $0x4  }
0x4: {  	s6 =	rddreg [dreg:$0x3];
	s4 =	smul.u32 $0x140000, s7;
	s9 =	sor.u32 s12, s9  }
0x5: {  	s2 =	rddreg [dreg:$0x4];
	s3 =	simm.s32 $0x0;
	s9 =	smul.u32 $0x2710, s9  }
0x6: {  	s28 =	simm.s32 $0x50;
	s29 =	simm.s32 $0x4;
	[smem:$0x7FF] =	sst s3  }
0x7: {  	_ =	strace $0x80000047;
	s8 =	sadd.s32 s8, s4;
	s9 =	sshrl.u32 s9, $0x3  }
0x8: {  	s4 =	sadd.s32 $0x9EA00, s0;
	s8 =	sshrl.u32 s8, $0x3;
	s16 =	sadd.s32 s5, s9  }
0x9: {  	s0 =	sadd.s32 s8, s0;
	s17 =	sadd.s32 s6, s9;
	[dreg:$0x7] =	wrdreg s16  }
0xa: {  	s30 =	simm.s32 $0x3000;
	s0 =	sadd.s32 $0x2600, s0;
	[dreg:$0x8] =	wrdreg s17  }
0xb: {  	s10 =	ssub.s32 $0x2, s7;
	s13 =	sadd.s32 s1, s9;
	[dreg:$0x19] =	wrdreg s0  }
0xc: {  	s19 =	sadd.s32 $0xA, s9;
	s18 =	sadd.s32 $0x9C40, s13;
	[dreg:$0x6] =	wrdreg s13  }
0xd: {  	s15 =	sshrl.u32 s10, $0x1;
	s11 =	sadd.s32 s1, s19;
	[dreg:$0x9] =	wrdreg s18  }
0xe: {  	s8 =	ssub.s32 s10, s15;
	s20 =	sadd.s32 s5, s19;
	[dreg:$0xa] =	wrdreg s11  }
0xf: {  	s21 =	sadd.s32 $0x14, s9;
	s10 =	sadd.s32 s6, s19;
	[dreg:$0xb] =	wrdreg s20  }
0x10: {  	s31 =	simm.s32 $0x1;
	s14 =	sadd.s32 s1, s21;
	[dreg:$0xc] =	wrdreg s10  }
0x11: {  	s9 =	sadd.s32 $0x1E, s9;
	s23 =	sadd.s32 s5, s21;
	[dreg:$0xd] =	wrdreg s14  }
0x12: {  	s22 =	smul.u32 $0x2710, s12;
	s24 =	sadd.s32 s1, s9;
	[dreg:$0xe] =	wrdreg s23  }
0x13: {  	s7 =	smul.u32 $0x27100, s7;
	s25 =	sadd.s32 s5, s9;
	[dreg:$0x10] =	wrdreg s24  }
0x14: {  	s26 =	smul.u32 $0x50000, s12;
	s9 =	sadd.s32 s6, s9;
	[dreg:$0x11] =	wrdreg s25  }
0x15: {  	s7 =	sadd.s32 s22, s7;
	s15 =	sadd.s32 $0x9C4A, s13;
	[dreg:$0x12] =	wrdreg s9  }
0x16: {  	s16 =	smax.u32 s8, $0x1;
	s17 =	sadd.s32 $0x9C54, s13;
	[dreg:$0x17] =	wrdreg s15  }
0x17: {  	s0 =	simm.s32 $0x5;
	s10 =	sadd.s32 s6, s21;
	[dreg:$0x1a] =	wrdreg s16  }
0x18: {  	s11 =	sadd.s32 $0x140, s7;
	s7 =	sadd.s32 $0x4E340, s7;
	[dreg:$0x1b] =	wrdreg s17  }
0x19: {  	s18 =	sadd.s32 $0x9C5E, s13;
	[dreg:$0xf] =	wrdreg s10;
	s11 =	sshrl.u32 s11, $0x3  }
0x1a: {  	s15 =	simm.s32 $0x400;
	[dreg:$0x1c] =	wrdreg s18;
	s6 =	sadd.s32 s11, s6  }
0x1b: {  	s16 =	simm.s32 $0x480;
	s5 =	sadd.s32 s11, s5;
	[dreg:$0x13] =	wrdreg s6  }
0x1c: {  	s12 =	sshrl.u32 s7, $0x3;
	s14 =	sadd.s32 s11, s1;
	[dreg:$0x14] =	wrdreg s5  }
0x1d: {  	s10 =	sshrl.u32 s26, $0x2;
	s1 =	sadd.s32 s12, s1;
	[dreg:$0x15] =	wrdreg s14  }
0x1e: {  	s17 =	simm.s32 $0x500;
	s23 =	sadd.s32 s10, s2;
	[dreg:$0x16] =	wrdreg s1  }
0x1f: {  	s18 =	simm.s32 $0x600;
	s19 =	sadd.s32 $0x2800, s23;
	[dreg:$0x18] =	wrdreg s23  }
0x20: {  	s7 =	simm.s32 $0x0;
	s20 =	sadd.s32 $0x5000, s23;
	[dreg:$0x1d] =	wrdreg s19  }
0x21: {  	s10 =	simm.s32 $0x180;
	s21 =	sadd.s32 $0x7800, s23;
	[dreg:$0x1e] =	wrdreg s20  }
0x22: {  	s11 =	simm.s32 $0x200;
	s22 =	sadd.s32 $0xA000, s23;
	[dreg:$0x1f] =	wrdreg s21  }
0x23: {  	s24 =	sadd.s32 $0xC800, s23;
	s25 =	sadd.s32 $0xF000, s23;
	[smem:$0x7FA] =	sst s22  }
.Ltmp0:
0x24: {  	s26 =	sadd.s32 $0x11800, s23;
	[smem:$0x7FB] =	sst s24;
	(pc) =	sbr.rel .LBB2_1-.Ltmp0, $4  }
0x25: {  	s14 =	simm.s32 $0x380;
	s1 =	simm.s32 $0x2;
	[smem:$0x7FC] =	sst s25  }
0x26: {  	s6 =	simm.s32 $0x6;
	[smem:$0x7FD] =	sst s26;
	s22 =	simm.s32 $0x580  }
0x27: {  	s24 =	simm.s32 $0x680;
	s19 =	simm.s32 $0x700;
	s25 =	simm.s32 $0x780  }
0x28: {  	v0 =	vimm.f32 $0.0e+00;
	s20 =	simm.s32 $0x800;
	s26 =	simm.s32 $0x7;
	s21 =	simm.s32 $0x3  }
.LBB2_24:
0x29: {  	s5 =	stileid.u32;
	[bflag:$0x0] =	sbarrier.arrive $0xFFFF  }
0x2a: {  	s5 =	sshll.u32 s5, $0x6;
	s23 =	rddreg [dreg:$0x18]  }
0x2b: {  	s9 =	rddreg [dreg:$0x19];
	s5 =	sor.u32 $0x1C07, s5;
	s8 =	sshrl.u32 s23, $0x3  }
0x2c: {  	[hbm:s9], [sflag:s5] =	dma.local [spmem:s8], $0x2800  }
0x2d: {  	_ =	swait.ge [sflag:s26], $0x2800  }
0x2e: {  	s7 =	sadd.s32 $0x1, s7;
	s13 =	rddreg [dreg:$0x1a]  }
0x2f: {  	p0 =	sne.s32 s7, s13  }
.Ltmp1:
0x30: {  	_ = 	snop;
	(pc) =	sbr.rel @!p0 .LBB2_25-.Ltmp1, $3  }
0x31: {  	_ =	sdelay $0x1  }
0x32: {  	[sflag:s26] =	ssyncset.done $0x0  }
0x33: {  	[sflag:s26] =	ssyncadd.s32 $0xFFFFD800  }
.LBB2_1:
0x34: {  	s5 =	rddreg [dreg:$0x6]  }
0x35: {  	[tilespmem:s3], [sflag:$0x3] =	stream.linear.gather [hbm4b:s5+s3], $0x50, $0x38;
	[tilespmem:$0x19800] =	vst v63  }
0x36: {  	s13 =	rddreg [dreg:$0x7];
	s8 =	simm.s32 $0x80  }
0x37: {  	[tilespmem:s8], [sflag:$0x3] =	stream.linear.gather [hbm4b:s13+s3], $0x50, $0x38;
	[tilespmem:$0x19800] =	vst v63  }
0x38: {  	s9 =	simm.s32 $0x100;
	s8 =	rddreg [dreg:$0x8]  }
0x39: {  	[tilespmem:s9], [sflag:$0x3] =	stream.linear.gather [hbm4b:s8+s3], $0x50, $0x38;
	[tilespmem:$0x19800] =	vst v63  }
0x3a: {  	s12 =	rddreg [dreg:$0x9]  }
0x3b: {  	[tilespmem:s10], [sflag:$0x3] =	stream.linear.gather [hbm4b:s12+s3], $0x50, $0x38;
	[tilespmem:$0x19800] =	vst v63  }
0x3c: {  	s13 =	rddreg [dreg:$0xa]  }
0x3d: {  	[tilespmem:s11], [sflag:$0x4] =	stream.linear.gather [hbm4b:s13+s3], $0x50, $0x38;
	[tilespmem:$0x19800] =	vst v63  }
0x3e: {  	s8 =	rddreg [dreg:$0xb];
	s9 =	simm.s32 $0x280  }
0x3f: {  	[tilespmem:s9], [sflag:$0x4] =	stream.linear.gather [hbm4b:s8+s3], $0x50, $0x38;
	[tilespmem:$0x19800] =	vst v63  }
0x40: {  	s12 =	rddreg [dreg:$0xc];
	s13 =	simm.s32 $0x300  }
0x41: {  	[tilespmem:s13], [sflag:$0x4] =	stream.linear.gather [hbm4b:s12+s3], $0x50, $0x38;
	[tilespmem:$0x19800] =	vst v63  }
0x42: {  	s9 =	rddreg [dreg:$0x17]  }
0x43: {  	[tilespmem:s14], [sflag:$0x4] =	stream.linear.gather [hbm4b:s9+s3], $0x50, $0x38;
	[tilespmem:$0x19800] =	vst v63  }
0x44: {  	s12 =	rddreg [dreg:$0xd]  }
0x45: {  	[tilespmem:s15], [sflag:$0x5] =	stream.linear.gather [hbm4b:s12+s3], $0x50, $0x38;
	[tilespmem:$0x19800] =	vst v63  }
0x46: {  	s13 =	rddreg [dreg:$0xe]  }
0x47: {  	[tilespmem:s16], [sflag:$0x5] =	stream.linear.gather [hbm4b:s13+s3], $0x50, $0x38;
	[tilespmem:$0x19800] =	vst v63  }
0x48: {  	s8 =	rddreg [dreg:$0xf]  }
0x49: {  	[tilespmem:s17], [sflag:$0x5] =	stream.linear.gather [hbm4b:s8+s3], $0x50, $0x38;
	[tilespmem:$0x19800] =	vst v63  }
0x4a: {  	s9 =	rddreg [dreg:$0x1b]  }
0x4b: {  	[tilespmem:s22], [sflag:$0x5] =	stream.linear.gather [hbm4b:s9+s3], $0x50, $0x38;
	[tilespmem:$0x19800] =	vst v63  }
0x4c: {  	s12 =	rddreg [dreg:$0x10]  }
0x4d: {  	[tilespmem:s18], [sflag:$0x6] =	stream.linear.gather [hbm4b:s12+s3], $0x50, $0x38;
	[tilespmem:$0x19800] =	vst v63  }
0x4e: {  	s13 =	rddreg [dreg:$0x11]  }
0x4f: {  	[tilespmem:s24], [sflag:$0x6] =	stream.linear.gather [hbm4b:s13+s3], $0x50, $0x38;
	[tilespmem:$0x19800] =	vst v63  }
0x50: {  	s8 =	rddreg [dreg:$0x12]  }
0x51: {  	[tilespmem:s19], [sflag:$0x6] =	stream.linear.gather [hbm4b:s8+s3], $0x50, $0x38;
	[tilespmem:$0x19800] =	vst v63  }
0x52: {  	s9 =	rddreg [dreg:$0x1c];
	s12 =	sand.u32 $0xFE00, s3  }
0x53: {  	[tilespmem:s25], [sflag:$0x6] =	stream.linear.gather [hbm4b:s9+s3], $0x50, $0x38;
	[tilespmem:$0x19800] =	vst v63  }
0x54: {  	s13 =	sand.u32 $0x70, s3;
	s9 =	sshrl.u32 s12, $0x2  }
0x55: {  	s5 =	simm.s32 $0x40;
	s8 =	simm.s32 $0x0;
	s9 =	sor.u32 s13, s9  }
.LBB2_2:
0x56: {  	p0 =	sne.s32 s5, $0x9FC0  }
0x57: {  	[tilespmem:s9+$0x800] =	vst v0;
	s8 =	sadd.s32 $0x10, s8;
	s9 =	smov.u32 s5;
	s5 =	sadd.s32 $0x40, s5  }
.Ltmp2:
0x58: {  	(pc) =	sbr.rel @p0 .LBB2_2-.Ltmp2, $4  }
0x59: {  	_ = 	snop  }
0x5a: {  	s9 =	sand.u32 $0xFE00, s9  }
0x5b: {  	s12 =	sand.u32 $0x70, s8;
	s9 =	sshrl.u32 s9, $0x2  }
0x5c: {  	s9 =	sor.u32 s12, s9  }
0x5d: {  	[tilespmem:s9+$0x800] =	vst v0  }
0x5e: {  	[spmem:s23] =	stream.linear.scatter [tilespmem:s20], [sflag:$0x7], $0x2800, $0x38;
	[tilespmem:$0x19800] =	vst v63  }
0x5f: {  	_ =	swait.ge [sflag:s26], $0x2800  }
0x60: {  	[sflag:s26] =	ssyncset.done $0x0  }
0x61: {  	s5 =	rddreg [dreg:$0x1d];
	[sflag:s26] =	ssyncadd.s32 $0xFFFFD800  }
0x62: {  	[spmem:s5] =	stream.linear.scatter [tilespmem:s20], [sflag:$0x7], $0x2800, $0x38;
	[tilespmem:$0x19800] =	vst v63  }
0x63: {  	_ =	swait.ge [sflag:s26], $0x2800  }
0x64: {  	[sflag:s26] =	ssyncset.done $0x0  }
0x65: {  	s23 =	rddreg [dreg:$0x1e];
	[sflag:s26] =	ssyncadd.s32 $0xFFFFD800  }
0x66: {  	[spmem:s23] =	stream.linear.scatter [tilespmem:s20], [sflag:$0x7], $0x2800, $0x38;
	[tilespmem:$0x19800] =	vst v63  }
0x67: {  	_ =	swait.ge [sflag:s26], $0x2800  }
0x68: {  	[sflag:s26] =	ssyncset.done $0x0  }
0x69: {  	s8 =	rddreg [dreg:$0x1f];
	[sflag:s26] =	ssyncadd.s32 $0xFFFFD800  }
0x6a: {  	[spmem:s8] =	stream.linear.scatter [tilespmem:s20], [sflag:$0x7], $0x2800, $0x38;
	[tilespmem:$0x19800] =	vst v63  }
0x6b: {  	_ =	swait.ge [sflag:s26], $0x2800  }
0x6c: {  	s9 =	sld [smem:$0x7FA]  }
0x6d: {  	[sflag:s26] =	ssyncset.done $0x0  }
0x6e: {  	[sflag:s26] =	ssyncadd.s32 $0xFFFFD800  }
0x6f: {  	[spmem:s9] =	stream.linear.scatter [tilespmem:s20], [sflag:$0x7], $0x2800, $0x38;
	[tilespmem:$0x19800] =	vst v63  }
0x70: {  	_ =	swait.ge [sflag:s26], $0x2800  }
0x71: {  	s12 =	sld [smem:$0x7FB]  }
0x72: {  	[sflag:s26] =	ssyncset.done $0x0  }
0x73: {  	[sflag:s26] =	ssyncadd.s32 $0xFFFFD800  }
0x74: {  	[spmem:s12] =	stream.linear.scatter [tilespmem:s20], [sflag:$0x7], $0x2800, $0x38;
	[tilespmem:$0x19800] =	vst v63  }
0x75: {  	_ =	swait.ge [sflag:s26], $0x2800  }
0x76: {  	s13 =	sld [smem:$0x7FC]  }
0x77: {  	[sflag:s26] =	ssyncset.done $0x0  }
0x78: {  	[sflag:s26] =	ssyncadd.s32 $0xFFFFD800  }
0x79: {  	[spmem:s13] =	stream.linear.scatter [tilespmem:s20], [sflag:$0x7], $0x2800, $0x38;
	[tilespmem:$0x19800] =	vst v63  }
0x7a: {  	_ =	swait.ge [sflag:s26], $0x2800  }
0x7b: {  	s23 =	sld [smem:$0x7FD]  }
0x7c: {  	[sflag:s26] =	ssyncset.done $0x0  }
0x7d: {  	[sflag:s26] =	ssyncadd.s32 $0xFFFFD800  }
0x7e: {  	[spmem:s23] =	stream.linear.scatter [tilespmem:s20], [sflag:$0x7], $0x2800, $0x38;
	[tilespmem:$0x19800] =	vst v63  }
0x7f: {  	_ =	swait.ge [sflag:s26], $0x2800  }
0x80: {  	[sflag:s26] =	ssyncset.done $0x0  }
0x81: {  	[sflag:s26] =	ssyncadd.s32 $0xFFFFD800  }
0x82: {  	[bflag:$0x0] =	sbarrier.arrive $0xFFFF  }
0x83: {  	_ =	swait.ge [sflag:s21], $0x50  }
0x84: {  	[sflag:s21] =	ssyncset.done $0x0  }
0x85: {  	[sflag:s21] =	ssyncadd.s32 $0xFFFFFFB0  }
0x86: {  	_ =	swait.ge [sflag:s21], $0x50  }
0x87: {  	[sflag:s21] =	ssyncset.done $0x0  }
0x88: {  	[sflag:s21] =	ssyncadd.s32 $0xFFFFFFB0  }
0x89: {  	_ =	swait.ge [sflag:s21], $0x50  }
0x8a: {  	[sflag:s21] =	ssyncset.done $0x0  }
0x8b: {  	[sflag:s21] =	ssyncadd.s32 $0xFFFFFFB0  }
0x8c: {  	_ =	swait.ge [sflag:s21], $0x50  }
0x8d: {  	[sflag:s21] =	ssyncset.done $0x0  }
0x8e: {  	[sflag:s21] =	ssyncadd.s32 $0xFFFFFFB0  }
0x8f: {  	v1 =	vld [tilespmem:$0x0]  }
0x90: {  	v2 =	vld [tilespmem:$0x80]  }
0x91: {  	v3 =	vld [tilespmem:$0x100]  }
0x92: {  	v4 =	vld [tilespmem:$0x10]  }
0x93: {  	v5 =	vld [tilespmem:$0x90]  }
0x94: {  	v6 =	vld [tilespmem:$0x110]  }
0x95: {  	v7 =	vld [tilespmem:$0x20]  }
0x96: {  	v8 =	vld [tilespmem:$0xA0]  }
0x97: {  	v9 =	vld [tilespmem:$0x120]  }
0x98: {  	v11 =	vld [tilespmem:$0xB0]  }
0x99: {  	v10 =	vld [tilespmem:$0x30]  }
0x9a: {  	v12 =	vld [tilespmem:$0x40]  }
0x9b: {  	v13 =	vld [tilespmem:$0xC0];
	v1 =	vshll.u32 v1, $0x2;
	v2 =	vshll.u32 v2, $0x1  }
0x9c: {  	v41 =	vld [tilespmem:$0x130];
	v40 =	vshll.u32 v5, $0x1;
	v42 =	vshll.u32 v7, $0x2;
	v43 =	vshll.u32 v8, $0x1  }
0x9d: {  	v44 =	vld [tilespmem:$0x140];
	v45 =	vshll.u32 v11, $0x1;
	v1 =	vadd.s32 v1, v2;
	v2 =	vshll.u32 v4, $0x2  }
0x9e: {  	v2 =	vadd.s32 v2, v40;
	v1 =	vadd.s32 v3, v1;
	v3 =	vadd.s32 v42, v43  }
0x9f: {  	v2 =	vadd.s32 v6, v2;
	[tilespmem:$0x0] =	vst v1;
	v1 =	vadd.s32 v9, v3;
	v3 =	vshll.u32 v10, $0x2  }
0xa0: {  	v46 =	vshll.u32 v13, $0x1;
	[tilespmem:$0x10] =	vst v2;
	v2 =	vadd.s32 v3, v45;
	v3 =	vshll.u32 v12, $0x2  }
0xa1: {  	[tilespmem:$0x20] =	vst v1;
	v1 =	vadd.s32 v41, v2;
	v2 =	vadd.s32 v3, v46  }
0xa2: {  	[tilespmem:$0x30] =	vst v1;
	v1 =	vadd.s32 v44, v2  }
0xa3: {  	s5 =	simm.s32 $0x0;
	[tilespmem:$0x40] =	vst v1  }
0xa4: {  	[tilespmem:s20], [sflag:$0x1] =	stream.indirect.gather [hbm4b:s4+s28], $0x80, s5, s28, $0xb8;
	[tilespmem:$0x19800] =	vst v63  }
0xa5: {  	_ =	swait.ge [sflag:s29], $0x50  }
0xa6: {  	[sflag:s29] =	ssyncset.done $0x0  }
0xa7: {  	[sflag:s29] =	ssyncadd.s32 $0xFFFFFFB0  }
0xa8: {  	_ =	swait.ge [sflag:s29], $0x50  }
0xa9: {  	[sflag:s29] =	ssyncset.done $0x0  }
0xaa: {  	[sflag:s29] =	ssyncadd.s32 $0xFFFFFFB0  }
0xab: {  	_ =	swait.ge [sflag:s29], $0x50  }
0xac: {  	[sflag:s29] =	ssyncset.done $0x0  }
0xad: {  	[sflag:s29] =	ssyncadd.s32 $0xFFFFFFB0  }
0xae: {  	_ =	swait.ge [sflag:s29], $0x50  }
0xaf: {  	[sflag:s29] =	ssyncset.done $0x0  }
0xb0: {  	[sflag:s29] =	ssyncadd.s32 $0xFFFFFFB0  }
0xb1: {  	v1 =	vld [tilespmem:$0x200]  }
0xb2: {  	v2 =	vld [tilespmem:$0x280]  }
0xb3: {  	v3 =	vld [tilespmem:$0x300]  }
0xb4: {  	v47 =	vld [tilespmem:$0x210]  }
0xb5: {  	v48 =	vld [tilespmem:$0x290]  }
0xb6: {  	v49 =	vld [tilespmem:$0x310]  }
0xb7: {  	v50 =	vld [tilespmem:$0x220]  }
0xb8: {  	v51 =	vld [tilespmem:$0x2A0]  }
0xb9: {  	v52 =	vld [tilespmem:$0x320]  }
0xba: {  	v54 =	vld [tilespmem:$0x2B0]  }
0xbb: {  	v53 =	vld [tilespmem:$0x230]  }
0xbc: {  	v55 =	vld [tilespmem:$0x240]  }
0xbd: {  	v56 =	vld [tilespmem:$0x2C0];
	v1 =	vshll.u32 v1, $0x2;
	v2 =	vshll.u32 v2, $0x1  }
0xbe: {  	v58 =	vld [tilespmem:$0x330];
	v57 =	vshll.u32 v48, $0x1;
	v59 =	vshll.u32 v50, $0x2;
	v60 =	vshll.u32 v51, $0x1  }
0xbf: {  	v61 =	vld [tilespmem:$0x340];
	v62 =	vshll.u32 v54, $0x1;
	v1 =	vadd.s32 v1, v2;
	v2 =	vshll.u32 v47, $0x2  }
0xc0: {  	v2 =	vadd.s32 v2, v57;
	v1 =	vadd.s32 v3, v1;
	v3 =	vadd.s32 v59, v60  }
0xc1: {  	v2 =	vadd.s32 v49, v2;
	[tilespmem:$0x200] =	vst v1;
	v1 =	vadd.s32 v52, v3;
	v3 =	vshll.u32 v53, $0x2  }
.Ltmp3:
0xc2: {  	s23 =	rddreg [dreg:$0x16];
	v63 =	vshll.u32 v56, $0x1;
	[tilespmem:$0x210] =	vst v2;
	v2 =	vadd.s32 v3, v62;
	v3 =	vshll.u32 v55, $0x2;
	(pc) =	sbr.rel .LBB2_4-.Ltmp3, $4  }
0xc3: {  	s8 =	rddreg [dreg:$0x15];
	[tilespmem:$0x220] =	vst v1;
	v1 =	vadd.s32 v58, v2;
	v2 =	vadd.s32 v3, v63  }
0xc4: {  	s9 =	rddreg [dreg:$0x14];
	[tilespmem:$0x230] =	vst v1;
	v1 =	vadd.s32 v61, v2  }
0xc5: {  	s12 =	rddreg [dreg:$0x13];
	[tilespmem:$0x240] =	vst v1  }
0xc6: {  	[tilespmem:s30], [sflag:$0x2] =	stream.indirect.gather [hbm4b:s4+s28], $0x80, s11, s28, $0xb8;
	[tilespmem:$0x19800] =	vst v63  }
.LBB2_20:
0xc7: {  	[tilespmem:s18], [sflag:$0x6] =	stream.linear.gather [hbm4b:s8+s3], $0x50, $0x38;
	[tilespmem:$0x19800] =	vst v63  }
0xc8: {  	_ = 	snop  }
0xc9: {  	[tilespmem:s24], [sflag:$0x6] =	stream.linear.gather [hbm4b:s9+s3], $0x50, $0x38;
	[tilespmem:$0x19800] =	vst v63  }
0xca: {  	_ = 	snop  }
0xcb: {  	[tilespmem:s19], [sflag:$0x6] =	stream.linear.gather [hbm4b:s12+s3], $0x50, $0x38;
	[tilespmem:$0x19800] =	vst v63  }
0xcc: {  	_ = 	snop  }
0xcd: {  	[tilespmem:s25], [sflag:$0x6] =	stream.linear.gather [hbm4b:s23+s3], $0x50, $0x38;
	[tilespmem:$0x19800] =	vst v63  }
.LBB2_22:
0xce: {  	_ =	swait.ge [sflag:s29], $0x50  }
0xcf: {  	[sflag:s29] =	ssyncset.done $0x0  }
0xd0: {  	[sflag:s29] =	ssyncadd.s32 $0xFFFFFFB0  }
0xd1: {  	_ =	swait.ge [sflag:s29], $0x50  }
0xd2: {  	[sflag:s29] =	ssyncset.done $0x0  }
0xd3: {  	[sflag:s29] =	ssyncadd.s32 $0xFFFFFFB0  }
0xd4: {  	_ =	swait.ge [sflag:s29], $0x50  }
0xd5: {  	[sflag:s29] =	ssyncset.done $0x0  }
0xd6: {  	[sflag:s29] =	ssyncadd.s32 $0xFFFFFFB0  }
0xd7: {  	_ =	swait.ge [sflag:s29], $0x50  }
0xd8: {  	[sflag:s29] =	ssyncset.done $0x0  }
0xd9: {  	[sflag:s29] =	ssyncadd.s32 $0xFFFFFFB0  }
0xda: {  	v1 =	vld [tilespmem:$0x200]  }
0xdb: {  	v2 =	vld [tilespmem:$0x280]  }
0xdc: {  	v3 =	vld [tilespmem:$0x300]  }
0xdd: {  	v4 =	vld [tilespmem:$0x210]  }
0xde: {  	v5 =	vld [tilespmem:$0x290]  }
0xdf: {  	v6 =	vld [tilespmem:$0x310]  }
0xe0: {  	v7 =	vld [tilespmem:$0x220]  }
0xe1: {  	v8 =	vld [tilespmem:$0x2A0]  }
0xe2: {  	v9 =	vld [tilespmem:$0x320]  }
0xe3: {  	v11 =	vld [tilespmem:$0x2B0]  }
0xe4: {  	v10 =	vld [tilespmem:$0x230]  }
0xe5: {  	v12 =	vld [tilespmem:$0x240]  }
0xe6: {  	v13 =	vld [tilespmem:$0x2C0];
	v1 =	vshll.u32 v1, $0x2;
	v2 =	vshll.u32 v2, $0x1  }
0xe7: {  	v58 =	vld [tilespmem:$0x330];
	v57 =	vshll.u32 v5, $0x1;
	v59 =	vshll.u32 v7, $0x2;
	v60 =	vshll.u32 v8, $0x1  }
0xe8: {  	v61 =	vld [tilespmem:$0x340];
	v62 =	vshll.u32 v11, $0x1;
	v1 =	vadd.s32 v1, v2;
	v2 =	vshll.u32 v4, $0x2  }
0xe9: {  	v2 =	vadd.s32 v2, v57;
	v1 =	vadd.s32 v3, v1;
	v3 =	vadd.s32 v59, v60  }
0xea: {  	v2 =	vadd.s32 v6, v2;
	[tilespmem:$0x200] =	vst v1;
	v1 =	vadd.s32 v9, v3;
	v3 =	vshll.u32 v10, $0x2  }
0xeb: {  	v63 =	vshll.u32 v13, $0x1;
	[tilespmem:$0x210] =	vst v2;
	v2 =	vadd.s32 v3, v62;
	v3 =	vshll.u32 v12, $0x2  }
0xec: {  	[tilespmem:$0x220] =	vst v1;
	v1 =	vadd.s32 v58, v2;
	v2 =	vadd.s32 v3, v63  }
0xed: {  	[tilespmem:$0x230] =	vst v1;
	v1 =	vadd.s32 v61, v2  }
0xee: {  	[tilespmem:$0x240] =	vst v1  }
0xef: {  	[tilespmem:s30], [sflag:$0x2] =	stream.indirect.gather [hbm4b:s4+s28], $0x80, s11, s28, $0xb8;
	[tilespmem:$0x19800] =	vst v63  }
.LBB2_23:
0xf0: {  	s5 =	sadd.s32 $0x1, s5  }
0xf1: {  	p0 =	sne.s32 s5, $0x7D  }
.Ltmp4:
0xf2: {  	_ = 	snop;
	(pc) =	sbr.rel @!p0 .LBB2_24-.Ltmp4, $3  }
0xf3: {  	_ =	sdelay $0x1  }
0xf4: {  	s12 =	sadd.s32 $0xA, s12  }
0xf5: {  	s9 =	sadd.s32 $0xA, s9;
	s8 =	sadd.s32 $0xA, s8;
	s23 =	sadd.s32 $0xA, s23  }
.LBB2_4:
0xf6: {  	s13 =	sand.u32 $0x3, s5  }
0xf7: {  	p0 =	sgt.s32 s13, $0x1  }
.Ltmp5:
0xf8: {  	_ = 	snop;
	(pc) =	sbr.rel @p0 .LBB2_18-.Ltmp5, $1  }
0xf9: {  	_ =	sdelay $0x3  }
0xfa: {  	p0 =	seq.s32 s13, $0x0  }
.Ltmp6:
0xfb: {  	_ = 	snop;
	(pc) =	sbr.rel @!p0 .LBB2_10-.Ltmp6, $1  }
0xfc: {  	_ =	sdelay $0x3  }
0xfd: {  	_ =	swait.ge [sflag:s31], $0x2800  }
0xfe: {  	p0 =	sgt.u32 s5, $0x78;
	[sflag:s31] =	ssyncset.done $0x0  }
.Ltmp7:
0xff: {  	[sflag:s31] =	ssyncadd.s32 $0xFFFFD800;
	(pc) =	sbr.rel @p0 .LBB2_8-.Ltmp7, $4  }
0x100: {  	[spmem:s2] =	stream.indirect.scatter.add.f32 [tilespmem:s20], [sflag:$0x7], $0x80, s10, s28, $0xb8;
	[tilespmem:$0x19800] =	vst v63  }
0x101: {  	_ =	swait.ge [sflag:s26], $0x2800  }
0x102: {  	[sflag:s26] =	ssyncset.done $0x0  }
0x103: {  	[sflag:s26] =	ssyncadd.s32 $0xFFFFD800  }
0x104: {  	[tilespmem:s3], [sflag:$0x3] =	stream.linear.gather [hbm4b:s8+s3], $0x50, $0x38;
	[tilespmem:$0x19800] =	vst v63  }
0x105: {  	s13 =	simm.s32 $0x80  }
0x106: {  	[tilespmem:s13], [sflag:$0x3] =	stream.linear.gather [hbm4b:s9+s3], $0x50, $0x38;
	[tilespmem:$0x19800] =	vst v63  }
.Ltmp8:
0x107: {  	_ = 	snop;
	(pc) =	sbr.rel .LBB2_9-.Ltmp8, $4  }
0x108: {  	s13 =	simm.s32 $0x100  }
0x109: {  	[tilespmem:s13], [sflag:$0x3] =	stream.linear.gather [hbm4b:s12+s3], $0x50, $0x38;
	[tilespmem:$0x19800] =	vst v63  }
0x10a: {  	_ = 	snop  }
0x10b: {  	[tilespmem:s10], [sflag:$0x3] =	stream.linear.gather [hbm4b:s23+s3], $0x50, $0x38;
	[tilespmem:$0x19800] =	vst v63  }
.LBB2_18:
0x10c: {  	p1 =	seq.s32 s13, $0x2  }
.Ltmp9:
0x10d: {  	_ = 	snop;
	(pc) =	sbr.rel @!p1 .LBB2_19-.Ltmp9, $2  }
0x10e: {  	_ =	sdelay $0x2  }
0x10f: {  	p0 =	sgt.u32 s5, $0x78  }
0x110: {  	_ =	swait.ge [sflag:s31], $0x2800  }
0x111: {  	[sflag:s31] =	ssyncset.done $0x0  }
.Ltmp10:
0x112: {  	[sflag:s31] =	ssyncadd.s32 $0xFFFFD800;
	(pc) =	sbr.rel @p0 .LBB2_16-.Ltmp10, $4  }
0x113: {  	[spmem:s2] =	stream.indirect.scatter.add.f32 [tilespmem:s20], [sflag:$0x7], $0x80, s22, s28, $0xb8;
	[tilespmem:$0x19800] =	vst v63  }
0x114: {  	_ =	swait.ge [sflag:s26], $0x2800  }
0x115: {  	[sflag:s26] =	ssyncset.done $0x0  }
0x116: {  	[sflag:s26] =	ssyncadd.s32 $0xFFFFD800  }
0x117: {  	[tilespmem:s15], [sflag:$0x5] =	stream.linear.gather [hbm4b:s8+s3], $0x50, $0x38;
	[tilespmem:$0x19800] =	vst v63  }
0x118: {  	_ = 	snop  }
0x119: {  	[tilespmem:s16], [sflag:$0x5] =	stream.linear.gather [hbm4b:s9+s3], $0x50, $0x38;
	[tilespmem:$0x19800] =	vst v63  }
.Ltmp11:
0x11a: {  	_ = 	snop;
	(pc) =	sbr.rel .LBB2_17-.Ltmp11, $4  }
0x11b: {  	_ = 	snop  }
0x11c: {  	[tilespmem:s17], [sflag:$0x5] =	stream.linear.gather [hbm4b:s12+s3], $0x50, $0x38;
	[tilespmem:$0x19800] =	vst v63  }
0x11d: {  	_ = 	snop  }
0x11e: {  	[tilespmem:s22], [sflag:$0x5] =	stream.linear.gather [hbm4b:s23+s3], $0x50, $0x38;
	[tilespmem:$0x19800] =	vst v63  }
.LBB2_10:
0x11f: {  	_ =	swait.ge [sflag:s1], $0x2800  }
0x120: {  	p0 =	sgt.u32 s5, $0x78;
	[sflag:s1] =	ssyncset.done $0x0  }
.Ltmp12:
0x121: {  	[sflag:s1] =	ssyncadd.s32 $0xFFFFD800;
	(pc) =	sbr.rel @p0 .LBB2_12-.Ltmp12, $4  }
0x122: {  	[spmem:s2] =	stream.indirect.scatter.add.f32 [tilespmem:s30], [sflag:$0x7], $0x80, s14, s28, $0xb8;
	[tilespmem:$0x19800] =	vst v63  }
0x123: {  	_ =	swait.ge [sflag:s26], $0x2800  }
0x124: {  	[sflag:s26] =	ssyncset.done $0x0  }
0x125: {  	[sflag:s26] =	ssyncadd.s32 $0xFFFFD800  }
0x126: {  	[tilespmem:s11], [sflag:$0x4] =	stream.linear.gather [hbm4b:s8+s3], $0x50, $0x38;
	[tilespmem:$0x19800] =	vst v63  }
0x127: {  	s13 =	simm.s32 $0x280  }
0x128: {  	[tilespmem:s13], [sflag:$0x4] =	stream.linear.gather [hbm4b:s9+s3], $0x50, $0x38;
	[tilespmem:$0x19800] =	vst v63  }
.Ltmp13:
0x129: {  	_ = 	snop;
	(pc) =	sbr.rel .LBB2_13-.Ltmp13, $4  }
0x12a: {  	s13 =	simm.s32 $0x300  }
0x12b: {  	[tilespmem:s13], [sflag:$0x4] =	stream.linear.gather [hbm4b:s12+s3], $0x50, $0x38;
	[tilespmem:$0x19800] =	vst v63  }
0x12c: {  	_ = 	snop  }
0x12d: {  	[tilespmem:s14], [sflag:$0x4] =	stream.linear.gather [hbm4b:s23+s3], $0x50, $0x38;
	[tilespmem:$0x19800] =	vst v63  }
.LBB2_19:
0x12e: {  	_ =	swait.ge [sflag:s1], $0x2800  }
0x12f: {  	[sflag:s1] =	ssyncset.done $0x0  }
.Ltmp14:
0x130: {  	[sflag:s1] =	ssyncadd.s32 $0xFFFFD800;
	(pc) =	sbr.rel @!p0 .LBB2_20-.Ltmp14, $4  }
0x131: {  	[spmem:s2] =	stream.indirect.scatter.add.f32 [tilespmem:s30], [sflag:$0x7], $0x80, s25, s28, $0xb8;
	[tilespmem:$0x19800] =	vst v63  }
0x132: {  	_ =	swait.ge [sflag:s26], $0x2800  }
0x133: {  	[sflag:s26] =	ssyncset.done $0x0  }
0x134: {  	[sflag:s26] =	ssyncadd.s32 $0xFFFFD800  }
0x135: {  	p0 =	sgt.u32 s5, $0x7A  }
.Ltmp15:
0x136: {  	_ = 	snop;
	(pc) =	sbr.rel @p0 .LBB2_23-.Ltmp15, $4  }
.Ltmp16:
0x137: {  	_ = 	snop;
	(pc) =	sbr.rel @!p0 .LBB2_22-.Ltmp16, $4  }
0x138: {  	_ = 	snop  }
0x139: {  	_ = 	snop  }
0x13a: {  	_ = 	snop  }
0x13b: {  	_ = 	snop  }
.LBB2_8:
0x13c: {  	p0 =	sgt.u32 s5, $0x7A  }
.Ltmp17:
0x13d: {  	_ = 	snop;
	(pc) =	sbr.rel @p0 .LBB2_23-.Ltmp17, $1  }
0x13e: {  	_ =	sdelay $0x3  }
.LBB2_9:
0x13f: {  	_ =	swait.ge [sflag:s0], $0x50  }
0x140: {  	[sflag:s0] =	ssyncset.done $0x0  }
0x141: {  	[sflag:s0] =	ssyncadd.s32 $0xFFFFFFB0  }
0x142: {  	_ =	swait.ge [sflag:s0], $0x50  }
0x143: {  	[sflag:s0] =	ssyncset.done $0x0  }
0x144: {  	[sflag:s0] =	ssyncadd.s32 $0xFFFFFFB0  }
0x145: {  	_ =	swait.ge [sflag:s0], $0x50  }
0x146: {  	[sflag:s0] =	ssyncset.done $0x0  }
0x147: {  	[sflag:s0] =	ssyncadd.s32 $0xFFFFFFB0  }
0x148: {  	_ =	swait.ge [sflag:s0], $0x50  }
0x149: {  	[sflag:s0] =	ssyncset.done $0x0  }
0x14a: {  	[sflag:s0] =	ssyncadd.s32 $0xFFFFFFB0  }
0x14b: {  	v1 =	vld [tilespmem:$0x400]  }
0x14c: {  	v2 =	vld [tilespmem:$0x480]  }
0x14d: {  	v3 =	vld [tilespmem:$0x500]  }
0x14e: {  	v4 =	vld [tilespmem:$0x410]  }
0x14f: {  	v5 =	vld [tilespmem:$0x490]  }
0x150: {  	v6 =	vld [tilespmem:$0x510]  }
0x151: {  	v7 =	vld [tilespmem:$0x420]  }
0x152: {  	v8 =	vld [tilespmem:$0x4A0]  }
0x153: {  	v9 =	vld [tilespmem:$0x520]  }
0x154: {  	v11 =	vld [tilespmem:$0x4B0]  }
0x155: {  	v10 =	vld [tilespmem:$0x430]  }
0x156: {  	v12 =	vld [tilespmem:$0x440]  }
0x157: {  	v13 =	vld [tilespmem:$0x4C0];
	v1 =	vshll.u32 v1, $0x2;
	v2 =	vshll.u32 v2, $0x1  }
0x158: {  	v58 =	vld [tilespmem:$0x530];
	v57 =	vshll.u32 v5, $0x1;
	v59 =	vshll.u32 v7, $0x2;
	v60 =	vshll.u32 v8, $0x1  }
0x159: {  	v61 =	vld [tilespmem:$0x540];
	v62 =	vshll.u32 v11, $0x1;
	v1 =	vadd.s32 v1, v2;
	v2 =	vshll.u32 v4, $0x2  }
0x15a: {  	v2 =	vadd.s32 v2, v57;
	v1 =	vadd.s32 v3, v1;
	v3 =	vadd.s32 v59, v60  }
0x15b: {  	v2 =	vadd.s32 v6, v2;
	[tilespmem:$0x400] =	vst v1;
	v1 =	vadd.s32 v9, v3;
	v3 =	vshll.u32 v10, $0x2  }
.Ltmp18:
0x15c: {  	v63 =	vshll.u32 v13, $0x1;
	[tilespmem:$0x410] =	vst v2;
	v2 =	vadd.s32 v3, v62;
	v3 =	vshll.u32 v12, $0x2;
	(pc) =	sbr.rel .LBB2_23-.Ltmp18, $4  }
0x15d: {  	[tilespmem:$0x420] =	vst v1;
	v1 =	vadd.s32 v58, v2;
	v2 =	vadd.s32 v3, v63  }
0x15e: {  	[tilespmem:$0x430] =	vst v1;
	v1 =	vadd.s32 v61, v2  }
0x15f: {  	[tilespmem:$0x440] =	vst v1  }
0x160: {  	[tilespmem:s20], [sflag:$0x1] =	stream.indirect.gather [hbm4b:s4+s28], $0x80, s15, s28, $0xb8;
	[tilespmem:$0x19800] =	vst v63  }
.LBB2_16:
0x161: {  	p0 =	sgt.u32 s5, $0x7A  }
.Ltmp19:
0x162: {  	_ = 	snop;
	(pc) =	sbr.rel @p0 .LBB2_23-.Ltmp19, $1  }
0x163: {  	_ =	sdelay $0x3  }
.LBB2_17:
0x164: {  	_ =	swait.ge [sflag:s21], $0x50  }
0x165: {  	[sflag:s21] =	ssyncset.done $0x0  }
0x166: {  	[sflag:s21] =	ssyncadd.s32 $0xFFFFFFB0  }
0x167: {  	_ =	swait.ge [sflag:s21], $0x50  }
0x168: {  	[sflag:s21] =	ssyncset.done $0x0  }
0x169: {  	[sflag:s21] =	ssyncadd.s32 $0xFFFFFFB0  }
0x16a: {  	_ =	swait.ge [sflag:s21], $0x50  }
0x16b: {  	[sflag:s21] =	ssyncset.done $0x0  }
0x16c: {  	[sflag:s21] =	ssyncadd.s32 $0xFFFFFFB0  }
0x16d: {  	_ =	swait.ge [sflag:s21], $0x50  }
0x16e: {  	[sflag:s21] =	ssyncset.done $0x0  }
0x16f: {  	[sflag:s21] =	ssyncadd.s32 $0xFFFFFFB0  }
0x170: {  	v1 =	vld [tilespmem:$0x0]  }
0x171: {  	v2 =	vld [tilespmem:$0x80]  }
0x172: {  	v3 =	vld [tilespmem:$0x100]  }
0x173: {  	v4 =	vld [tilespmem:$0x10]  }
0x174: {  	v5 =	vld [tilespmem:$0x90]  }
0x175: {  	v6 =	vld [tilespmem:$0x110]  }
0x176: {  	v7 =	vld [tilespmem:$0x20]  }
0x177: {  	v8 =	vld [tilespmem:$0xA0]  }
0x178: {  	v9 =	vld [tilespmem:$0x120]  }
0x179: {  	v11 =	vld [tilespmem:$0xB0]  }
0x17a: {  	v10 =	vld [tilespmem:$0x30]  }
0x17b: {  	v12 =	vld [tilespmem:$0x40]  }
0x17c: {  	v13 =	vld [tilespmem:$0xC0];
	v1 =	vshll.u32 v1, $0x2;
	v2 =	vshll.u32 v2, $0x1  }
0x17d: {  	v58 =	vld [tilespmem:$0x130];
	v57 =	vshll.u32 v5, $0x1;
	v59 =	vshll.u32 v7, $0x2;
	v60 =	vshll.u32 v8, $0x1  }
0x17e: {  	v61 =	vld [tilespmem:$0x140];
	v62 =	vshll.u32 v11, $0x1;
	v1 =	vadd.s32 v1, v2;
	v2 =	vshll.u32 v4, $0x2  }
0x17f: {  	v2 =	vadd.s32 v2, v57;
	v1 =	vadd.s32 v3, v1;
	v3 =	vadd.s32 v59, v60  }
0x180: {  	v2 =	vadd.s32 v6, v2;
	[tilespmem:$0x0] =	vst v1;
	v1 =	vadd.s32 v9, v3;
	v3 =	vshll.u32 v10, $0x2  }
.Ltmp20:
0x181: {  	v63 =	vshll.u32 v13, $0x1;
	[tilespmem:$0x10] =	vst v2;
	v2 =	vadd.s32 v3, v62;
	v3 =	vshll.u32 v12, $0x2;
	(pc) =	sbr.rel .LBB2_23-.Ltmp20, $4  }
0x182: {  	[tilespmem:$0x20] =	vst v1;
	v1 =	vadd.s32 v58, v2;
	v2 =	vadd.s32 v3, v63  }
0x183: {  	[tilespmem:$0x30] =	vst v1;
	v1 =	vadd.s32 v61, v2  }
0x184: {  	[tilespmem:$0x40] =	vst v1  }
0x185: {  	[tilespmem:s20], [sflag:$0x1] =	stream.indirect.gather [hbm4b:s4+s28], $0x80, s3, s28, $0xb8;
	[tilespmem:$0x19800] =	vst v63  }
.LBB2_12:
0x186: {  	p0 =	sgt.u32 s5, $0x7A  }
.Ltmp21:
0x187: {  	_ = 	snop;
	(pc) =	sbr.rel @p0 .LBB2_23-.Ltmp21, $1  }
0x188: {  	_ =	sdelay $0x3  }
.LBB2_13:
0x189: {  	_ =	swait.ge [sflag:s6], $0x50  }
0x18a: {  	[sflag:s6] =	ssyncset.done $0x0  }
0x18b: {  	[sflag:s6] =	ssyncadd.s32 $0xFFFFFFB0  }
0x18c: {  	_ =	swait.ge [sflag:s6], $0x50  }
0x18d: {  	[sflag:s6] =	ssyncset.done $0x0  }
0x18e: {  	[sflag:s6] =	ssyncadd.s32 $0xFFFFFFB0  }
0x18f: {  	_ =	swait.ge [sflag:s6], $0x50  }
0x190: {  	[sflag:s6] =	ssyncset.done $0x0  }
0x191: {  	[sflag:s6] =	ssyncadd.s32 $0xFFFFFFB0  }
0x192: {  	_ =	swait.ge [sflag:s6], $0x50  }
0x193: {  	[sflag:s6] =	ssyncset.done $0x0  }
0x194: {  	[sflag:s6] =	ssyncadd.s32 $0xFFFFFFB0  }
0x195: {  	v1 =	vld [tilespmem:$0x600]  }
0x196: {  	v2 =	vld [tilespmem:$0x680]  }
0x197: {  	v3 =	vld [tilespmem:$0x700]  }
0x198: {  	v4 =	vld [tilespmem:$0x610]  }
0x199: {  	v5 =	vld [tilespmem:$0x690]  }
0x19a: {  	v6 =	vld [tilespmem:$0x710]  }
0x19b: {  	v7 =	vld [tilespmem:$0x620]  }
0x19c: {  	v8 =	vld [tilespmem:$0x6A0]  }
0x19d: {  	v9 =	vld [tilespmem:$0x720]  }
0x19e: {  	v11 =	vld [tilespmem:$0x6B0]  }
0x19f: {  	v10 =	vld [tilespmem:$0x630]  }
0x1a0: {  	v12 =	vld [tilespmem:$0x640]  }
0x1a1: {  	v13 =	vld [tilespmem:$0x6C0];
	v1 =	vshll.u32 v1, $0x2;
	v2 =	vshll.u32 v2, $0x1  }
0x1a2: {  	v58 =	vld [tilespmem:$0x730];
	v57 =	vshll.u32 v5, $0x1;
	v59 =	vshll.u32 v7, $0x2;
	v60 =	vshll.u32 v8, $0x1  }
0x1a3: {  	v61 =	vld [tilespmem:$0x740];
	v62 =	vshll.u32 v11, $0x1;
	v1 =	vadd.s32 v1, v2;
	v2 =	vshll.u32 v4, $0x2  }
0x1a4: {  	v2 =	vadd.s32 v2, v57;
	v1 =	vadd.s32 v3, v1;
	v3 =	vadd.s32 v59, v60  }
0x1a5: {  	v2 =	vadd.s32 v6, v2;
	[tilespmem:$0x600] =	vst v1;
	v1 =	vadd.s32 v9, v3;
	v3 =	vshll.u32 v10, $0x2  }
.Ltmp22:
0x1a6: {  	v63 =	vshll.u32 v13, $0x1;
	[tilespmem:$0x610] =	vst v2;
	v2 =	vadd.s32 v3, v62;
	v3 =	vshll.u32 v12, $0x2;
	(pc) =	sbr.rel .LBB2_23-.Ltmp22, $4  }
0x1a7: {  	[tilespmem:$0x620] =	vst v1;
	v1 =	vadd.s32 v58, v2;
	v2 =	vadd.s32 v3, v63  }
0x1a8: {  	[tilespmem:$0x630] =	vst v1;
	v1 =	vadd.s32 v61, v2  }
0x1a9: {  	[tilespmem:$0x640] =	vst v1  }
0x1aa: {  	[tilespmem:s30], [sflag:$0x2] =	stream.indirect.gather [hbm4b:s4+s28], $0x80, s18, s28, $0xb8;
	[tilespmem:$0x19800] =	vst v63  }
.LBB2_25:
0x1ab: {  	_ =	sfence.sel $0x180000  }
0x1ac: {  	[bflag:$0x0] =	sbarrier.arrive $0xFFFF  }
0x1ad: {  	_ =	strace $0x90000047  }
0x1ae: {  	s0 =	stileid.u32;
	[bflag:$0x2] =	sbarrier.arrive $0xFFFF  }
0x1af: {  	p0 =	sne.s32 s0, $0x0;
	s0 =	rddreg [dreg:$0x5]  }
0x1b0: {  	s0 =	sadd.s32 @!p0 $0x100000, s0  }
0x1b1: {  	[sflag:s0] =	ssyncadd.tile.s32 @!p0 $0x1;
	_ =	shalt  }
.Lfunc_end2:
_tile_overlayer_lowered:
.L_overlay_start_2:
0x1b2: {  	(tag) =	ssettag $0x2  }
0x1b3: {  	s0 =	rddreg [dreg:$0x0];
	s2 =	stileid.u32  }
0x1b4: {  	s1 =	rddreg [dreg:$0x1];
	p0 =	sne.s32 s2, $0x0  }
0x1b5: {  	s3 =	rddreg [dreg:$0x2];
	[bflag:$0x3] =	sbarrier.arrive $0xFFFF;
	s2 =	simm.s32 @!p0 $0x1C07  }
0x1b6: {  	[timem:s3], [sflag:s2] =	dma.local @!p0 [hbm:s0], s1  }
0x1b7: {  	s0 =	simm.s32 @!p0 $0x7  }
0x1b8: {  	_ =	swait.ge @!p0 [sflag:s0], s1  }
0x1b9: {  	s1 =	ssub.s32 @!p0 $0x0, s1;
	[sflag:s0] =	ssyncset.done @!p0 $0x0  }
0x1ba: {  	[sflag:s0] =	ssyncadd.s32 @!p0 s1  }
0x1bb: {  	[bflag:$0x3] =	sbarrier.arrive $0xFFFF  }
0x1bc: {  	_ =	shalt  }

</sc_bundles>
